<compile_context>
chip_gen: v7x
topology: tpu7x:2x2x1
jax: 0.10.2.dev20260603
libtpu: 0.0.44.dev20260713+nightly
codegen_flags: <defaults>
</compile_context>

<pallas_src>
import functools

import jax
import jax.numpy as jnp
from jax import lax
from jax.experimental import pallas as pl
from jax.experimental.pallas import tpu as pltpu
from jax.experimental.pallas import tpu_sc as plsc

_NC = 2
_NS = 16
_LANES = 16

_SC_PARAMS = pltpu.CompilerParams(use_tc_tiling_on_sc=False,
                                  needs_layout_passes=False)


_CHUNK = 128


def _edge_geom(epw: int):
    nch = -(-epw // _CHUNK)
    if nch % 2:
        nch += 1
    full = epw // _CHUNK
    rem = epw - full * _CHUNK
    assert rem % _LANES == 0
    return nch, full, rem


def _pick_zr(rpt: int) -> int:
    for c in range(128, 0, -1):
        if rpt % c == 0:
            return c
    return 1


def _make_sc_edge_pass(n_nodes: int, d: int, n_edges: int, with_cnt: bool):
    assert n_edges % _NS == 0
    epw = n_edges // _NS
    chunk = _CHUNK
    nch, full, rem = _edge_geom(epw)
    assert n_nodes % _NS == 0
    rpt = n_nodes // _NS
    zr = _pick_zr(rpt)
    nz = rpt // zr

    mesh = plsc.VectorSubcoreMesh(
        core_axis_name="c", subcore_axis_name="s",
        num_cores=_NC, num_subcores=_NS)

    out_type = [jax.ShapeDtypeStruct((_NC, n_nodes, d), jnp.bfloat16)]
    scratch = [
        pltpu.VMEM((nch, chunk), jnp.int32),
        pltpu.VMEM((nch, chunk), jnp.int32),
        pltpu.VMEM((chunk, d), jnp.bfloat16),
        pltpu.VMEM((chunk, d), jnp.bfloat16),
        pltpu.VMEM((chunk, d), jnp.bfloat16),
        pltpu.VMEM((chunk, d), jnp.bfloat16),
        pltpu.VMEM((chunk, d), jnp.bfloat16),
        pltpu.VMEM((chunk, d), jnp.bfloat16),
        pltpu.VMEM((zr, d), jnp.bfloat16),
        pltpu.VMEM_SHARED((n_nodes, d), jnp.bfloat16),
        pltpu.SemaphoreType.DMA,
        pltpu.SemaphoreType.DMA,
        pltpu.SemaphoreType.DMA,
        pltpu.SemaphoreType.DMA,
        pltpu.SemaphoreType.DMA,
        pltpu.SemaphoreType.DMA,
    ]
    if with_cnt:
        out_type.append(jax.ShapeDtypeStruct((_NS, n_nodes), jnp.float32))
        scratch.append(pltpu.VMEM((n_nodes,), jnp.float32))

    def body(*refs):
        tables = refs[:4]
        eidx_hbm, s_out = refs[4:6]
        rest = refs[6:]
        if with_cnt:
            c_out, rest = rest[0], rest[1:]
        (didx, sidx, a0, a1, b0, b1, c0, c1, zbuf, acc_sh,
         sga0, sga1, sgb0, sgb1, ss0, ss1) = rest[:16]
        cnt_v = rest[16] if with_cnt else None
        abuf = (a0, a1)
        bbuf = (b0, b1)
        cbuf = (c0, c1)
        sga = (sga0, sga1)
        sgb = (sgb0, sgb1)
        ss = (ss0, ss1)

        cid = lax.axis_index("c")
        sid = lax.axis_index("s")

        cp_di = pltpu.async_copy(eidx_hbm.at[1, sid], didx, sga0)
        cp_si = pltpu.async_copy(eidx_hbm.at[0, sid], sidx, sgb0)

        def zero_rows(r, _):
            for k in range(d // (2 * _LANES)):
                sl = pl.ds(k * 2 * _LANES, 2 * _LANES)
                zbuf[r, sl] = jnp.zeros((2 * _LANES,), jnp.bfloat16)
            return 0
        lax.fori_loop(0, zr, zero_rows, 0)
        for t in range(nz):
            pltpu.sync_copy(zbuf, acc_sh.at[pl.ds(sid * rpt + t * zr, zr)])
        if with_cnt:
            def zero_cnt(i, _):
                cnt_v[pl.ds(i * _LANES, _LANES)] = jnp.zeros((_LANES,), jnp.float32)
                return 0
            lax.fori_loop(0, n_nodes // _LANES, zero_cnt, 0)
        plsc.subcore_barrier()

        def issue_gathers(c, slot):
            di = didx.at[c]
            si = sidx.at[c]

            @pl.when(cid == 0)
            def _():
                pltpu.async_copy(tables[0].at[di], abuf[slot], sga[slot])
                pltpu.async_copy(tables[2].at[si], bbuf[slot], sgb[slot])

            @pl.when(cid != 0)
            def _():
                pltpu.async_copy(tables[1].at[di], abuf[slot], sga[slot])
                pltpu.async_copy(tables[3].at[si], bbuf[slot], sgb[slot])

        def wait_gathers(slot):
            pltpu.make_async_copy(tables[0].at[pl.ds(0, chunk)],
                                  abuf[slot], sga[slot]).wait()
            pltpu.make_async_copy(tables[2].at[pl.ds(0, chunk)],
                                  bbuf[slot], sgb[slot]).wait()

        def wait_scatter(slot):
            pltpu.make_async_copy(cbuf[slot], acc_sh.at[pl.ds(0, chunk)],
                                  ss[slot]).wait()

        cp_di.wait()
        cp_si.wait()
        issue_gathers(0, 0)

        def pair_body(t, _2):
            for b in (0, 1):
                c = 2 * t + b
                if b == 0:
                    issue_gathers(c + 1, 1)
                else:
                    @pl.when(t < nch // 2 - 1)
                    def _():
                        issue_gathers(c + 1, 0)
                wait_gathers(b)
                @pl.when(t > 0)
                def _():
                    wait_scatter(b)
                def row4(r4, _3):
                    base = r4 * 4
                    for rr in range(4):
                        r = base + rr
                        for k in range(d // (2 * _LANES)):
                            sl = pl.ds(k * 2 * _LANES, 2 * _LANES)
                            cbuf[b][r, sl] = jnp.maximum(
                                abuf[b][r, sl] + bbuf[b][r, sl], 0.0)
                    return 0
                lax.fori_loop(0, chunk // 4, row4, 0)

                def zero_crow(r, _3):
                    for k in range(d // (2 * _LANES)):
                        sl = pl.ds(k * 2 * _LANES, 2 * _LANES)
                        cbuf[b][r, sl] = jnp.zeros((2 * _LANES,), jnp.bfloat16)
                    return 0
                if rem:
                    @pl.when(c == full)
                    def _():
                        lax.fori_loop(rem, chunk, zero_crow, 0)

                @pl.when(c > full if rem else c >= full)
                def _():
                    lax.fori_loop(0, chunk, zero_crow, 0)

                pltpu.async_copy(cbuf[b], acc_sh.at[didx.at[c]], ss[b],
                                 add=True)
                if with_cnt:
                    @pl.when((cid == 0) & (c < full))
                    def _():
                        for j in range(chunk // _LANES):
                            idx16 = didx[c, pl.ds(j * _LANES, _LANES)]
                            plsc.addupdate_scatter(
                                cnt_v, [idx16],
                                jnp.ones((_LANES,), jnp.float32))
                    if rem:
                        @pl.when((cid == 0) & (c == full))
                        def _():
                            for j in range(rem // _LANES):
                                idx16 = didx[c, pl.ds(j * _LANES, _LANES)]
                                plsc.addupdate_scatter(
                                    cnt_v, [idx16],
                                    jnp.ones((_LANES,), jnp.float32))
            return 0
        lax.fori_loop(0, nch // 2, pair_body, 0)

        wait_scatter(0)
        wait_scatter(1)
        plsc.subcore_barrier()

        pltpu.sync_copy(acc_sh.at[pl.ds(sid * rpt, rpt)],
                        s_out.at[cid, pl.ds(sid * rpt, rpt)])
        if with_cnt:
            @pl.when(cid == 0)
            def _():
                pltpu.sync_copy(cnt_v, c_out.at[sid])

    return pl.kernel(body, out_type=out_type, mesh=mesh, scratch_types=scratch,
                     compiler_params=_SC_PARAMS)


def _cnt_column(c_ref):
    ones = jnp.ones((_NS, 1), jnp.float32)
    return lax.dot_general(c_ref[...], ones, (((0,), (0,)), ((), ())),
                           preferred_element_type=jnp.float32)


def _proj_body(x_ref, wil_ref, wih_ref, wjl_ref, wjh_ref, bal_ref, bah_ref,
               pil_ref, pih_ref, pjl_ref, pjh_ref):
    xb = x_ref[...]
    pil_ref[...] = (jnp.dot(xb, wil_ref[...], preferred_element_type=jnp.float32)
                    + bal_ref[...]).astype(jnp.bfloat16)
    pih_ref[...] = (jnp.dot(xb, wih_ref[...], preferred_element_type=jnp.float32)
                    + bah_ref[...]).astype(jnp.bfloat16)
    pjl_ref[...] = jnp.dot(
        xb, wjl_ref[...], preferred_element_type=jnp.float32).astype(jnp.bfloat16)
    pjh_ref[...] = jnp.dot(
        xb, wjh_ref[...], preferred_element_type=jnp.float32).astype(jnp.bfloat16)


def _mid_body(s_ref, c_ref, wbl_ref, wbh_ref, bb_ref,
              wil_ref, wih_ref, wjl_ref, wjh_ref, bil_ref, bih_ref,
              qil_ref, qih_ref, qjl_ref, qjh_ref):
    cnt = _cnt_column(c_ref)
    inv = 1.0 / jnp.maximum(cnt, 1.0)
    ind = (cnt > 0.0).astype(jnp.float32)
    s_lo = s_ref[0].astype(jnp.float32)
    s_hi = s_ref[1].astype(jnp.float32)
    h = jnp.maximum(
        jnp.dot(s_lo * inv, wbl_ref[...], preferred_element_type=jnp.float32)
        + jnp.dot(s_hi * inv, wbh_ref[...], preferred_element_type=jnp.float32)
        + ind * bb_ref[...], 0.0)
    qil_ref[...] = (jnp.dot(h, wil_ref[...], preferred_element_type=jnp.float32)
                    + bil_ref[...]).astype(jnp.bfloat16)
    qih_ref[...] = (jnp.dot(h, wih_ref[...], preferred_element_type=jnp.float32)
                    + bih_ref[...]).astype(jnp.bfloat16)
    qjl_ref[...] = jnp.dot(
        h, wjl_ref[...], preferred_element_type=jnp.float32).astype(jnp.bfloat16)
    qjh_ref[...] = jnp.dot(
        h, wjh_ref[...], preferred_element_type=jnp.float32).astype(jnp.bfloat16)


def _final_body(n_nodes, s_ref, c_ref, st_ref, wb2l_ref, wb2h_ref, bb2_ref,
                f1s_ref, f1g_ref, b1_ref, f2_ref, b2_ref,
                wm_ref, bm_ref, wl_ref, bl_ref,
                mean_ref, ls_ref):
    cnt = _cnt_column(c_ref)
    inv = 1.0 / jnp.maximum(cnt, 1.0)
    ind = (cnt > 0.0).astype(jnp.float32)
    scale = 1.0 / n_nodes
    t_lo = jnp.sum(s_ref[0].astype(jnp.float32) * inv, axis=0, keepdims=True) * scale
    t_hi = jnp.sum(s_ref[1].astype(jnp.float32) * inv, axis=0, keepdims=True) * scale
    frac = jnp.sum(ind) * scale
    ge = (jnp.dot(t_lo, wb2l_ref[...], preferred_element_type=jnp.float32)
          + jnp.dot(t_hi, wb2h_ref[...], preferred_element_type=jnp.float32)
          + frac * bb2_ref[...])
    z = jnp.maximum(
        jnp.dot(st_ref[...], f1s_ref[...], preferred_element_type=jnp.float32)
        + jnp.dot(ge, f1g_ref[...], preferred_element_type=jnp.float32)
        + b1_ref[...], 0.0)
    z = jnp.maximum(
        jnp.dot(z, f2_ref[...], preferred_element_type=jnp.float32) + b2_ref[...], 0.0)
    mean_ref[...] = (jnp.dot(z, wm_ref[...], preferred_element_type=jnp.float32)
                     + bm_ref[...])
    ls_ref[...] = jnp.clip(
        jnp.dot(z, wl_ref[...], preferred_element_type=jnp.float32) + bl_ref[...],
        -20.0, 2.0)


def kernel(state, x, edge_index, g1_Wa, g1_ba, g1_Wb, g1_bb,
           g2_Wa, g2_ba, g2_Wb, g2_bb, fc1_W, fc1_b, fc2_W, fc2_b,
           mean_W, mean_b, ls_W, ls_b):
    n, f = x.shape
    hh = g1_Wa.shape[0]
    g = g2_Wa.shape[0]
    e = edge_index.shape[1]

    epw = e // _NS
    nch, _, _ = _edge_geom(epw)
    ei3 = edge_index.astype(jnp.int32).reshape(2, _NS, epw)
    pad = nch * _CHUNK - epw
    if pad:
        ei3 = jnp.pad(ei3, ((0, 0), (0, 0), (0, pad)))
    eidx = ei3.reshape(2, _NS, nch, _CHUNK)
    hh2 = hh // 2
    g2c = g // 2

    wi_t = g1_Wa[:, :f].T
    wj_t = g1_Wa[:, f:].T
    wb1_t = g1_Wb.T
    wa2i_t = g2_Wa[:, :hh].T
    wa2j_t = g2_Wa[:, hh:].T
    wb2_t = g2_Wb.T
    fc1_t, fc2_t = fc1_W.T, fc2_W.T
    mean_t, ls_t = mean_W.T, ls_W.T
    ba1 = g1_ba.reshape(1, hh)
    bb1 = g1_bb.reshape(1, hh)
    ba2 = g2_ba.reshape(1, g)
    bb2 = g2_bb.reshape(1, g)
    b1 = fc1_b.reshape(1, -1)
    b2 = fc2_b.reshape(1, -1)
    bm = mean_b.reshape(1, -1)
    bl = ls_b.reshape(1, -1)

    pshape = jax.ShapeDtypeStruct((n, hh2), jnp.bfloat16)
    pi_lo, pi_hi, pj_lo, pj_hi = pl.pallas_call(
        _proj_body,
        out_shape=[pshape, pshape, pshape, pshape],
    )(x, wi_t[:, :hh2], wi_t[:, hh2:], wj_t[:, :hh2], wj_t[:, hh2:],
      ba1[:, :hh2], ba1[:, hh2:])

    s1p, cntp = _make_sc_edge_pass(n, hh2, e, with_cnt=True)(
        pi_lo, pi_hi, pj_lo, pj_hi, eidx)

    qshape = jax.ShapeDtypeStruct((n, g2c), jnp.bfloat16)
    qi_lo, qi_hi, qj_lo, qj_hi = pl.pallas_call(
        _mid_body,
        out_shape=[qshape, qshape, qshape, qshape],
    )(s1p, cntp, wb1_t[:hh2], wb1_t[hh2:], bb1,
      wa2i_t[:, :g2c], wa2i_t[:, g2c:], wa2j_t[:, :g2c], wa2j_t[:, g2c:],
      ba2[:, :g2c], ba2[:, g2c:])

    (s2p,) = _make_sc_edge_pass(n, g2c, e, with_cnt=False)(
        qi_lo, qi_hi, qj_lo, qj_hi, eidx)

    mean, log_std = pl.pallas_call(
        functools.partial(_final_body, n),
        out_shape=[
            jax.ShapeDtypeStruct((1, mean_t.shape[1]), jnp.float32),
            jax.ShapeDtypeStruct((1, ls_t.shape[1]), jnp.float32),
        ],
    )(s2p, cntp, state, wb2_t[:g2c], wb2_t[g2c:], bb2,
      fc1_t[:f], fc1_t[f:], b1, fc2_t, b2, mean_t, bm, ls_t, bl)

    return (mean, log_std)

# --- scband reference (transcript-rebuilt; emitter-appended) ---
"""Pipeline reference for scband-actor-13125420056615 (READ-ONLY COPY).

The authoritative reference and input builder live on the scoring server;
editing this copy changes nothing except your own understanding.
"""

import jax, jax.numpy as jnp
import numpy as np

STATE_DIM = 128
HIDDEN_DIM = 256
GNN_DIM = 64
ACTION_DIM = 16
N_NODES = 10000
N_EDGES = 320000
BATCH = 1


def _linear_params(key, out_f, in_f):
    k1, k2 = jax.random.split(key)
    W = jax.random.normal(k1, (out_f, in_f), dtype=jnp.float32) * 0.05
    b = jax.random.normal(k2, (out_f,), dtype=jnp.float32) * 0.05
    return W, b


def setup_inputs(seed: int = 0) -> dict:
    key = jax.random.key(seed)
    ks = jax.random.split(key, 12)
    state = jax.random.normal(ks[0], (BATCH, STATE_DIM), dtype=jnp.float32)
    x = jax.random.normal(ks[1], (N_NODES, STATE_DIM), dtype=jnp.float32)
    edge_index = jax.random.randint(ks[2], (2, N_EDGES), 0, N_NODES, dtype=jnp.int64 if jax.config.jax_enable_x64 else jnp.int32)
    # GNN1: mlp Linear(2*state_dim -> hidden_dim//2), ReLU, Linear(hidden_dim//2 -> hidden_dim//2)
    g1_Wa, g1_ba = _linear_params(ks[3], HIDDEN_DIM // 2, STATE_DIM * 2)
    g1_Wb, g1_bb = _linear_params(ks[4], HIDDEN_DIM // 2, HIDDEN_DIM // 2)
    # GNN2: mlp Linear(2*(hidden_dim//2) -> gnn_dim), ReLU, Linear(gnn_dim -> gnn_dim)
    g2_Wa, g2_ba = _linear_params(ks[5], GNN_DIM, (HIDDEN_DIM // 2) * 2)
    g2_Wb, g2_bb = _linear_params(ks[6], GNN_DIM, GNN_DIM)
    fc1_W, fc1_b = _linear_params(ks[7], HIDDEN_DIM, STATE_DIM + GNN_DIM)
    fc2_W, fc2_b = _linear_params(ks[8], HIDDEN_DIM, HIDDEN_DIM)
    mean_W, mean_b = _linear_params(ks[9], ACTION_DIM, HIDDEN_DIM)
    ls_W, ls_b = _linear_params(ks[10], ACTION_DIM, HIDDEN_DIM)
    return {
        "state": state, "x": x, "edge_index": edge_index,
        "g1_Wa": g1_Wa, "g1_ba": g1_ba, "g1_Wb": g1_Wb, "g1_bb": g1_bb,
        "g2_Wa": g2_Wa, "g2_ba": g2_ba, "g2_Wb": g2_Wb, "g2_bb": g2_bb,
        "fc1_W": fc1_W, "fc1_b": fc1_b, "fc2_W": fc2_W, "fc2_b": fc2_b,
        "mean_W": mean_W, "mean_b": mean_b, "ls_W": ls_W, "ls_b": ls_b,
    }


def _gnn_layer(x, edge_index, Wa, ba, Wb, bb):
    src = edge_index[0]
    dst = edge_index[1]
    x_j = jnp.take(x, src, axis=0)  # source (neighbor) features
    x_i = jnp.take(x, dst, axis=0)  # target features
    m = jnp.concatenate([x_i, x_j], axis=-1)
    h = jax.nn.relu(m @ Wa.T + ba)
    h = h @ Wb.T + bb
    n = x.shape[0]
    s = jax.ops.segment_sum(h, dst, num_segments=n)
    cnt = jax.ops.segment_sum(jnp.ones((dst.shape[0],), dtype=h.dtype), dst, num_segments=n)
    return s / jnp.maximum(cnt, 1.0)[:, None]


def reference(state, x, edge_index,
              g1_Wa, g1_ba, g1_Wb, g1_bb,
              g2_Wa, g2_ba, g2_Wb, g2_bb,
              fc1_W, fc1_b, fc2_W, fc2_b,
              mean_W, mean_b, ls_W, ls_b):
    h = jax.nn.relu(_gnn_layer(x, edge_index, g1_Wa, g1_ba, g1_Wb, g1_bb))
    h = _gnn_layer(h, edge_index, g2_Wa, g2_ba, g2_Wb, g2_bb)
    graph_embed = jnp.mean(h, axis=0, keepdims=True)  # [1, gnn_dim]
    z = jnp.concatenate([state, graph_embed], axis=-1)  # batch must be 1 (as in torch)
    z = jax.nn.relu(z @ fc1_W.T + fc1_b)
    z = jax.nn.relu(z @ fc2_W.T + fc2_b)
    mean = z @ mean_W.T + mean_b
    log_std = jnp.clip(z @ ls_W.T + ls_b, -20.0, 2.0)
    return (mean, log_std)

if __name__ == "__main__":
    import jax
    _d = setup_inputs()
    print(jax.jit(kernel)(*tuple(_d.values())))

</pallas_src>

<mosaic_0001>
#map = affine_map<(d0, d1) -> (0, 0)>
#map1 = affine_map<(d0, d1) -> (0, 0, 0, 0)>
#map2 = affine_map<(d0, d1) -> (0, 0, 0)>
module attributes {stable_mosaic.version = 14 : i64} {
  func.func @body(%arg0: i32, %arg1: i32, %arg2: memref<10000x64xbf16, #tpu.memory_space<hbm>>, %arg3: memref<10000x64xbf16, #tpu.memory_space<hbm>>, %arg4: memref<10000x64xbf16, #tpu.memory_space<hbm>>, %arg5: memref<10000x64xbf16, #tpu.memory_space<hbm>>, %arg6: memref<2x16x158x128xi32, #tpu.memory_space<hbm>>, %arg7: memref<2x10000x64xbf16, #tpu.memory_space<hbm>>, %arg8: memref<16x10000xf32, #tpu.memory_space<hbm>>, %arg9: memref<158x128xi32, #tpu.memory_space<vmem>>, %arg10: memref<158x128xi32, #tpu.memory_space<vmem>>, %arg11: memref<128x64xbf16, #tpu.memory_space<vmem>>, %arg12: memref<128x64xbf16, #tpu.memory_space<vmem>>, %arg13: memref<128x64xbf16, #tpu.memory_space<vmem>>, %arg14: memref<128x64xbf16, #tpu.memory_space<vmem>>, %arg15: memref<128x64xbf16, #tpu.memory_space<vmem>>, %arg16: memref<128x64xbf16, #tpu.memory_space<vmem>>, %arg17: memref<125x64xbf16, #tpu.memory_space<vmem>>, %arg18: memref<10000x64xbf16, #tpu.memory_space<vmem_shared>>, %arg19: memref<!tpu.dma_semaphore, #tpu.memory_space<semaphore_mem>>, %arg20: memref<!tpu.dma_semaphore, #tpu.memory_space<semaphore_mem>>, %arg21: memref<!tpu.dma_semaphore, #tpu.memory_space<semaphore_mem>>, %arg22: memref<!tpu.dma_semaphore, #tpu.memory_space<semaphore_mem>>, %arg23: memref<!tpu.dma_semaphore, #tpu.memory_space<semaphore_mem>>, %arg24: memref<!tpu.dma_semaphore, #tpu.memory_space<semaphore_mem>>, %arg25: memref<10000xf32, #tpu.memory_space<vmem>>) attributes {dimension_semantics = [#tpu.dimension_semantics<core_parallel>, #tpu.dimension_semantics<subcore_parallel>], iteration_bounds = array<i64: 2, 16>, scalar_prefetch = 0 : i64, scratch_operands = 17 : i64, tpu.core_type = #tpu.core_type<sc_vector_subcore>, window_params = [{transform_indices = #map}, {transform_indices = #map}, {transform_indices = #map}, {transform_indices = #map}, {transform_indices = #map1}, {transform_indices = #map2}, {transform_indices = #map}]} {
    %dma_start3A = arith.constant 1 : i32
    %dma_start3A_0 = arith.constant 0 : i32
    %dma_start3A_1 = arith.constant 0 : i32
    %dma_start3A_2 = tpu.memref_slice %arg6[%dma_start3A, %arg1, %dma_start3A_0, %dma_start3A_1] : memref<2x16x158x128xi32, #tpu.memory_space<hbm>> -> memref<1x1x158x128xi32, #tpu.memory_space<hbm>>
    %dma_start3A_3 = tpu.memref_squeeze %dma_start3A_2 : memref<1x1x158x128xi32, #tpu.memory_space<hbm>> -> memref<158x128xi32, #tpu.memory_space<hbm>>
    %dma_start3A_4 = arith.constant 0 : i32
    %dma_start3A_5 = arith.constant 0 : i32
    %dma_start3A_6 = tpu.memref_slice %arg6[%dma_start3A, %arg1, %dma_start3A_4, %dma_start3A_5] : memref<2x16x158x128xi32, #tpu.memory_space<hbm>> -> memref<1x1x158x128xi32, #tpu.memory_space<hbm>>
    %dma_start3A_7 = tpu.memref_squeeze %dma_start3A_6 : memref<1x1x158x128xi32, #tpu.memory_space<hbm>> -> memref<158x128xi32, #tpu.memory_space<hbm>>
    tpu.enqueue_dma source(%dma_start3A_7 : memref<158x128xi32, #tpu.memory_space<hbm>>) target(%arg9 : memref<158x128xi32, #tpu.memory_space<vmem>>) target_semaphore(%arg19 : memref<!tpu.dma_semaphore, #tpu.memory_space<semaphore_mem>>)
    %dma_start3A_8 = arith.constant 0 : i32
    %dma_start3A_9 = arith.constant 0 : i32
    %dma_start3A_10 = arith.constant 0 : i32
    %dma_start3A_11 = tpu.memref_slice %arg6[%dma_start3A_8, %arg1, %dma_start3A_9, %dma_start3A_10] : memref<2x16x158x128xi32, #tpu.memory_space<hbm>> -> memref<1x1x158x128xi32, #tpu.memory_space<hbm>>
    %dma_start3A_12 = tpu.memref_squeeze %dma_start3A_11 : memref<1x1x158x128xi32, #tpu.memory_space<hbm>> -> memref<158x128xi32, #tpu.memory_space<hbm>>
    %dma_start3A_13 = arith.constant 0 : i32
    %dma_start3A_14 = arith.constant 0 : i32
    %dma_start3A_15 = tpu.memref_slice %arg6[%dma_start3A_8, %arg1, %dma_start3A_13, %dma_start3A_14] : memref<2x16x158x128xi32, #tpu.memory_space<hbm>> -> memref<1x1x158x128xi32, #tpu.memory_space<hbm>>
    %dma_start3A_16 = tpu.memref_squeeze %dma_start3A_15 : memref<1x1x158x128xi32, #tpu.memory_space<hbm>> -> memref<158x128xi32, #tpu.memory_space<hbm>>
    tpu.enqueue_dma source(%dma_start3A_16 : memref<158x128xi32, #tpu.memory_space<hbm>>) target(%arg10 : memref<158x128xi32, #tpu.memory_space<vmem>>) target_semaphore(%arg21 : memref<!tpu.dma_semaphore, #tpu.memory_space<semaphore_mem>>)
    %scan3A = arith.constant 0 : i32
    %scan3A_17 = arith.constant 0 : i32
    %scan3A_18 = arith.constant 125 : i32
    %scan3A_19 = arith.addi %scan3A_17, %scan3A_18 : i32
    %scan3A_20 = arith.constant 1 : i32
    %scan3A_21 = scf.for %scan3A_104 = %scan3A_17 to %scan3A_19 step %scan3A_20 iter_args(%scan3A_105 = %scan3A) -> (i32)  : i32 {
      %broadcast_in_dim3A = arith.constant 0.000000e+00 : bf16
      %broadcast_in_dim3A_106 = vector.broadcast %broadcast_in_dim3A : bf16 to vector<32xbf16>
      %swap3A = arith.index_cast %scan3A_104 : i32 to index
      %swap3A_107 = arith.constant 0 : index
      %swap3A_108 = tpu.vector_load %arg17[%swap3A, %swap3A_107] {strides = array<i32>} : memref<125x64xbf16, #tpu.memory_space<vmem>>, vector<32xbf16>,
      tpu.vector_store %arg17[%swap3A, %swap3A_107], %broadcast_in_dim3A_106 {strides = array<i32>} : memref<125x64xbf16, #tpu.memory_space<vmem>>, vector<32xbf16>,
      %broadcast_in_dim3A_109 = arith.constant 0.000000e+00 : bf16
      %broadcast_in_dim3A_110 = vector.broadcast %broadcast_in_dim3A_109 : bf16 to vector<32xbf16>
      %swap3A_111 = arith.index_cast %scan3A_104 : i32 to index
      %swap3A_112 = arith.constant 32 : index
      %swap3A_113 = tpu.vector_load %arg17[%swap3A_111, %swap3A_112] {strides = array<i32>} : memref<125x64xbf16, #tpu.memory_space<vmem>>, vector<32xbf16>,
      tpu.vector_store %arg17[%swap3A_111, %swap3A_112], %broadcast_in_dim3A_110 {strides = array<i32>} : memref<125x64xbf16, #tpu.memory_space<vmem>>, vector<32xbf16>,
      %scan3A_114 = arith.constant 0 : i32
      scf.yield %scan3A_114 : i32
    }
    %scan3A_22 = arith.constant 125 : i32
    %mul3A = arith.constant 625 : i32
    %mul3A_23 = arith.muli %arg1, %mul3A : i32
    %add3A = arith.constant 0 : i32
    %add3A_24 = arith.addi %mul3A_23, %add3A : i32
    "tpu.region"() ({
      %run_scoped3A = tpu.sem_alloc : memref<!tpu.dma_semaphore, #tpu.memory_space<semaphore_mem>>
      %dma_start3A_104 = arith.constant 0 : i32
      %dma_start3A_105 = tpu.memref_slice %arg18[%add3A_24, %dma_start3A_104] : memref<10000x64xbf16, #tpu.memory_space<vmem_shared>> -> memref<125x64xbf16, #tpu.memory_space<vmem_shared>>
      %dma_start3A_106 = arith.constant 0 : i32
      %dma_start3A_107 = tpu.memref_slice %arg18[%add3A_24, %dma_start3A_106] : memref<10000x64xbf16, #tpu.memory_space<vmem_shared>> -> memref<125x64xbf16, #tpu.memory_space<vmem_shared>>
      tpu.enqueue_dma source(%arg17 : memref<125x64xbf16, #tpu.memory_space<vmem>>) target(%dma_start3A_107 : memref<125x64xbf16, #tpu.memory_space<vmem_shared>>) target_semaphore(%run_scoped3A : memref<!tpu.dma_semaphore, #tpu.memory_space<semaphore_mem>>)
      %dma_wait3A_108 = arith.constant 0 : i32
      %dma_wait3A_109 = tpu.memref_slice %arg18[%add3A_24, %dma_wait3A_108] : memref<10000x64xbf16, #tpu.memory_space<vmem_shared>> -> memref<125x64xbf16, #tpu.memory_space<vmem_shared>>
      %dma_wait3A_110 = arith.constant 0 : i32
      %dma_wait3A_111 = tpu.memref_slice %arg18[%add3A_24, %dma_wait3A_110] : memref<10000x64xbf16, #tpu.memory_space<vmem_shared>> -> memref<125x64xbf16, #tpu.memory_space<vmem_shared>>
      tpu.wait_dma2 semaphore(%run_scoped3A : memref<!tpu.dma_semaphore, #tpu.memory_space<semaphore_mem>>) src(%arg17 : memref<125x64xbf16, #tpu.memory_space<vmem>>) dst(%dma_wait3A_111 : memref<125x64xbf16, #tpu.memory_space<vmem_shared>>)
      tpu.yield
    }) : () -> ()
    %mul3A_25 = arith.constant 625 : i32
    %mul3A_26 = arith.muli %arg1, %mul3A_25 : i32
    %add3A_27 = arith.constant 125 : i32
    %add3A_28 = arith.addi %mul3A_26, %add3A_27 : i32
    "tpu.region"() ({
      %run_scoped3A = tpu.sem_alloc : memref<!tpu.dma_semaphore, #tpu.memory_space<semaphore_mem>>
      %dma_start3A_104 = arith.constant 0 : i32
      %dma_start3A_105 = tpu.memref_slice %arg18[%add3A_28, %dma_start3A_104] : memref<10000x64xbf16, #tpu.memory_space<vmem_shared>> -> memref<125x64xbf16, #tpu.memory_space<vmem_shared>>
      %dma_start3A_106 = arith.constant 0 : i32
      %dma_start3A_107 = tpu.memref_slice %arg18[%add3A_28, %dma_start3A_106] : memref<10000x64xbf16, #tpu.memory_space<vmem_shared>> -> memref<125x64xbf16, #tpu.memory_space<vmem_shared>>
      tpu.enqueue_dma source(%arg17 : memref<125x64xbf16, #tpu.memory_space<vmem>>) target(%dma_start3A_107 : memref<125x64xbf16, #tpu.memory_space<vmem_shared>>) target_semaphore(%run_scoped3A : memref<!tpu.dma_semaphore, #tpu.memory_space<semaphore_mem>>)
      %dma_wait3A_108 = arith.constant 0 : i32
      %dma_wait3A_109 = tpu.memref_slice %arg18[%add3A_28, %dma_wait3A_108] : memref<10000x64xbf16, #tpu.memory_space<vmem_shared>> -> memref<125x64xbf16, #tpu.memory_space<vmem_shared>>
      %dma_wait3A_110 = arith.constant 0 : i32
      %dma_wait3A_111 = tpu.memref_slice %arg18[%add3A_28, %dma_wait3A_110] : memref<10000x64xbf16, #tpu.memory_space<vmem_shared>> -> memref<125x64xbf16, #tpu.memory_space<vmem_shared>>
      tpu.wait_dma2 semaphore(%run_scoped3A : memref<!tpu.dma_semaphore, #tpu.memory_space<semaphore_mem>>) src(%arg17 : memref<125x64xbf16, #tpu.memory_space<vmem>>) dst(%dma_wait3A_111 : memref<125x64xbf16, #tpu.memory_space<vmem_shared>>)
      tpu.yield
    }) : () -> ()
    %mul3A_29 = arith.constant 625 : i32
    %mul3A_30 = arith.muli %arg1, %mul3A_29 : i32
    %add3A_31 = arith.constant 250 : i32
    %add3A_32 = arith.addi %mul3A_30, %add3A_31 : i32
    "tpu.region"() ({
      %run_scoped3A = tpu.sem_alloc : memref<!tpu.dma_semaphore, #tpu.memory_space<semaphore_mem>>
      %dma_start3A_104 = arith.constant 0 : i32
      %dma_start3A_105 = tpu.memref_slice %arg18[%add3A_32, %dma_start3A_104] : memref<10000x64xbf16, #tpu.memory_space<vmem_shared>> -> memref<125x64xbf16, #tpu.memory_space<vmem_shared>>
      %dma_start3A_106 = arith.constant 0 : i32
      %dma_start3A_107 = tpu.memref_slice %arg18[%add3A_32, %dma_start3A_106] : memref<10000x64xbf16, #tpu.memory_space<vmem_shared>> -> memref<125x64xbf16, #tpu.memory_space<vmem_shared>>
      tpu.enqueue_dma source(%arg17 : memref<125x64xbf16, #tpu.memory_space<vmem>>) target(%dma_start3A_107 : memref<125x64xbf16, #tpu.memory_space<vmem_shared>>) target_semaphore(%run_scoped3A : memref<!tpu.dma_semaphore, #tpu.memory_space<semaphore_mem>>)
      %dma_wait3A_108 = arith.constant 0 : i32
      %dma_wait3A_109 = tpu.memref_slice %arg18[%add3A_32, %dma_wait3A_108] : memref<10000x64xbf16, #tpu.memory_space<vmem_shared>> -> memref<125x64xbf16, #tpu.memory_space<vmem_shared>>
      %dma_wait3A_110 = arith.constant 0 : i32
      %dma_wait3A_111 = tpu.memref_slice %arg18[%add3A_32, %dma_wait3A_110] : memref<10000x64xbf16, #tpu.memory_space<vmem_shared>> -> memref<125x64xbf16, #tpu.memory_space<vmem_shared>>
      tpu.wait_dma2 semaphore(%run_scoped3A : memref<!tpu.dma_semaphore, #tpu.memory_space<semaphore_mem>>) src(%arg17 : memref<125x64xbf16, #tpu.memory_space<vmem>>) dst(%dma_wait3A_111 : memref<125x64xbf16, #tpu.memory_space<vmem_shared>>)
      tpu.yield
    }) : () -> ()
    %mul3A_33 = arith.constant 625 : i32
    %mul3A_34 = arith.muli %arg1, %mul3A_33 : i32
    %add3A_35 = arith.constant 375 : i32
    %add3A_36 = arith.addi %mul3A_34, %add3A_35 : i32
    "tpu.region"() ({
      %run_scoped3A = tpu.sem_alloc : memref<!tpu.dma_semaphore, #tpu.memory_space<semaphore_mem>>
      %dma_start3A_104 = arith.constant 0 : i32
      %dma_start3A_105 = tpu.memref_slice %arg18[%add3A_36, %dma_start3A_104] : memref<10000x64xbf16, #tpu.memory_space<vmem_shared>> -> memref<125x64xbf16, #tpu.memory_space<vmem_shared>>
      %dma_start3A_106 = arith.constant 0 : i32
      %dma_start3A_107 = tpu.memref_slice %arg18[%add3A_36, %dma_start3A_106] : memref<10000x64xbf16, #tpu.memory_space<vmem_shared>> -> memref<125x64xbf16, #tpu.memory_space<vmem_shared>>
      tpu.enqueue_dma source(%arg17 : memref<125x64xbf16, #tpu.memory_space<vmem>>) target(%dma_start3A_107 : memref<125x64xbf16, #tpu.memory_space<vmem_shared>>) target_semaphore(%run_scoped3A : memref<!tpu.dma_semaphore, #tpu.memory_space<semaphore_mem>>)
      %dma_wait3A_108 = arith.constant 0 : i32
      %dma_wait3A_109 = tpu.memref_slice %arg18[%add3A_36, %dma_wait3A_108] : memref<10000x64xbf16, #tpu.memory_space<vmem_shared>> -> memref<125x64xbf16, #tpu.memory_space<vmem_shared>>
      %dma_wait3A_110 = arith.constant 0 : i32
      %dma_wait3A_111 = tpu.memref_slice %arg18[%add3A_36, %dma_wait3A_110] : memref<10000x64xbf16, #tpu.memory_space<vmem_shared>> -> memref<125x64xbf16, #tpu.memory_space<vmem_shared>>
      tpu.wait_dma2 semaphore(%run_scoped3A : memref<!tpu.dma_semaphore, #tpu.memory_space<semaphore_mem>>) src(%arg17 : memref<125x64xbf16, #tpu.memory_space<vmem>>) dst(%dma_wait3A_111 : memref<125x64xbf16, #tpu.memory_space<vmem_shared>>)
      tpu.yield
    }) : () -> ()
    %mul3A_37 = arith.constant 625 : i32
    %mul3A_38 = arith.muli %arg1, %mul3A_37 : i32
    %add3A_39 = arith.constant 500 : i32
    %add3A_40 = arith.addi %mul3A_38, %add3A_39 : i32
    "tpu.region"() ({
      %run_scoped3A = tpu.sem_alloc : memref<!tpu.dma_semaphore, #tpu.memory_space<semaphore_mem>>
      %dma_start3A_104 = arith.constant 0 : i32
      %dma_start3A_105 = tpu.memref_slice %arg18[%add3A_40, %dma_start3A_104] : memref<10000x64xbf16, #tpu.memory_space<vmem_shared>> -> memref<125x64xbf16, #tpu.memory_space<vmem_shared>>
      %dma_start3A_106 = arith.constant 0 : i32
      %dma_start3A_107 = tpu.memref_slice %arg18[%add3A_40, %dma_start3A_106] : memref<10000x64xbf16, #tpu.memory_space<vmem_shared>> -> memref<125x64xbf16, #tpu.memory_space<vmem_shared>>
      tpu.enqueue_dma source(%arg17 : memref<125x64xbf16, #tpu.memory_space<vmem>>) target(%dma_start3A_107 : memref<125x64xbf16, #tpu.memory_space<vmem_shared>>) target_semaphore(%run_scoped3A : memref<!tpu.dma_semaphore, #tpu.memory_space<semaphore_mem>>)
      %dma_wait3A_108 = arith.constant 0 : i32
      %dma_wait3A_109 = tpu.memref_slice %arg18[%add3A_40, %dma_wait3A_108] : memref<10000x64xbf16, #tpu.memory_space<vmem_shared>> -> memref<125x64xbf16, #tpu.memory_space<vmem_shared>>
      %dma_wait3A_110 = arith.constant 0 : i32
      %dma_wait3A_111 = tpu.memref_slice %arg18[%add3A_40, %dma_wait3A_110] : memref<10000x64xbf16, #tpu.memory_space<vmem_shared>> -> memref<125x64xbf16, #tpu.memory_space<vmem_shared>>
      tpu.wait_dma2 semaphore(%run_scoped3A : memref<!tpu.dma_semaphore, #tpu.memory_space<semaphore_mem>>) src(%arg17 : memref<125x64xbf16, #tpu.memory_space<vmem>>) dst(%dma_wait3A_111 : memref<125x64xbf16, #tpu.memory_space<vmem_shared>>)
      tpu.yield
    }) : () -> ()
    %scan3A_41 = arith.constant 0 : i32
    %scan3A_42 = arith.constant 0 : i32
    %scan3A_43 = arith.constant 625 : i32
    %scan3A_44 = arith.addi %scan3A_42, %scan3A_43 : i32
    %scan3A_45 = arith.constant 1 : i32
    %scan3A_46 = scf.for %scan3A_104 = %scan3A_42 to %scan3A_44 step %scan3A_45 iter_args(%scan3A_105 = %scan3A_41) -> (i32)  : i32 {
      %broadcast_in_dim3A = arith.constant 0.000000e+00 : f32
      %broadcast_in_dim3A_106 = vector.broadcast %broadcast_in_dim3A : f32 to vector<16xf32>
      %mul3A_107 = arith.constant 16 : i32
      %mul3A_108 = arith.muli %scan3A_104, %mul3A_107 : i32
      %swap3A = arith.index_cast %mul3A_108 : i32 to index
      %swap3A_109 = tpu.vector_load %arg25[%swap3A] {strides = array<i32>} : memref<10000xf32, #tpu.memory_space<vmem>>, vector<16xf32>,
      tpu.vector_store %arg25[%swap3A], %broadcast_in_dim3A_106 {strides = array<i32>} : memref<10000xf32, #tpu.memory_space<vmem>>, vector<16xf32>,
      %scan3A_110 = arith.constant 0 : i32
      scf.yield %scan3A_110 : i32
    }
    %scan3A_47 = arith.constant 625 : i32
    %barrier3A = arith.constant 0 : index
    tpu.barrier barrier_id(%barrier3A)
    %dma_wait3A = arith.constant 1 : i32
    %dma_wait3A_48 = arith.constant 0 : i32
    %dma_wait3A_49 = arith.constant 0 : i32
    %dma_wait3A_50 = tpu.memref_slice %arg6[%dma_wait3A, %arg1, %dma_wait3A_48, %dma_wait3A_49] : memref<2x16x158x128xi32, #tpu.memory_space<hbm>> -> memref<1x1x158x128xi32, #tpu.memory_space<hbm>>
    %dma_wait3A_51 = tpu.memref_squeeze %dma_wait3A_50 : memref<1x1x158x128xi32, #tpu.memory_space<hbm>> -> memref<158x128xi32, #tpu.memory_space<hbm>>
    %dma_wait3A_52 = arith.constant 0 : i32
    %dma_wait3A_53 = arith.constant 0 : i32
    %dma_wait3A_54 = tpu.memref_slice %arg6[%dma_wait3A, %arg1, %dma_wait3A_52, %dma_wait3A_53] : memref<2x16x158x128xi32, #tpu.memory_space<hbm>> -> memref<1x1x158x128xi32, #tpu.memory_space<hbm>>
    %dma_wait3A_55 = tpu.memref_squeeze %dma_wait3A_54 : memref<1x1x158x128xi32, #tpu.memory_space<hbm>> -> memref<158x128xi32, #tpu.memory_space<hbm>>
    tpu.wait_dma2 semaphore(%arg19 : memref<!tpu.dma_semaphore, #tpu.memory_space<semaphore_mem>>) src(%dma_wait3A_55 : memref<158x128xi32, #tpu.memory_space<hbm>>) dst(%arg9 : memref<158x128xi32, #tpu.memory_space<vmem>>)
    %dma_wait3A_56 = arith.constant 0 : i32
    %dma_wait3A_57 = arith.constant 0 : i32
    %dma_wait3A_58 = arith.constant 0 : i32
    %dma_wait3A_59 = tpu.memref_slice %arg6[%dma_wait3A_56, %arg1, %dma_wait3A_57, %dma_wait3A_58] : memref<2x16x158x128xi32, #tpu.memory_space<hbm>> -> memref<1x1x158x128xi32, #tpu.memory_space<hbm>>
    %dma_wait3A_60 = tpu.memref_squeeze %dma_wait3A_59 : memref<1x1x158x128xi32, #tpu.memory_space<hbm>> -> memref<158x128xi32, #tpu.memory_space<hbm>>
    %dma_wait3A_61 = arith.constant 0 : i32
    %dma_wait3A_62 = arith.constant 0 : i32
    %dma_wait3A_63 = tpu.memref_slice %arg6[%dma_wait3A_56, %arg1, %dma_wait3A_61, %dma_wait3A_62] : memref<2x16x158x128xi32, #tpu.memory_space<hbm>> -> memref<1x1x158x128xi32, #tpu.memory_space<hbm>>
    %dma_wait3A_64 = tpu.memref_squeeze %dma_wait3A_63 : memref<1x1x158x128xi32, #tpu.memory_space<hbm>> -> memref<158x128xi32, #tpu.memory_space<hbm>>
    tpu.wait_dma2 semaphore(%arg21 : memref<!tpu.dma_semaphore, #tpu.memory_space<semaphore_mem>>) src(%dma_wait3A_64 : memref<158x128xi32, #tpu.memory_space<hbm>>) dst(%arg10 : memref<158x128xi32, #tpu.memory_space<vmem>>)
    %eq3A = arith.constant 0 : i32
    %eq3A_65 = arith.cmpi eq, %arg0, %eq3A : i32
    %convert_element_type3A = arith.extui %eq3A_65 : i1 to i32
    %cond3A = arith.constant 0 : i32
    %cond3A_66 = arith.constant 0 : i32
    %cond3A_67 = arith.constant 0 : i32
    %cond3A_68 = arith.cmpi ne, %convert_element_type3A, %cond3A_67 : i32
    scf.if %cond3A_68 {
      %dma_start3A_104 = arith.constant 0 : i32
      %dma_start3A_105 = tpu.memref_slice %arg9[%cond3A, %dma_start3A_104] : memref<158x128xi32, #tpu.memory_space<vmem>> -> memref<1x128xi32, #tpu.memory_space<vmem>>
      %dma_start3A_106 = tpu.memref_squeeze %dma_start3A_105 : memref<1x128xi32, #tpu.memory_space<vmem>> -> memref<128xi32, #tpu.memory_space<vmem>>
      %dma_start3A_107 = arith.constant 0 : i32
      %dma_start3A_108 = arith.constant 0 : i32
      %dma_start3A_109 = tpu.memref_slice %arg2[%dma_start3A_107, %dma_start3A_108] : memref<10000x64xbf16, #tpu.memory_space<hbm>> -> memref<10000x64xbf16, #tpu.memory_space<hbm>>
      tpu.enqueue_indirect_dma source(%dma_start3A_109 : memref<10000x64xbf16, #tpu.memory_space<hbm>>) target(%arg11 : memref<128x64xbf16, #tpu.memory_space<vmem>>) offsets(%dma_start3A_106 : memref<128xi32, #tpu.memory_space<vmem>>) semaphore(%arg19 : memref<!tpu.dma_semaphore, #tpu.memory_space<semaphore_mem>>)
      %dma_start3A_110 = arith.constant 0 : i32
      %dma_start3A_111 = tpu.memref_slice %arg10[%cond3A_66, %dma_start3A_110] : memref<158x128xi32, #tpu.memory_space<vmem>> -> memref<1x128xi32, #tpu.memory_space<vmem>>
      %dma_start3A_112 = tpu.memref_squeeze %dma_start3A_111 : memref<1x128xi32, #tpu.memory_space<vmem>> -> memref<128xi32, #tpu.memory_space<vmem>>
      %dma_start3A_113 = arith.constant 0 : i32
      %dma_start3A_114 = arith.constant 0 : i32
      %dma_start3A_115 = tpu.memref_slice %arg4[%dma_start3A_113, %dma_start3A_114] : memref<10000x64xbf16, #tpu.memory_space<hbm>> -> memref<10000x64xbf16, #tpu.memory_space<hbm>>
      tpu.enqueue_indirect_dma source(%dma_start3A_115 : memref<10000x64xbf16, #tpu.memory_space<hbm>>) target(%arg13 : memref<128x64xbf16, #tpu.memory_space<vmem>>) offsets(%dma_start3A_112 : memref<128xi32, #tpu.memory_space<vmem>>) semaphore(%arg21 : memref<!tpu.dma_semaphore, #tpu.memory_space<semaphore_mem>>)
    } else {
    }
    %ne3A = arith.constant 0 : i32
    %ne3A_69 = arith.cmpi ne, %arg0, %ne3A : i32
    %convert_element_type3A_70 = arith.extui %ne3A_69 : i1 to i32
    %cond3A_71 = arith.constant 0 : i32
    %cond3A_72 = arith.constant 0 : i32
    %cond3A_73 = arith.constant 0 : i32
    %cond3A_74 = arith.cmpi ne, %convert_element_type3A_70, %cond3A_73 : i32
    scf.if %cond3A_74 {
      %dma_start3A_104 = arith.constant 0 : i32
      %dma_start3A_105 = tpu.memref_slice %arg9[%cond3A_71, %dma_start3A_104] : memref<158x128xi32, #tpu.memory_space<vmem>> -> memref<1x128xi32, #tpu.memory_space<vmem>>
      %dma_start3A_106 = tpu.memref_squeeze %dma_start3A_105 : memref<1x128xi32, #tpu.memory_space<vmem>> -> memref<128xi32, #tpu.memory_space<vmem>>
      %dma_start3A_107 = arith.constant 0 : i32
      %dma_start3A_108 = arith.constant 0 : i32
      %dma_start3A_109 = tpu.memref_slice %arg3[%dma_start3A_107, %dma_start3A_108] : memref<10000x64xbf16, #tpu.memory_space<hbm>> -> memref<10000x64xbf16, #tpu.memory_space<hbm>>
      tpu.enqueue_indirect_dma source(%dma_start3A_109 : memref<10000x64xbf16, #tpu.memory_space<hbm>>) target(%arg11 : memref<128x64xbf16, #tpu.memory_space<vmem>>) offsets(%dma_start3A_106 : memref<128xi32, #tpu.memory_space<vmem>>) semaphore(%arg19 : memref<!tpu.dma_semaphore, #tpu.memory_space<semaphore_mem>>)
      %dma_start3A_110 = arith.constant 0 : i32
      %dma_start3A_111 = tpu.memref_slice %arg10[%cond3A_72, %dma_start3A_110] : memref<158x128xi32, #tpu.memory_space<vmem>> -> memref<1x128xi32, #tpu.memory_space<vmem>>
      %dma_start3A_112 = tpu.memref_squeeze %dma_start3A_111 : memref<1x128xi32, #tpu.memory_space<vmem>> -> memref<128xi32, #tpu.memory_space<vmem>>
      %dma_start3A_113 = arith.constant 0 : i32
      %dma_start3A_114 = arith.constant 0 : i32
      %dma_start3A_115 = tpu.memref_slice %arg5[%dma_start3A_113, %dma_start3A_114] : memref<10000x64xbf16, #tpu.memory_space<hbm>> -> memref<10000x64xbf16, #tpu.memory_space<hbm>>
      tpu.enqueue_indirect_dma source(%dma_start3A_115 : memref<10000x64xbf16, #tpu.memory_space<hbm>>) target(%arg13 : memref<128x64xbf16, #tpu.memory_space<vmem>>) offsets(%dma_start3A_112 : memref<128xi32, #tpu.memory_space<vmem>>) semaphore(%arg21 : memref<!tpu.dma_semaphore, #tpu.memory_space<semaphore_mem>>)
    } else {
    }
    %scan3A_75 = arith.constant 0 : i32
    %scan3A_76 = arith.constant 0 : i32
    %scan3A_77 = arith.constant 79 : i32
    %scan3A_78 = arith.addi %scan3A_76, %scan3A_77 : i32
    %scan3A_79 = arith.constant 1 : i32
    %scan3A_80 = scf.for %scan3A_104 = %scan3A_76 to %scan3A_78 step %scan3A_79 iter_args(%scan3A_105 = %scan3A_75) -> (i32)  : i32 {
      %mul3A_106 = arith.constant 2 : i32
      %mul3A_107 = arith.muli %mul3A_106, %scan3A_104 : i32
      %add3A_108 = arith.constant 0 : i32
      %add3A_109 = arith.addi %mul3A_107, %add3A_108 : i32
      %add3A_110 = arith.constant 1 : i32
      %add3A_111 = arith.addi %add3A_109, %add3A_110 : i32
      %eq3A_112 = arith.constant 0 : i32
      %eq3A_113 = arith.cmpi eq, %arg0, %eq3A_112 : i32
      %convert_element_type3A_114 = arith.extui %eq3A_113 : i1 to i32
      %cond3A_115 = arith.constant 0 : i32
      %cond3A_116 = arith.cmpi ne, %convert_element_type3A_114, %cond3A_115 : i32
      scf.if %cond3A_116 {
        %dma_start3A_241 = arith.constant 0 : i32
        %dma_start3A_242 = tpu.memref_slice %arg9[%add3A_111, %dma_start3A_241] : memref<158x128xi32, #tpu.memory_space<vmem>> -> memref<1x128xi32, #tpu.memory_space<vmem>>
        %dma_start3A_243 = tpu.memref_squeeze %dma_start3A_242 : memref<1x128xi32, #tpu.memory_space<vmem>> -> memref<128xi32, #tpu.memory_space<vmem>>
        %dma_start3A_244 = arith.constant 0 : i32
        %dma_start3A_245 = arith.constant 0 : i32
        %dma_start3A_246 = tpu.memref_slice %arg2[%dma_start3A_244, %dma_start3A_245] : memref<10000x64xbf16, #tpu.memory_space<hbm>> -> memref<10000x64xbf16, #tpu.memory_space<hbm>>
        tpu.enqueue_indirect_dma source(%dma_start3A_246 : memref<10000x64xbf16, #tpu.memory_space<hbm>>) target(%arg12 : memref<128x64xbf16, #tpu.memory_space<vmem>>) offsets(%dma_start3A_243 : memref<128xi32, #tpu.memory_space<vmem>>) semaphore(%arg20 : memref<!tpu.dma_semaphore, #tpu.memory_space<semaphore_mem>>)
        %dma_start3A_247 = arith.constant 0 : i32
        %dma_start3A_248 = tpu.memref_slice %arg10[%add3A_111, %dma_start3A_247] : memref<158x128xi32, #tpu.memory_space<vmem>> -> memref<1x128xi32, #tpu.memory_space<vmem>>
        %dma_start3A_249 = tpu.memref_squeeze %dma_start3A_248 : memref<1x128xi32, #tpu.memory_space<vmem>> -> memref<128xi32, #tpu.memory_space<vmem>>
        %dma_start3A_250 = arith.constant 0 : i32
        %dma_start3A_251 = arith.constant 0 : i32
        %dma_start3A_252 = tpu.memref_slice %arg4[%dma_start3A_250, %dma_start3A_251] : memref<10000x64xbf16, #tpu.memory_space<hbm>> -> memref<10000x64xbf16, #tpu.memory_space<hbm>>
        tpu.enqueue_indirect_dma source(%dma_start3A_252 : memref<10000x64xbf16, #tpu.memory_space<hbm>>) target(%arg14 : memref<128x64xbf16, #tpu.memory_space<vmem>>) offsets(%dma_start3A_249 : memref<128xi32, #tpu.memory_space<vmem>>) semaphore(%arg22 : memref<!tpu.dma_semaphore, #tpu.memory_space<semaphore_mem>>)
      } else {
      }
      %ne3A_117 = arith.constant 0 : i32
      %ne3A_118 = arith.cmpi ne, %arg0, %ne3A_117 : i32
      %convert_element_type3A_119 = arith.extui %ne3A_118 : i1 to i32
      %cond3A_120 = arith.constant 0 : i32
      %cond3A_121 = arith.cmpi ne, %convert_element_type3A_119, %cond3A_120 : i32
      scf.if %cond3A_121 {
        %dma_start3A_241 = arith.constant 0 : i32
        %dma_start3A_242 = tpu.memref_slice %arg9[%add3A_111, %dma_start3A_241] : memref<158x128xi32, #tpu.memory_space<vmem>> -> memref<1x128xi32, #tpu.memory_space<vmem>>
        %dma_start3A_243 = tpu.memref_squeeze %dma_start3A_242 : memref<1x128xi32, #tpu.memory_space<vmem>> -> memref<128xi32, #tpu.memory_space<vmem>>
        %dma_start3A_244 = arith.constant 0 : i32
        %dma_start3A_245 = arith.constant 0 : i32
        %dma_start3A_246 = tpu.memref_slice %arg3[%dma_start3A_244, %dma_start3A_245] : memref<10000x64xbf16, #tpu.memory_space<hbm>> -> memref<10000x64xbf16, #tpu.memory_space<hbm>>
        tpu.enqueue_indirect_dma source(%dma_start3A_246 : memref<10000x64xbf16, #tpu.memory_space<hbm>>) target(%arg12 : memref<128x64xbf16, #tpu.memory_space<vmem>>) offsets(%dma_start3A_243 : memref<128xi32, #tpu.memory_space<vmem>>) semaphore(%arg20 : memref<!tpu.dma_semaphore, #tpu.memory_space<semaphore_mem>>)
        %dma_start3A_247 = arith.constant 0 : i32
        %dma_start3A_248 = tpu.memref_slice %arg10[%add3A_111, %dma_start3A_247] : memref<158x128xi32, #tpu.memory_space<vmem>> -> memref<1x128xi32, #tpu.memory_space<vmem>>
        %dma_start3A_249 = tpu.memref_squeeze %dma_start3A_248 : memref<1x128xi32, #tpu.memory_space<vmem>> -> memref<128xi32, #tpu.memory_space<vmem>>
        %dma_start3A_250 = arith.constant 0 : i32
        %dma_start3A_251 = arith.constant 0 : i32
        %dma_start3A_252 = tpu.memref_slice %arg5[%dma_start3A_250, %dma_start3A_251] : memref<10000x64xbf16, #tpu.memory_space<hbm>> -> memref<10000x64xbf16, #tpu.memory_space<hbm>>
        tpu.enqueue_indirect_dma source(%dma_start3A_252 : memref<10000x64xbf16, #tpu.memory_space<hbm>>) target(%arg14 : memref<128x64xbf16, #tpu.memory_space<vmem>>) offsets(%dma_start3A_249 : memref<128xi32, #tpu.memory_space<vmem>>) semaphore(%arg22 : memref<!tpu.dma_semaphore, #tpu.memory_space<semaphore_mem>>)
      } else {
      }
      %dma_wait3A_122 = arith.constant 0 : i32
      %dma_wait3A_123 = arith.constant 0 : i32
      %dma_wait3A_124 = tpu.memref_slice %arg2[%dma_wait3A_122, %dma_wait3A_123] : memref<10000x64xbf16, #tpu.memory_space<hbm>> -> memref<128x64xbf16, #tpu.memory_space<hbm>>
      %dma_wait3A_125 = arith.constant 0 : i32
      %dma_wait3A_126 = arith.constant 0 : i32
      %dma_wait3A_127 = tpu.memref_slice %arg2[%dma_wait3A_125, %dma_wait3A_126] : memref<10000x64xbf16, #tpu.memory_space<hbm>> -> memref<128x64xbf16, #tpu.memory_space<hbm>>
      tpu.wait_dma2 semaphore(%arg19 : memref<!tpu.dma_semaphore, #tpu.memory_space<semaphore_mem>>) src(%dma_wait3A_127 : memref<128x64xbf16, #tpu.memory_space<hbm>>) dst(%arg11 : memref<128x64xbf16, #tpu.memory_space<vmem>>)
      %dma_wait3A_128 = arith.constant 0 : i32
      %dma_wait3A_129 = arith.constant 0 : i32
      %dma_wait3A_130 = tpu.memref_slice %arg4[%dma_wait3A_128, %dma_wait3A_129] : memref<10000x64xbf16, #tpu.memory_space<hbm>> -> memref<128x64xbf16, #tpu.memory_space<hbm>>
      %dma_wait3A_131 = arith.constant 0 : i32
      %dma_wait3A_132 = arith.constant 0 : i32
      %dma_wait3A_133 = tpu.memref_slice %arg4[%dma_wait3A_131, %dma_wait3A_132] : memref<10000x64xbf16, #tpu.memory_space<hbm>> -> memref<128x64xbf16, #tpu.memory_space<hbm>>
      tpu.wait_dma2 semaphore(%arg21 : memref<!tpu.dma_semaphore, #tpu.memory_space<semaphore_mem>>) src(%dma_wait3A_133 : memref<128x64xbf16, #tpu.memory_space<hbm>>) dst(%arg13 : memref<128x64xbf16, #tpu.memory_space<vmem>>)
      %gt3A = arith.constant 0 : i32
      %gt3A_134 = arith.cmpi sgt, %scan3A_104, %gt3A : i32
      %convert_element_type3A_135 = arith.extui %gt3A_134 : i1 to i32
      %cond3A_136 = arith.constant 0 : i32
      %cond3A_137 = arith.cmpi ne, %convert_element_type3A_135, %cond3A_136 : i32
      scf.if %cond3A_137 {
        %dma_wait3A_241 = arith.constant 0 : i32
        %dma_wait3A_242 = arith.constant 0 : i32
        %dma_wait3A_243 = tpu.memref_slice %arg18[%dma_wait3A_241, %dma_wait3A_242] : memref<10000x64xbf16, #tpu.memory_space<vmem_shared>> -> memref<128x64xbf16, #tpu.memory_space<vmem_shared>>
        %dma_wait3A_244 = arith.constant 0 : i32
        %dma_wait3A_245 = arith.constant 0 : i32
        %dma_wait3A_246 = tpu.memref_slice %arg18[%dma_wait3A_244, %dma_wait3A_245] : memref<10000x64xbf16, #tpu.memory_space<vmem_shared>> -> memref<128x64xbf16, #tpu.memory_space<vmem_shared>>
        tpu.wait_dma2 semaphore(%arg23 : memref<!tpu.dma_semaphore, #tpu.memory_space<semaphore_mem>>) src(%arg15 : memref<128x64xbf16, #tpu.memory_space<vmem>>) dst(%dma_wait3A_246 : memref<128x64xbf16, #tpu.memory_space<vmem_shared>>)
      } else {
      }
      %scan3A_138 = arith.constant 0 : i32
      %scan3A_139 = arith.constant 0 : i32
      %scan3A_140 = arith.constant 32 : i32
      %scan3A_141 = arith.addi %scan3A_139, %scan3A_140 : i32
      %scan3A_142 = arith.constant 1 : i32
      %scan3A_143 = scf.for %scan3A_241 = %scan3A_139 to %scan3A_141 step %scan3A_142 iter_args(%scan3A_242 = %scan3A_138) -> (i32)  : i32 {
        %mul3A_243 = arith.constant 4 : i32
        %mul3A_244 = arith.muli %scan3A_241, %mul3A_243 : i32
        %add3A_245 = arith.constant 0 : i32
        %add3A_246 = arith.addi %mul3A_244, %add3A_245 : i32
        %get3A = arith.index_cast %add3A_246 : i32 to index
        %get3A_247 = arith.constant 0 : index
        %get3A_248 = tpu.vector_load %arg11[%get3A, %get3A_247] {strides = array<i32>} : memref<128x64xbf16, #tpu.memory_space<vmem>>, vector<32xbf16>,
        %get3A_249 = arith.index_cast %add3A_246 : i32 to index
        %get3A_250 = arith.constant 0 : index
        %get3A_251 = tpu.vector_load %arg13[%get3A_249, %get3A_250] {strides = array<i32>} : memref<128x64xbf16, #tpu.memory_space<vmem>>, vector<32xbf16>,
        %add3A_252 = arith.addf %get3A_248, %get3A_251 : vector<32xbf16>
        %max3A = arith.constant 0.000000e+00 : bf16
        %max3A_253 = vector.broadcast %max3A : bf16 to vector<32xbf16>
        %max3A_254 = arith.maximumf %add3A_252, %max3A_253 : vector<32xbf16>
        %swap3A = arith.index_cast %add3A_246 : i32 to index
        %swap3A_255 = arith.constant 0 : index
        %swap3A_256 = tpu.vector_load %arg15[%swap3A, %swap3A_255] {strides = array<i32>} : memref<128x64xbf16, #tpu.memory_space<vmem>>, vector<32xbf16>,
        tpu.vector_store %arg15[%swap3A, %swap3A_255], %max3A_254 {strides = array<i32>} : memref<128x64xbf16, #tpu.memory_space<vmem>>, vector<32xbf16>,
        %get3A_257 = arith.index_cast %add3A_246 : i32 to index
        %get3A_258 = arith.constant 32 : index
        %get3A_259 = tpu.vector_load %arg11[%get3A_257, %get3A_258] {strides = array<i32>} : memref<128x64xbf16, #tpu.memory_space<vmem>>, vector<32xbf16>,
        %get3A_260 = arith.index_cast %add3A_246 : i32 to index
        %get3A_261 = arith.constant 32 : index
        %get3A_262 = tpu.vector_load %arg13[%get3A_260, %get3A_261] {strides = array<i32>} : memref<128x64xbf16, #tpu.memory_space<vmem>>, vector<32xbf16>,
        %add3A_263 = arith.addf %get3A_259, %get3A_262 : vector<32xbf16>
        %max3A_264 = arith.constant 0.000000e+00 : bf16
        %max3A_265 = vector.broadcast %max3A_264 : bf16 to vector<32xbf16>
        %max3A_266 = arith.maximumf %add3A_263, %max3A_265 : vector<32xbf16>
        %swap3A_267 = arith.index_cast %add3A_246 : i32 to index
        %swap3A_268 = arith.constant 32 : index
        %swap3A_269 = tpu.vector_load %arg15[%swap3A_267, %swap3A_268] {strides = array<i32>} : memref<128x64xbf16, #tpu.memory_space<vmem>>, vector<32xbf16>,
        tpu.vector_store %arg15[%swap3A_267, %swap3A_268], %max3A_266 {strides = array<i32>} : memref<128x64xbf16, #tpu.memory_space<vmem>>, vector<32xbf16>,
        %add3A_270 = arith.constant 1 : i32
        %add3A_271 = arith.addi %mul3A_244, %add3A_270 : i32
        %get3A_272 = arith.index_cast %add3A_271 : i32 to index
        %get3A_273 = arith.constant 0 : index
        %get3A_274 = tpu.vector_load %arg11[%get3A_272, %get3A_273] {strides = array<i32>} : memref<128x64xbf16, #tpu.memory_space<vmem>>, vector<32xbf16>,
        %get3A_275 = arith.index_cast %add3A_271 : i32 to index
        %get3A_276 = arith.constant 0 : index
        %get3A_277 = tpu.vector_load %arg13[%get3A_275, %get3A_276] {strides = array<i32>} : memref<128x64xbf16, #tpu.memory_space<vmem>>, vector<32xbf16>,
        %add3A_278 = arith.addf %get3A_274, %get3A_277 : vector<32xbf16>
        %max3A_279 = arith.constant 0.000000e+00 : bf16
        %max3A_280 = vector.broadcast %max3A_279 : bf16 to vector<32xbf16>
        %max3A_281 = arith.maximumf %add3A_278, %max3A_280 : vector<32xbf16>
        %swap3A_282 = arith.index_cast %add3A_271 : i32 to index
        %swap3A_283 = arith.constant 0 : index
        %swap3A_284 = tpu.vector_load %arg15[%swap3A_282, %swap3A_283] {strides = array<i32>} : memref<128x64xbf16, #tpu.memory_space<vmem>>, vector<32xbf16>,
        tpu.vector_store %arg15[%swap3A_282, %swap3A_283], %max3A_281 {strides = array<i32>} : memref<128x64xbf16, #tpu.memory_space<vmem>>, vector<32xbf16>,
        %get3A_285 = arith.index_cast %add3A_271 : i32 to index
        %get3A_286 = arith.constant 32 : index
        %get3A_287 = tpu.vector_load %arg11[%get3A_285, %get3A_286] {strides = array<i32>} : memref<128x64xbf16, #tpu.memory_space<vmem>>, vector<32xbf16>,
        %get3A_288 = arith.index_cast %add3A_271 : i32 to index
        %get3A_289 = arith.constant 32 : index
        %get3A_290 = tpu.vector_load %arg13[%get3A_288, %get3A_289] {strides = array<i32>} : memref<128x64xbf16, #tpu.memory_space<vmem>>, vector<32xbf16>,
        %add3A_291 = arith.addf %get3A_287, %get3A_290 : vector<32xbf16>
        %max3A_292 = arith.constant 0.000000e+00 : bf16
        %max3A_293 = vector.broadcast %max3A_292 : bf16 to vector<32xbf16>
        %max3A_294 = arith.maximumf %add3A_291, %max3A_293 : vector<32xbf16>
        %swap3A_295 = arith.index_cast %add3A_271 : i32 to index
        %swap3A_296 = arith.constant 32 : index
        %swap3A_297 = tpu.vector_load %arg15[%swap3A_295, %swap3A_296] {strides = array<i32>} : memref<128x64xbf16, #tpu.memory_space<vmem>>, vector<32xbf16>,
        tpu.vector_store %arg15[%swap3A_295, %swap3A_296], %max3A_294 {strides = array<i32>} : memref<128x64xbf16, #tpu.memory_space<vmem>>, vector<32xbf16>,
        %add3A_298 = arith.constant 2 : i32
        %add3A_299 = arith.addi %mul3A_244, %add3A_298 : i32
        %get3A_300 = arith.index_cast %add3A_299 : i32 to index
        %get3A_301 = arith.constant 0 : index
        %get3A_302 = tpu.vector_load %arg11[%get3A_300, %get3A_301] {strides = array<i32>} : memref<128x64xbf16, #tpu.memory_space<vmem>>, vector<32xbf16>,
        %get3A_303 = arith.index_cast %add3A_299 : i32 to index
        %get3A_304 = arith.constant 0 : index
        %get3A_305 = tpu.vector_load %arg13[%get3A_303, %get3A_304] {strides = array<i32>} : memref<128x64xbf16, #tpu.memory_space<vmem>>, vector<32xbf16>,
        %add3A_306 = arith.addf %get3A_302, %get3A_305 : vector<32xbf16>
        %max3A_307 = arith.constant 0.000000e+00 : bf16
        %max3A_308 = vector.broadcast %max3A_307 : bf16 to vector<32xbf16>
        %max3A_309 = arith.maximumf %add3A_306, %max3A_308 : vector<32xbf16>
        %swap3A_310 = arith.index_cast %add3A_299 : i32 to index
        %swap3A_311 = arith.constant 0 : index
        %swap3A_312 = tpu.vector_load %arg15[%swap3A_310, %swap3A_311] {strides = array<i32>} : memref<128x64xbf16, #tpu.memory_space<vmem>>, vector<32xbf16>,
        tpu.vector_store %arg15[%swap3A_310, %swap3A_311], %max3A_309 {strides = array<i32>} : memref<128x64xbf16, #tpu.memory_space<vmem>>, vector<32xbf16>,
        %get3A_313 = arith.index_cast %add3A_299 : i32 to index
        %get3A_314 = arith.constant 32 : index
        %get3A_315 = tpu.vector_load %arg11[%get3A_313, %get3A_314] {strides = array<i32>} : memref<128x64xbf16, #tpu.memory_space<vmem>>, vector<32xbf16>,
        %get3A_316 = arith.index_cast %add3A_299 : i32 to index
        %get3A_317 = arith.constant 32 : index
        %get3A_318 = tpu.vector_load %arg13[%get3A_316, %get3A_317] {strides = array<i32>} : memref<128x64xbf16, #tpu.memory_space<vmem>>, vector<32xbf16>,
        %add3A_319 = arith.addf %get3A_315, %get3A_318 : vector<32xbf16>
        %max3A_320 = arith.constant 0.000000e+00 : bf16
        %max3A_321 = vector.broadcast %max3A_320 : bf16 to vector<32xbf16>
        %max3A_322 = arith.maximumf %add3A_319, %max3A_321 : vector<32xbf16>
        %swap3A_323 = arith.index_cast %add3A_299 : i32 to index
        %swap3A_324 = arith.constant 32 : index
        %swap3A_325 = tpu.vector_load %arg15[%swap3A_323, %swap3A_324] {strides = array<i32>} : memref<128x64xbf16, #tpu.memory_space<vmem>>, vector<32xbf16>,
        tpu.vector_store %arg15[%swap3A_323, %swap3A_324], %max3A_322 {strides = array<i32>} : memref<128x64xbf16, #tpu.memory_space<vmem>>, vector<32xbf16>,
        %add3A_326 = arith.constant 3 : i32
        %add3A_327 = arith.addi %mul3A_244, %add3A_326 : i32
        %get3A_328 = arith.index_cast %add3A_327 : i32 to index
        %get3A_329 = arith.constant 0 : index
        %get3A_330 = tpu.vector_load %arg11[%get3A_328, %get3A_329] {strides = array<i32>} : memref<128x64xbf16, #tpu.memory_space<vmem>>, vector<32xbf16>,
        %get3A_331 = arith.index_cast %add3A_327 : i32 to index
        %get3A_332 = arith.constant 0 : index
        %get3A_333 = tpu.vector_load %arg13[%get3A_331, %get3A_332] {strides = array<i32>} : memref<128x64xbf16, #tpu.memory_space<vmem>>, vector<32xbf16>,
        %add3A_334 = arith.addf %get3A_330, %get3A_333 : vector<32xbf16>
        %max3A_335 = arith.constant 0.000000e+00 : bf16
        %max3A_336 = vector.broadcast %max3A_335 : bf16 to vector<32xbf16>
        %max3A_337 = arith.maximumf %add3A_334, %max3A_336 : vector<32xbf16>
        %swap3A_338 = arith.index_cast %add3A_327 : i32 to index
        %swap3A_339 = arith.constant 0 : index
        %swap3A_340 = tpu.vector_load %arg15[%swap3A_338, %swap3A_339] {strides = array<i32>} : memref<128x64xbf16, #tpu.memory_space<vmem>>, vector<32xbf16>,
        tpu.vector_store %arg15[%swap3A_338, %swap3A_339], %max3A_337 {strides = array<i32>} : memref<128x64xbf16, #tpu.memory_space<vmem>>, vector<32xbf16>,
        %get3A_341 = arith.index_cast %add3A_327 : i32 to index
        %get3A_342 = arith.constant 32 : index
        %get3A_343 = tpu.vector_load %arg11[%get3A_341, %get3A_342] {strides = array<i32>} : memref<128x64xbf16, #tpu.memory_space<vmem>>, vector<32xbf16>,
        %get3A_344 = arith.index_cast %add3A_327 : i32 to index
        %get3A_345 = arith.constant 32 : index
        %get3A_346 = tpu.vector_load %arg13[%get3A_344, %get3A_345] {strides = array<i32>} : memref<128x64xbf16, #tpu.memory_space<vmem>>, vector<32xbf16>,
        %add3A_347 = arith.addf %get3A_343, %get3A_346 : vector<32xbf16>
        %max3A_348 = arith.constant 0.000000e+00 : bf16
        %max3A_349 = vector.broadcast %max3A_348 : bf16 to vector<32xbf16>
        %max3A_350 = arith.maximumf %add3A_347, %max3A_349 : vector<32xbf16>
        %swap3A_351 = arith.index_cast %add3A_327 : i32 to index
        %swap3A_352 = arith.constant 32 : index
        %swap3A_353 = tpu.vector_load %arg15[%swap3A_351, %swap3A_352] {strides = array<i32>} : memref<128x64xbf16, #tpu.memory_space<vmem>>, vector<32xbf16>,
        tpu.vector_store %arg15[%swap3A_351, %swap3A_352], %max3A_350 {strides = array<i32>} : memref<128x64xbf16, #tpu.memory_space<vmem>>, vector<32xbf16>,
        %scan3A_354 = arith.constant 0 : i32
        scf.yield %scan3A_354 : i32
      }
      %scan3A_144 = arith.constant 32 : i32
      %eq3A_145 = arith.constant 156 : i32
      %eq3A_146 = arith.cmpi eq, %add3A_109, %eq3A_145 : i32
      %convert_element_type3A_147 = arith.extui %eq3A_146 : i1 to i32
      %cond3A_148 = arith.constant 0 : i32
      %cond3A_149 = arith.cmpi ne, %convert_element_type3A_147, %cond3A_148 : i32
      scf.if %cond3A_149 {
        %scan3A_241 = arith.constant 0 : i32
        %scan3A_242 = arith.constant 32 : i32
        %scan3A_243 = arith.constant 96 : i32
        %scan3A_244 = arith.addi %scan3A_242, %scan3A_243 : i32
        %scan3A_245 = arith.constant 1 : i32
        %scan3A_246 = scf.for %scan3A_248 = %scan3A_242 to %scan3A_244 step %scan3A_245 iter_args(%scan3A_249 = %scan3A_241) -> (i32)  : i32 {
          %broadcast_in_dim3A = arith.constant 0.000000e+00 : bf16
          %broadcast_in_dim3A_250 = vector.broadcast %broadcast_in_dim3A : bf16 to vector<32xbf16>
          %swap3A = arith.index_cast %scan3A_248 : i32 to index
          %swap3A_251 = arith.constant 0 : index
          %swap3A_252 = tpu.vector_load %arg15[%swap3A, %swap3A_251] {strides = array<i32>} : memref<128x64xbf16, #tpu.memory_space<vmem>>, vector<32xbf16>,
          tpu.vector_store %arg15[%swap3A, %swap3A_251], %broadcast_in_dim3A_250 {strides = array<i32>} : memref<128x64xbf16, #tpu.memory_space<vmem>>, vector<32xbf16>,
          %broadcast_in_dim3A_253 = arith.constant 0.000000e+00 : bf16
          %broadcast_in_dim3A_254 = vector.broadcast %broadcast_in_dim3A_253 : bf16 to vector<32xbf16>
          %swap3A_255 = arith.index_cast %scan3A_248 : i32 to index
          %swap3A_256 = arith.constant 32 : index
          %swap3A_257 = tpu.vector_load %arg15[%swap3A_255, %swap3A_256] {strides = array<i32>} : memref<128x64xbf16, #tpu.memory_space<vmem>>, vector<32xbf16>,
          tpu.vector_store %arg15[%swap3A_255, %swap3A_256], %broadcast_in_dim3A_254 {strides = array<i32>} : memref<128x64xbf16, #tpu.memory_space<vmem>>, vector<32xbf16>,
          %scan3A_258 = arith.constant 0 : i32
          scf.yield %scan3A_258 : i32
        }
        %scan3A_247 = arith.constant 96 : i32
      } else {
      }
      %gt3A_150 = arith.constant 156 : i32
      %gt3A_151 = arith.cmpi sgt, %add3A_109, %gt3A_150 : i32
      %convert_element_type3A_152 = arith.extui %gt3A_151 : i1 to i32
      %cond3A_153 = arith.constant 0 : i32
      %cond3A_154 = arith.cmpi ne, %convert_element_type3A_152, %cond3A_153 : i32
      scf.if %cond3A_154 {
        %scan3A_241 = arith.constant 0 : i32
        %scan3A_242 = arith.constant 0 : i32
        %scan3A_243 = arith.constant 128 : i32
        %scan3A_244 = arith.addi %scan3A_242, %scan3A_243 : i32
        %scan3A_245 = arith.constant 1 : i32
        %scan3A_246 = scf.for %scan3A_248 = %scan3A_242 to %scan3A_244 step %scan3A_245 iter_args(%scan3A_249 = %scan3A_241) -> (i32)  : i32 {
          %broadcast_in_dim3A = arith.constant 0.000000e+00 : bf16
          %broadcast_in_dim3A_250 = vector.broadcast %broadcast_in_dim3A : bf16 to vector<32xbf16>
          %swap3A = arith.index_cast %scan3A_248 : i32 to index
          %swap3A_251 = arith.constant 0 : index
          %swap3A_252 = tpu.vector_load %arg15[%swap3A, %swap3A_251] {strides = array<i32>} : memref<128x64xbf16, #tpu.memory_space<vmem>>, vector<32xbf16>,
          tpu.vector_store %arg15[%swap3A, %swap3A_251], %broadcast_in_dim3A_250 {strides = array<i32>} : memref<128x64xbf16, #tpu.memory_space<vmem>>, vector<32xbf16>,
          %broadcast_in_dim3A_253 = arith.constant 0.000000e+00 : bf16
          %broadcast_in_dim3A_254 = vector.broadcast %broadcast_in_dim3A_253 : bf16 to vector<32xbf16>
          %swap3A_255 = arith.index_cast %scan3A_248 : i32 to index
          %swap3A_256 = arith.constant 32 : index
          %swap3A_257 = tpu.vector_load %arg15[%swap3A_255, %swap3A_256] {strides = array<i32>} : memref<128x64xbf16, #tpu.memory_space<vmem>>, vector<32xbf16>,
          tpu.vector_store %arg15[%swap3A_255, %swap3A_256], %broadcast_in_dim3A_254 {strides = array<i32>} : memref<128x64xbf16, #tpu.memory_space<vmem>>, vector<32xbf16>,
          %scan3A_258 = arith.constant 0 : i32
          scf.yield %scan3A_258 : i32
        }
        %scan3A_247 = arith.constant 128 : i32
      } else {
      }
      %dma_start3A_155 = arith.constant 0 : i32
      %dma_start3A_156 = tpu.memref_slice %arg9[%add3A_109, %dma_start3A_155] : memref<158x128xi32, #tpu.memory_space<vmem>> -> memref<1x128xi32, #tpu.memory_space<vmem>>
      %dma_start3A_157 = tpu.memref_squeeze %dma_start3A_156 : memref<1x128xi32, #tpu.memory_space<vmem>> -> memref<128xi32, #tpu.memory_space<vmem>>
      %dma_start3A_158 = arith.constant 0 : i32
      %dma_start3A_159 = arith.constant 0 : i32
      %dma_start3A_160 = tpu.memref_slice %arg18[%dma_start3A_158, %dma_start3A_159] : memref<10000x64xbf16, #tpu.memory_space<vmem_shared>> -> memref<10000x64xbf16, #tpu.memory_space<vmem_shared>>
      tpu.enqueue_indirect_dma source(%arg15 : memref<128x64xbf16, #tpu.memory_space<vmem>>) target(%dma_start3A_160 : memref<10000x64xbf16, #tpu.memory_space<vmem_shared>>) offsets(%dma_start3A_157 : memref<128xi32, #tpu.memory_space<vmem>>) semaphore(%arg23 : memref<!tpu.dma_semaphore, #tpu.memory_space<semaphore_mem>>) {add = true}
      %eq3A_161 = arith.constant 0 : i32
      %eq3A_162 = arith.cmpi eq, %arg0, %eq3A_161 : i32
      %lt3A = arith.constant 156 : i32
      %lt3A_163 = arith.cmpi slt, %add3A_109, %lt3A : i32
      %and3A = arith.andi %eq3A_162, %lt3A_163 : i1
      %convert_element_type3A_164 = arith.extui %and3A : i1 to i32
      %cond3A_165 = arith.constant 0 : i32
      %cond3A_166 = arith.cmpi ne, %convert_element_type3A_164, %cond3A_165 : i32
      scf.if %cond3A_166 {
        %get3A = arith.index_cast %add3A_109 : i32 to index
        %get3A_241 = arith.constant 0 : index
        %get3A_242 = tpu.vector_load %arg9[%get3A, %get3A_241] {strides = array<i32>} : memref<158x128xi32, #tpu.memory_space<vmem>>, vector<16xi32>,
        %broadcast_in_dim3A = arith.constant 1.000000e+00 : f32
        %broadcast_in_dim3A_243 = vector.broadcast %broadcast_in_dim3A : f32 to vector<16xf32>
        tpu.vector_store_idx %arg25[%get3A_242], %broadcast_in_dim3A_243 {add = true} : memref<10000xf32, #tpu.memory_space<vmem>>[vector<16xi32>], vector<16xf32>,
        %get3A_244 = arith.index_cast %add3A_109 : i32 to index
        %get3A_245 = arith.constant 16 : index
        %get3A_246 = tpu.vector_load %arg9[%get3A_244, %get3A_245] {strides = array<i32>} : memref<158x128xi32, #tpu.memory_space<vmem>>, vector<16xi32>,
        %broadcast_in_dim3A_247 = arith.constant 1.000000e+00 : f32
        %broadcast_in_dim3A_248 = vector.broadcast %broadcast_in_dim3A_247 : f32 to vector<16xf32>
        tpu.vector_store_idx %arg25[%get3A_246], %broadcast_in_dim3A_248 {add = true} : memref<10000xf32, #tpu.memory_space<vmem>>[vector<16xi32>], vector<16xf32>,
        %get3A_249 = arith.index_cast %add3A_109 : i32 to index
        %get3A_250 = arith.constant 32 : index
        %get3A_251 = tpu.vector_load %arg9[%get3A_249, %get3A_250] {strides = array<i32>} : memref<158x128xi32, #tpu.memory_space<vmem>>, vector<16xi32>,
        %broadcast_in_dim3A_252 = arith.constant 1.000000e+00 : f32
        %broadcast_in_dim3A_253 = vector.broadcast %broadcast_in_dim3A_252 : f32 to vector<16xf32>
        tpu.vector_store_idx %arg25[%get3A_251], %broadcast_in_dim3A_253 {add = true} : memref<10000xf32, #tpu.memory_space<vmem>>[vector<16xi32>], vector<16xf32>,
        %get3A_254 = arith.index_cast %add3A_109 : i32 to index
        %get3A_255 = arith.constant 48 : index
        %get3A_256 = tpu.vector_load %arg9[%get3A_254, %get3A_255] {strides = array<i32>} : memref<158x128xi32, #tpu.memory_space<vmem>>, vector<16xi32>,
        %broadcast_in_dim3A_257 = arith.constant 1.000000e+00 : f32
        %broadcast_in_dim3A_258 = vector.broadcast %broadcast_in_dim3A_257 : f32 to vector<16xf32>
        tpu.vector_store_idx %arg25[%get3A_256], %broadcast_in_dim3A_258 {add = true} : memref<10000xf32, #tpu.memory_space<vmem>>[vector<16xi32>], vector<16xf32>,
        %get3A_259 = arith.index_cast %add3A_109 : i32 to index
        %get3A_260 = arith.constant 64 : index
        %get3A_261 = tpu.vector_load %arg9[%get3A_259, %get3A_260] {strides = array<i32>} : memref<158x128xi32, #tpu.memory_space<vmem>>, vector<16xi32>,
        %broadcast_in_dim3A_262 = arith.constant 1.000000e+00 : f32
        %broadcast_in_dim3A_263 = vector.broadcast %broadcast_in_dim3A_262 : f32 to vector<16xf32>
        tpu.vector_store_idx %arg25[%get3A_261], %broadcast_in_dim3A_263 {add = true} : memref<10000xf32, #tpu.memory_space<vmem>>[vector<16xi32>], vector<16xf32>,
        %get3A_264 = arith.index_cast %add3A_109 : i32 to index
        %get3A_265 = arith.constant 80 : index
        %get3A_266 = tpu.vector_load %arg9[%get3A_264, %get3A_265] {strides = array<i32>} : memref<158x128xi32, #tpu.memory_space<vmem>>, vector<16xi32>,
        %broadcast_in_dim3A_267 = arith.constant 1.000000e+00 : f32
        %broadcast_in_dim3A_268 = vector.broadcast %broadcast_in_dim3A_267 : f32 to vector<16xf32>
        tpu.vector_store_idx %arg25[%get3A_266], %broadcast_in_dim3A_268 {add = true} : memref<10000xf32, #tpu.memory_space<vmem>>[vector<16xi32>], vector<16xf32>,
        %get3A_269 = arith.index_cast %add3A_109 : i32 to index
        %get3A_270 = arith.constant 96 : index
        %get3A_271 = tpu.vector_load %arg9[%get3A_269, %get3A_270] {strides = array<i32>} : memref<158x128xi32, #tpu.memory_space<vmem>>, vector<16xi32>,
        %broadcast_in_dim3A_272 = arith.constant 1.000000e+00 : f32
        %broadcast_in_dim3A_273 = vector.broadcast %broadcast_in_dim3A_272 : f32 to vector<16xf32>
        tpu.vector_store_idx %arg25[%get3A_271], %broadcast_in_dim3A_273 {add = true} : memref<10000xf32, #tpu.memory_space<vmem>>[vector<16xi32>], vector<16xf32>,
        %get3A_274 = arith.index_cast %add3A_109 : i32 to index
        %get3A_275 = arith.constant 112 : index
        %get3A_276 = tpu.vector_load %arg9[%get3A_274, %get3A_275] {strides = array<i32>} : memref<158x128xi32, #tpu.memory_space<vmem>>, vector<16xi32>,
        %broadcast_in_dim3A_277 = arith.constant 1.000000e+00 : f32
        %broadcast_in_dim3A_278 = vector.broadcast %broadcast_in_dim3A_277 : f32 to vector<16xf32>
        tpu.vector_store_idx %arg25[%get3A_276], %broadcast_in_dim3A_278 {add = true} : memref<10000xf32, #tpu.memory_space<vmem>>[vector<16xi32>], vector<16xf32>,
      } else {
      }
      %eq3A_167 = arith.constant 0 : i32
      %eq3A_168 = arith.cmpi eq, %arg0, %eq3A_167 : i32
      %eq3A_169 = arith.constant 156 : i32
      %eq3A_170 = arith.cmpi eq, %add3A_109, %eq3A_169 : i32
      %and3A_171 = arith.andi %eq3A_168, %eq3A_170 : i1
      %convert_element_type3A_172 = arith.extui %and3A_171 : i1 to i32
      %cond3A_173 = arith.constant 0 : i32
      %cond3A_174 = arith.cmpi ne, %convert_element_type3A_172, %cond3A_173 : i32
      scf.if %cond3A_174 {
        %get3A = arith.index_cast %add3A_109 : i32 to index
        %get3A_241 = arith.constant 0 : index
        %get3A_242 = tpu.vector_load %arg9[%get3A, %get3A_241] {strides = array<i32>} : memref<158x128xi32, #tpu.memory_space<vmem>>, vector<16xi32>,
        %broadcast_in_dim3A = arith.constant 1.000000e+00 : f32
        %broadcast_in_dim3A_243 = vector.broadcast %broadcast_in_dim3A : f32 to vector<16xf32>
        tpu.vector_store_idx %arg25[%get3A_242], %broadcast_in_dim3A_243 {add = true} : memref<10000xf32, #tpu.memory_space<vmem>>[vector<16xi32>], vector<16xf32>,
        %get3A_244 = arith.index_cast %add3A_109 : i32 to index
        %get3A_245 = arith.constant 16 : index
        %get3A_246 = tpu.vector_load %arg9[%get3A_244, %get3A_245] {strides = array<i32>} : memref<158x128xi32, #tpu.memory_space<vmem>>, vector<16xi32>,
        %broadcast_in_dim3A_247 = arith.constant 1.000000e+00 : f32
        %broadcast_in_dim3A_248 = vector.broadcast %broadcast_in_dim3A_247 : f32 to vector<16xf32>
        tpu.vector_store_idx %arg25[%get3A_246], %broadcast_in_dim3A_248 {add = true} : memref<10000xf32, #tpu.memory_space<vmem>>[vector<16xi32>], vector<16xf32>,
      } else {
      }
      %mul3A_175 = arith.constant 2 : i32
      %mul3A_176 = arith.muli %mul3A_175, %scan3A_104 : i32
      %add3A_177 = arith.constant 1 : i32
      %add3A_178 = arith.addi %mul3A_176, %add3A_177 : i32
      %lt3A_179 = arith.constant 78 : i32
      %lt3A_180 = arith.cmpi slt, %scan3A_104, %lt3A_179 : i32
      %convert_element_type3A_181 = arith.extui %lt3A_180 : i1 to i32
      %cond3A_182 = arith.constant 0 : i32
      %cond3A_183 = arith.cmpi ne, %convert_element_type3A_181, %cond3A_182 : i32
      scf.if %cond3A_183 {
        %add3A_241 = arith.constant 1 : i32
        %add3A_242 = arith.addi %add3A_178, %add3A_241 : i32
        %eq3A_243 = arith.constant 0 : i32
        %eq3A_244 = arith.cmpi eq, %arg0, %eq3A_243 : i32
        %convert_element_type3A_245 = arith.extui %eq3A_244 : i1 to i32
        %cond3A_246 = arith.constant 0 : i32
        %cond3A_247 = arith.cmpi ne, %convert_element_type3A_245, %cond3A_246 : i32
        scf.if %cond3A_247 {
          %dma_start3A_253 = arith.constant 0 : i32
          %dma_start3A_254 = tpu.memref_slice %arg9[%add3A_242, %dma_start3A_253] : memref<158x128xi32, #tpu.memory_space<vmem>> -> memref<1x128xi32, #tpu.memory_space<vmem>>
          %dma_start3A_255 = tpu.memref_squeeze %dma_start3A_254 : memref<1x128xi32, #tpu.memory_space<vmem>> -> memref<128xi32, #tpu.memory_space<vmem>>
          %dma_start3A_256 = arith.constant 0 : i32
          %dma_start3A_257 = arith.constant 0 : i32
          %dma_start3A_258 = tpu.memref_slice %arg2[%dma_start3A_256, %dma_start3A_257] : memref<10000x64xbf16, #tpu.memory_space<hbm>> -> memref<10000x64xbf16, #tpu.memory_space<hbm>>
          tpu.enqueue_indirect_dma source(%dma_start3A_258 : memref<10000x64xbf16, #tpu.memory_space<hbm>>) target(%arg11 : memref<128x64xbf16, #tpu.memory_space<vmem>>) offsets(%dma_start3A_255 : memref<128xi32, #tpu.memory_space<vmem>>) semaphore(%arg19 : memref<!tpu.dma_semaphore, #tpu.memory_space<semaphore_mem>>)
          %dma_start3A_259 = arith.constant 0 : i32
          %dma_start3A_260 = tpu.memref_slice %arg10[%add3A_242, %dma_start3A_259] : memref<158x128xi32, #tpu.memory_space<vmem>> -> memref<1x128xi32, #tpu.memory_space<vmem>>
          %dma_start3A_261 = tpu.memref_squeeze %dma_start3A_260 : memref<1x128xi32, #tpu.memory_space<vmem>> -> memref<128xi32, #tpu.memory_space<vmem>>
          %dma_start3A_262 = arith.constant 0 : i32
          %dma_start3A_263 = arith.constant 0 : i32
          %dma_start3A_264 = tpu.memref_slice %arg4[%dma_start3A_262, %dma_start3A_263] : memref<10000x64xbf16, #tpu.memory_space<hbm>> -> memref<10000x64xbf16, #tpu.memory_space<hbm>>
          tpu.enqueue_indirect_dma source(%dma_start3A_264 : memref<10000x64xbf16, #tpu.memory_space<hbm>>) target(%arg13 : memref<128x64xbf16, #tpu.memory_space<vmem>>) offsets(%dma_start3A_261 : memref<128xi32, #tpu.memory_space<vmem>>) semaphore(%arg21 : memref<!tpu.dma_semaphore, #tpu.memory_space<semaphore_mem>>)
        } else {
        }
        %ne3A_248 = arith.constant 0 : i32
        %ne3A_249 = arith.cmpi ne, %arg0, %ne3A_248 : i32
        %convert_element_type3A_250 = arith.extui %ne3A_249 : i1 to i32
        %cond3A_251 = arith.constant 0 : i32
        %cond3A_252 = arith.cmpi ne, %convert_element_type3A_250, %cond3A_251 : i32
        scf.if %cond3A_252 {
          %dma_start3A_253 = arith.constant 0 : i32
          %dma_start3A_254 = tpu.memref_slice %arg9[%add3A_242, %dma_start3A_253] : memref<158x128xi32, #tpu.memory_space<vmem>> -> memref<1x128xi32, #tpu.memory_space<vmem>>
          %dma_start3A_255 = tpu.memref_squeeze %dma_start3A_254 : memref<1x128xi32, #tpu.memory_space<vmem>> -> memref<128xi32, #tpu.memory_space<vmem>>
          %dma_start3A_256 = arith.constant 0 : i32
          %dma_start3A_257 = arith.constant 0 : i32
          %dma_start3A_258 = tpu.memref_slice %arg3[%dma_start3A_256, %dma_start3A_257] : memref<10000x64xbf16, #tpu.memory_space<hbm>> -> memref<10000x64xbf16, #tpu.memory_space<hbm>>
          tpu.enqueue_indirect_dma source(%dma_start3A_258 : memref<10000x64xbf16, #tpu.memory_space<hbm>>) target(%arg11 : memref<128x64xbf16, #tpu.memory_space<vmem>>) offsets(%dma_start3A_255 : memref<128xi32, #tpu.memory_space<vmem>>) semaphore(%arg19 : memref<!tpu.dma_semaphore, #tpu.memory_space<semaphore_mem>>)
          %dma_start3A_259 = arith.constant 0 : i32
          %dma_start3A_260 = tpu.memref_slice %arg10[%add3A_242, %dma_start3A_259] : memref<158x128xi32, #tpu.memory_space<vmem>> -> memref<1x128xi32, #tpu.memory_space<vmem>>
          %dma_start3A_261 = tpu.memref_squeeze %dma_start3A_260 : memref<1x128xi32, #tpu.memory_space<vmem>> -> memref<128xi32, #tpu.memory_space<vmem>>
          %dma_start3A_262 = arith.constant 0 : i32
          %dma_start3A_263 = arith.constant 0 : i32
          %dma_start3A_264 = tpu.memref_slice %arg5[%dma_start3A_262, %dma_start3A_263] : memref<10000x64xbf16, #tpu.memory_space<hbm>> -> memref<10000x64xbf16, #tpu.memory_space<hbm>>
          tpu.enqueue_indirect_dma source(%dma_start3A_264 : memref<10000x64xbf16, #tpu.memory_space<hbm>>) target(%arg13 : memref<128x64xbf16, #tpu.memory_space<vmem>>) offsets(%dma_start3A_261 : memref<128xi32, #tpu.memory_space<vmem>>) semaphore(%arg21 : memref<!tpu.dma_semaphore, #tpu.memory_space<semaphore_mem>>)
        } else {
        }
      } else {
      }
      %dma_wait3A_184 = arith.constant 0 : i32
      %dma_wait3A_185 = arith.constant 0 : i32
      %dma_wait3A_186 = tpu.memref_slice %arg2[%dma_wait3A_184, %dma_wait3A_185] : memref<10000x64xbf16, #tpu.memory_space<hbm>> -> memref<128x64xbf16, #tpu.memory_space<hbm>>
      %dma_wait3A_187 = arith.constant 0 : i32
      %dma_wait3A_188 = arith.constant 0 : i32
      %dma_wait3A_189 = tpu.memref_slice %arg2[%dma_wait3A_187, %dma_wait3A_188] : memref<10000x64xbf16, #tpu.memory_space<hbm>> -> memref<128x64xbf16, #tpu.memory_space<hbm>>
      tpu.wait_dma2 semaphore(%arg20 : memref<!tpu.dma_semaphore, #tpu.memory_space<semaphore_mem>>) src(%dma_wait3A_189 : memref<128x64xbf16, #tpu.memory_space<hbm>>) dst(%arg12 : memref<128x64xbf16, #tpu.memory_space<vmem>>)
      %dma_wait3A_190 = arith.constant 0 : i32
      %dma_wait3A_191 = arith.constant 0 : i32
      %dma_wait3A_192 = tpu.memref_slice %arg4[%dma_wait3A_190, %dma_wait3A_191] : memref<10000x64xbf16, #tpu.memory_space<hbm>> -> memref<128x64xbf16, #tpu.memory_space<hbm>>
      %dma_wait3A_193 = arith.constant 0 : i32
      %dma_wait3A_194 = arith.constant 0 : i32
      %dma_wait3A_195 = tpu.memref_slice %arg4[%dma_wait3A_193, %dma_wait3A_194] : memref<10000x64xbf16, #tpu.memory_space<hbm>> -> memref<128x64xbf16, #tpu.memory_space<hbm>>
      tpu.wait_dma2 semaphore(%arg22 : memref<!tpu.dma_semaphore, #tpu.memory_space<semaphore_mem>>) src(%dma_wait3A_195 : memref<128x64xbf16, #tpu.memory_space<hbm>>) dst(%arg14 : memref<128x64xbf16, #tpu.memory_space<vmem>>)
      %gt3A_196 = arith.constant 0 : i32
      %gt3A_197 = arith.cmpi sgt, %scan3A_104, %gt3A_196 : i32
      %convert_element_type3A_198 = arith.extui %gt3A_197 : i1 to i32
      %cond3A_199 = arith.constant 0 : i32
      %cond3A_200 = arith.cmpi ne, %convert_element_type3A_198, %cond3A_199 : i32
      scf.if %cond3A_200 {
        %dma_wait3A_241 = arith.constant 0 : i32
        %dma_wait3A_242 = arith.constant 0 : i32
        %dma_wait3A_243 = tpu.memref_slice %arg18[%dma_wait3A_241, %dma_wait3A_242] : memref<10000x64xbf16, #tpu.memory_space<vmem_shared>> -> memref<128x64xbf16, #tpu.memory_space<vmem_shared>>
        %dma_wait3A_244 = arith.constant 0 : i32
        %dma_wait3A_245 = arith.constant 0 : i32
        %dma_wait3A_246 = tpu.memref_slice %arg18[%dma_wait3A_244, %dma_wait3A_245] : memref<10000x64xbf16, #tpu.memory_space<vmem_shared>> -> memref<128x64xbf16, #tpu.memory_space<vmem_shared>>
        tpu.wait_dma2 semaphore(%arg24 : memref<!tpu.dma_semaphore, #tpu.memory_space<semaphore_mem>>) src(%arg16 : memref<128x64xbf16, #tpu.memory_space<vmem>>) dst(%dma_wait3A_246 : memref<128x64xbf16, #tpu.memory_space<vmem_shared>>)
      } else {
      }
      %scan3A_201 = arith.constant 0 : i32
      %scan3A_202 = arith.constant 0 : i32
      %scan3A_203 = arith.constant 32 : i32
      %scan3A_204 = arith.addi %scan3A_202, %scan3A_203 : i32
      %scan3A_205 = arith.constant 1 : i32
      %scan3A_206 = scf.for %scan3A_241 = %scan3A_202 to %scan3A_204 step %scan3A_205 iter_args(%scan3A_242 = %scan3A_201) -> (i32)  : i32 {
        %mul3A_243 = arith.constant 4 : i32
        %mul3A_244 = arith.muli %scan3A_241, %mul3A_243 : i32
        %add3A_245 = arith.constant 0 : i32
        %add3A_246 = arith.addi %mul3A_244, %add3A_245 : i32
        %get3A = arith.index_cast %add3A_246 : i32 to index
        %get3A_247 = arith.constant 0 : index
        %get3A_248 = tpu.vector_load %arg12[%get3A, %get3A_247] {strides = array<i32>} : memref<128x64xbf16, #tpu.memory_space<vmem>>, vector<32xbf16>,
        %get3A_249 = arith.index_cast %add3A_246 : i32 to index
        %get3A_250 = arith.constant 0 : index
        %get3A_251 = tpu.vector_load %arg14[%get3A_249, %get3A_250] {strides = array<i32>} : memref<128x64xbf16, #tpu.memory_space<vmem>>, vector<32xbf16>,
        %add3A_252 = arith.addf %get3A_248, %get3A_251 : vector<32xbf16>
        %max3A = arith.constant 0.000000e+00 : bf16
        %max3A_253 = vector.broadcast %max3A : bf16 to vector<32xbf16>
        %max3A_254 = arith.maximumf %add3A_252, %max3A_253 : vector<32xbf16>
        %swap3A = arith.index_cast %add3A_246 : i32 to index
        %swap3A_255 = arith.constant 0 : index
        %swap3A_256 = tpu.vector_load %arg16[%swap3A, %swap3A_255] {strides = array<i32>} : memref<128x64xbf16, #tpu.memory_space<vmem>>, vector<32xbf16>,
        tpu.vector_store %arg16[%swap3A, %swap3A_255], %max3A_254 {strides = array<i32>} : memref<128x64xbf16, #tpu.memory_space<vmem>>, vector<32xbf16>,
        %get3A_257 = arith.index_cast %add3A_246 : i32 to index
        %get3A_258 = arith.constant 32 : index
        %get3A_259 = tpu.vector_load %arg12[%get3A_257, %get3A_258] {strides = array<i32>} : memref<128x64xbf16, #tpu.memory_space<vmem>>, vector<32xbf16>,
        %get3A_260 = arith.index_cast %add3A_246 : i32 to index
        %get3A_261 = arith.constant 32 : index
        %get3A_262 = tpu.vector_load %arg14[%get3A_260, %get3A_261] {strides = array<i32>} : memref<128x64xbf16, #tpu.memory_space<vmem>>, vector<32xbf16>,
        %add3A_263 = arith.addf %get3A_259, %get3A_262 : vector<32xbf16>
        %max3A_264 = arith.constant 0.000000e+00 : bf16
        %max3A_265 = vector.broadcast %max3A_264 : bf16 to vector<32xbf16>
        %max3A_266 = arith.maximumf %add3A_263, %max3A_265 : vector<32xbf16>
        %swap3A_267 = arith.index_cast %add3A_246 : i32 to index
        %swap3A_268 = arith.constant 32 : index
        %swap3A_269 = tpu.vector_load %arg16[%swap3A_267, %swap3A_268] {strides = array<i32>} : memref<128x64xbf16, #tpu.memory_space<vmem>>, vector<32xbf16>,
        tpu.vector_store %arg16[%swap3A_267, %swap3A_268], %max3A_266 {strides = array<i32>} : memref<128x64xbf16, #tpu.memory_space<vmem>>, vector<32xbf16>,
        %add3A_270 = arith.constant 1 : i32
        %add3A_271 = arith.addi %mul3A_244, %add3A_270 : i32
        %get3A_272 = arith.index_cast %add3A_271 : i32 to index
        %get3A_273 = arith.constant 0 : index
        %get3A_274 = tpu.vector_load %arg12[%get3A_272, %get3A_273] {strides = array<i32>} : memref<128x64xbf16, #tpu.memory_space<vmem>>, vector<32xbf16>,
        %get3A_275 = arith.index_cast %add3A_271 : i32 to index
        %get3A_276 = arith.constant 0 : index
        %get3A_277 = tpu.vector_load %arg14[%get3A_275, %get3A_276] {strides = array<i32>} : memref<128x64xbf16, #tpu.memory_space<vmem>>, vector<32xbf16>,
        %add3A_278 = arith.addf %get3A_274, %get3A_277 : vector<32xbf16>
        %max3A_279 = arith.constant 0.000000e+00 : bf16
        %max3A_280 = vector.broadcast %max3A_279 : bf16 to vector<32xbf16>
        %max3A_281 = arith.maximumf %add3A_278, %max3A_280 : vector<32xbf16>
        %swap3A_282 = arith.index_cast %add3A_271 : i32 to index
        %swap3A_283 = arith.constant 0 : index
        %swap3A_284 = tpu.vector_load %arg16[%swap3A_282, %swap3A_283] {strides = array<i32>} : memref<128x64xbf16, #tpu.memory_space<vmem>>, vector<32xbf16>,
        tpu.vector_store %arg16[%swap3A_282, %swap3A_283], %max3A_281 {strides = array<i32>} : memref<128x64xbf16, #tpu.memory_space<vmem>>, vector<32xbf16>,
        %get3A_285 = arith.index_cast %add3A_271 : i32 to index
        %get3A_286 = arith.constant 32 : index
        %get3A_287 = tpu.vector_load %arg12[%get3A_285, %get3A_286] {strides = array<i32>} : memref<128x64xbf16, #tpu.memory_space<vmem>>, vector<32xbf16>,
        %get3A_288 = arith.index_cast %add3A_271 : i32 to index
        %get3A_289 = arith.constant 32 : index
        %get3A_290 = tpu.vector_load %arg14[%get3A_288, %get3A_289] {strides = array<i32>} : memref<128x64xbf16, #tpu.memory_space<vmem>>, vector<32xbf16>,
        %add3A_291 = arith.addf %get3A_287, %get3A_290 : vector<32xbf16>
        %max3A_292 = arith.constant 0.000000e+00 : bf16
        %max3A_293 = vector.broadcast %max3A_292 : bf16 to vector<32xbf16>
        %max3A_294 = arith.maximumf %add3A_291, %max3A_293 : vector<32xbf16>
        %swap3A_295 = arith.index_cast %add3A_271 : i32 to index
        %swap3A_296 = arith.constant 32 : index
        %swap3A_297 = tpu.vector_load %arg16[%swap3A_295, %swap3A_296] {strides = array<i32>} : memref<128x64xbf16, #tpu.memory_space<vmem>>, vector<32xbf16>,
        tpu.vector_store %arg16[%swap3A_295, %swap3A_296], %max3A_294 {strides = array<i32>} : memref<128x64xbf16, #tpu.memory_space<vmem>>, vector<32xbf16>,
        %add3A_298 = arith.constant 2 : i32
        %add3A_299 = arith.addi %mul3A_244, %add3A_298 : i32
        %get3A_300 = arith.index_cast %add3A_299 : i32 to index
        %get3A_301 = arith.constant 0 : index
        %get3A_302 = tpu.vector_load %arg12[%get3A_300, %get3A_301] {strides = array<i32>} : memref<128x64xbf16, #tpu.memory_space<vmem>>, vector<32xbf16>,
        %get3A_303 = arith.index_cast %add3A_299 : i32 to index
        %get3A_304 = arith.constant 0 : index
        %get3A_305 = tpu.vector_load %arg14[%get3A_303, %get3A_304] {strides = array<i32>} : memref<128x64xbf16, #tpu.memory_space<vmem>>, vector<32xbf16>,
        %add3A_306 = arith.addf %get3A_302, %get3A_305 : vector<32xbf16>
        %max3A_307 = arith.constant 0.000000e+00 : bf16
        %max3A_308 = vector.broadcast %max3A_307 : bf16 to vector<32xbf16>
        %max3A_309 = arith.maximumf %add3A_306, %max3A_308 : vector<32xbf16>
        %swap3A_310 = arith.index_cast %add3A_299 : i32 to index
        %swap3A_311 = arith.constant 0 : index
        %swap3A_312 = tpu.vector_load %arg16[%swap3A_310, %swap3A_311] {strides = array<i32>} : memref<128x64xbf16, #tpu.memory_space<vmem>>, vector<32xbf16>,
        tpu.vector_store %arg16[%swap3A_310, %swap3A_311], %max3A_309 {strides = array<i32>} : memref<128x64xbf16, #tpu.memory_space<vmem>>, vector<32xbf16>,
        %get3A_313 = arith.index_cast %add3A_299 : i32 to index
        %get3A_314 = arith.constant 32 : index
        %get3A_315 = tpu.vector_load %arg12[%get3A_313, %get3A_314] {strides = array<i32>} : memref<128x64xbf16, #tpu.memory_space<vmem>>, vector<32xbf16>,
        %get3A_316 = arith.index_cast %add3A_299 : i32 to index
        %get3A_317 = arith.constant 32 : index
        %get3A_318 = tpu.vector_load %arg14[%get3A_316, %get3A_317] {strides = array<i32>} : memref<128x64xbf16, #tpu.memory_space<vmem>>, vector<32xbf16>,
        %add3A_319 = arith.addf %get3A_315, %get3A_318 : vector<32xbf16>
        %max3A_320 = arith.constant 0.000000e+00 : bf16
        %max3A_321 = vector.broadcast %max3A_320 : bf16 to vector<32xbf16>
        %max3A_322 = arith.maximumf %add3A_319, %max3A_321 : vector<32xbf16>
        %swap3A_323 = arith.index_cast %add3A_299 : i32 to index
        %swap3A_324 = arith.constant 32 : index
        %swap3A_325 = tpu.vector_load %arg16[%swap3A_323, %swap3A_324] {strides = array<i32>} : memref<128x64xbf16, #tpu.memory_space<vmem>>, vector<32xbf16>,
        tpu.vector_store %arg16[%swap3A_323, %swap3A_324], %max3A_322 {strides = array<i32>} : memref<128x64xbf16, #tpu.memory_space<vmem>>, vector<32xbf16>,
        %add3A_326 = arith.constant 3 : i32
        %add3A_327 = arith.addi %mul3A_244, %add3A_326 : i32
        %get3A_328 = arith.index_cast %add3A_327 : i32 to index
        %get3A_329 = arith.constant 0 : index
        %get3A_330 = tpu.vector_load %arg12[%get3A_328, %get3A_329] {strides = array<i32>} : memref<128x64xbf16, #tpu.memory_space<vmem>>, vector<32xbf16>,
        %get3A_331 = arith.index_cast %add3A_327 : i32 to index
        %get3A_332 = arith.constant 0 : index
        %get3A_333 = tpu.vector_load %arg14[%get3A_331, %get3A_332] {strides = array<i32>} : memref<128x64xbf16, #tpu.memory_space<vmem>>, vector<32xbf16>,
        %add3A_334 = arith.addf %get3A_330, %get3A_333 : vector<32xbf16>
        %max3A_335 = arith.constant 0.000000e+00 : bf16
        %max3A_336 = vector.broadcast %max3A_335 : bf16 to vector<32xbf16>
        %max3A_337 = arith.maximumf %add3A_334, %max3A_336 : vector<32xbf16>
        %swap3A_338 = arith.index_cast %add3A_327 : i32 to index
        %swap3A_339 = arith.constant 0 : index
        %swap3A_340 = tpu.vector_load %arg16[%swap3A_338, %swap3A_339] {strides = array<i32>} : memref<128x64xbf16, #tpu.memory_space<vmem>>, vector<32xbf16>,
        tpu.vector_store %arg16[%swap3A_338, %swap3A_339], %max3A_337 {strides = array<i32>} : memref<128x64xbf16, #tpu.memory_space<vmem>>, vector<32xbf16>,
        %get3A_341 = arith.index_cast %add3A_327 : i32 to index
        %get3A_342 = arith.constant 32 : index
        %get3A_343 = tpu.vector_load %arg12[%get3A_341, %get3A_342] {strides = array<i32>} : memref<128x64xbf16, #tpu.memory_space<vmem>>, vector<32xbf16>,
        %get3A_344 = arith.index_cast %add3A_327 : i32 to index
        %get3A_345 = arith.constant 32 : index
        %get3A_346 = tpu.vector_load %arg14[%get3A_344, %get3A_345] {strides = array<i32>} : memref<128x64xbf16, #tpu.memory_space<vmem>>, vector<32xbf16>,
        %add3A_347 = arith.addf %get3A_343, %get3A_346 : vector<32xbf16>
        %max3A_348 = arith.constant 0.000000e+00 : bf16
        %max3A_349 = vector.broadcast %max3A_348 : bf16 to vector<32xbf16>
        %max3A_350 = arith.maximumf %add3A_347, %max3A_349 : vector<32xbf16>
        %swap3A_351 = arith.index_cast %add3A_327 : i32 to index
        %swap3A_352 = arith.constant 32 : index
        %swap3A_353 = tpu.vector_load %arg16[%swap3A_351, %swap3A_352] {strides = array<i32>} : memref<128x64xbf16, #tpu.memory_space<vmem>>, vector<32xbf16>,
        tpu.vector_store %arg16[%swap3A_351, %swap3A_352], %max3A_350 {strides = array<i32>} : memref<128x64xbf16, #tpu.memory_space<vmem>>, vector<32xbf16>,
        %scan3A_354 = arith.constant 0 : i32
        scf.yield %scan3A_354 : i32
      }
      %scan3A_207 = arith.constant 32 : i32
      %eq3A_208 = arith.constant 156 : i32
      %eq3A_209 = arith.cmpi eq, %add3A_178, %eq3A_208 : i32
      %convert_element_type3A_210 = arith.extui %eq3A_209 : i1 to i32
      %cond3A_211 = arith.constant 0 : i32
      %cond3A_212 = arith.cmpi ne, %convert_element_type3A_210, %cond3A_211 : i32
      scf.if %cond3A_212 {
        %scan3A_241 = arith.constant 0 : i32
        %scan3A_242 = arith.constant 32 : i32
        %scan3A_243 = arith.constant 96 : i32
        %scan3A_244 = arith.addi %scan3A_242, %scan3A_243 : i32
        %scan3A_245 = arith.constant 1 : i32
        %scan3A_246 = scf.for %scan3A_248 = %scan3A_242 to %scan3A_244 step %scan3A_245 iter_args(%scan3A_249 = %scan3A_241) -> (i32)  : i32 {
          %broadcast_in_dim3A = arith.constant 0.000000e+00 : bf16
          %broadcast_in_dim3A_250 = vector.broadcast %broadcast_in_dim3A : bf16 to vector<32xbf16>
          %swap3A = arith.index_cast %scan3A_248 : i32 to index
          %swap3A_251 = arith.constant 0 : index
          %swap3A_252 = tpu.vector_load %arg16[%swap3A, %swap3A_251] {strides = array<i32>} : memref<128x64xbf16, #tpu.memory_space<vmem>>, vector<32xbf16>,
          tpu.vector_store %arg16[%swap3A, %swap3A_251], %broadcast_in_dim3A_250 {strides = array<i32>} : memref<128x64xbf16, #tpu.memory_space<vmem>>, vector<32xbf16>,
          %broadcast_in_dim3A_253 = arith.constant 0.000000e+00 : bf16
          %broadcast_in_dim3A_254 = vector.broadcast %broadcast_in_dim3A_253 : bf16 to vector<32xbf16>
          %swap3A_255 = arith.index_cast %scan3A_248 : i32 to index
          %swap3A_256 = arith.constant 32 : index
          %swap3A_257 = tpu.vector_load %arg16[%swap3A_255, %swap3A_256] {strides = array<i32>} : memref<128x64xbf16, #tpu.memory_space<vmem>>, vector<32xbf16>,
          tpu.vector_store %arg16[%swap3A_255, %swap3A_256], %broadcast_in_dim3A_254 {strides = array<i32>} : memref<128x64xbf16, #tpu.memory_space<vmem>>, vector<32xbf16>,
          %scan3A_258 = arith.constant 0 : i32
          scf.yield %scan3A_258 : i32
        }
        %scan3A_247 = arith.constant 96 : i32
      } else {
      }
      %gt3A_213 = arith.constant 156 : i32
      %gt3A_214 = arith.cmpi sgt, %add3A_178, %gt3A_213 : i32
      %convert_element_type3A_215 = arith.extui %gt3A_214 : i1 to i32
      %cond3A_216 = arith.constant 0 : i32
      %cond3A_217 = arith.cmpi ne, %convert_element_type3A_215, %cond3A_216 : i32
      scf.if %cond3A_217 {
        %scan3A_241 = arith.constant 0 : i32
        %scan3A_242 = arith.constant 0 : i32
        %scan3A_243 = arith.constant 128 : i32
        %scan3A_244 = arith.addi %scan3A_242, %scan3A_243 : i32
        %scan3A_245 = arith.constant 1 : i32
        %scan3A_246 = scf.for %scan3A_248 = %scan3A_242 to %scan3A_244 step %scan3A_245 iter_args(%scan3A_249 = %scan3A_241) -> (i32)  : i32 {
          %broadcast_in_dim3A = arith.constant 0.000000e+00 : bf16
          %broadcast_in_dim3A_250 = vector.broadcast %broadcast_in_dim3A : bf16 to vector<32xbf16>
          %swap3A = arith.index_cast %scan3A_248 : i32 to index
          %swap3A_251 = arith.constant 0 : index
          %swap3A_252 = tpu.vector_load %arg16[%swap3A, %swap3A_251] {strides = array<i32>} : memref<128x64xbf16, #tpu.memory_space<vmem>>, vector<32xbf16>,
          tpu.vector_store %arg16[%swap3A, %swap3A_251], %broadcast_in_dim3A_250 {strides = array<i32>} : memref<128x64xbf16, #tpu.memory_space<vmem>>, vector<32xbf16>,
          %broadcast_in_dim3A_253 = arith.constant 0.000000e+00 : bf16
          %broadcast_in_dim3A_254 = vector.broadcast %broadcast_in_dim3A_253 : bf16 to vector<32xbf16>
          %swap3A_255 = arith.index_cast %scan3A_248 : i32 to index
          %swap3A_256 = arith.constant 32 : index
          %swap3A_257 = tpu.vector_load %arg16[%swap3A_255, %swap3A_256] {strides = array<i32>} : memref<128x64xbf16, #tpu.memory_space<vmem>>, vector<32xbf16>,
          tpu.vector_store %arg16[%swap3A_255, %swap3A_256], %broadcast_in_dim3A_254 {strides = array<i32>} : memref<128x64xbf16, #tpu.memory_space<vmem>>, vector<32xbf16>,
          %scan3A_258 = arith.constant 0 : i32
          scf.yield %scan3A_258 : i32
        }
        %scan3A_247 = arith.constant 128 : i32
      } else {
      }
      %dma_start3A_218 = arith.constant 0 : i32
      %dma_start3A_219 = tpu.memref_slice %arg9[%add3A_178, %dma_start3A_218] : memref<158x128xi32, #tpu.memory_space<vmem>> -> memref<1x128xi32, #tpu.memory_space<vmem>>
      %dma_start3A_220 = tpu.memref_squeeze %dma_start3A_219 : memref<1x128xi32, #tpu.memory_space<vmem>> -> memref<128xi32, #tpu.memory_space<vmem>>
      %dma_start3A_221 = arith.constant 0 : i32
      %dma_start3A_222 = arith.constant 0 : i32
      %dma_start3A_223 = tpu.memref_slice %arg18[%dma_start3A_221, %dma_start3A_222] : memref<10000x64xbf16, #tpu.memory_space<vmem_shared>> -> memref<10000x64xbf16, #tpu.memory_space<vmem_shared>>
      tpu.enqueue_indirect_dma source(%arg16 : memref<128x64xbf16, #tpu.memory_space<vmem>>) target(%dma_start3A_223 : memref<10000x64xbf16, #tpu.memory_space<vmem_shared>>) offsets(%dma_start3A_220 : memref<128xi32, #tpu.memory_space<vmem>>) semaphore(%arg24 : memref<!tpu.dma_semaphore, #tpu.memory_space<semaphore_mem>>) {add = true}
      %eq3A_224 = arith.constant 0 : i32
      %eq3A_225 = arith.cmpi eq, %arg0, %eq3A_224 : i32
      %lt3A_226 = arith.constant 156 : i32
      %lt3A_227 = arith.cmpi slt, %add3A_178, %lt3A_226 : i32
      %and3A_228 = arith.andi %eq3A_225, %lt3A_227 : i1
      %convert_element_type3A_229 = arith.extui %and3A_228 : i1 to i32
      %cond3A_230 = arith.constant 0 : i32
      %cond3A_231 = arith.cmpi ne, %convert_element_type3A_229, %cond3A_230 : i32
      scf.if %cond3A_231 {
        %get3A = arith.index_cast %add3A_178 : i32 to index
        %get3A_241 = arith.constant 0 : index
        %get3A_242 = tpu.vector_load %arg9[%get3A, %get3A_241] {strides = array<i32>} : memref<158x128xi32, #tpu.memory_space<vmem>>, vector<16xi32>,
        %broadcast_in_dim3A = arith.constant 1.000000e+00 : f32
        %broadcast_in_dim3A_243 = vector.broadcast %broadcast_in_dim3A : f32 to vector<16xf32>
        tpu.vector_store_idx %arg25[%get3A_242], %broadcast_in_dim3A_243 {add = true} : memref<10000xf32, #tpu.memory_space<vmem>>[vector<16xi32>], vector<16xf32>,
        %get3A_244 = arith.index_cast %add3A_178 : i32 to index
        %get3A_245 = arith.constant 16 : index
        %get3A_246 = tpu.vector_load %arg9[%get3A_244, %get3A_245] {strides = array<i32>} : memref<158x128xi32, #tpu.memory_space<vmem>>, vector<16xi32>,
        %broadcast_in_dim3A_247 = arith.constant 1.000000e+00 : f32
        %broadcast_in_dim3A_248 = vector.broadcast %broadcast_in_dim3A_247 : f32 to vector<16xf32>
        tpu.vector_store_idx %arg25[%get3A_246], %broadcast_in_dim3A_248 {add = true} : memref<10000xf32, #tpu.memory_space<vmem>>[vector<16xi32>], vector<16xf32>,
        %get3A_249 = arith.index_cast %add3A_178 : i32 to index
        %get3A_250 = arith.constant 32 : index
        %get3A_251 = tpu.vector_load %arg9[%get3A_249, %get3A_250] {strides = array<i32>} : memref<158x128xi32, #tpu.memory_space<vmem>>, vector<16xi32>,
        %broadcast_in_dim3A_252 = arith.constant 1.000000e+00 : f32
        %broadcast_in_dim3A_253 = vector.broadcast %broadcast_in_dim3A_252 : f32 to vector<16xf32>
        tpu.vector_store_idx %arg25[%get3A_251], %broadcast_in_dim3A_253 {add = true} : memref<10000xf32, #tpu.memory_space<vmem>>[vector<16xi32>], vector<16xf32>,
        %get3A_254 = arith.index_cast %add3A_178 : i32 to index
        %get3A_255 = arith.constant 48 : index
        %get3A_256 = tpu.vector_load %arg9[%get3A_254, %get3A_255] {strides = array<i32>} : memref<158x128xi32, #tpu.memory_space<vmem>>, vector<16xi32>,
        %broadcast_in_dim3A_257 = arith.constant 1.000000e+00 : f32
        %broadcast_in_dim3A_258 = vector.broadcast %broadcast_in_dim3A_257 : f32 to vector<16xf32>
        tpu.vector_store_idx %arg25[%get3A_256], %broadcast_in_dim3A_258 {add = true} : memref<10000xf32, #tpu.memory_space<vmem>>[vector<16xi32>], vector<16xf32>,
        %get3A_259 = arith.index_cast %add3A_178 : i32 to index
        %get3A_260 = arith.constant 64 : index
        %get3A_261 = tpu.vector_load %arg9[%get3A_259, %get3A_260] {strides = array<i32>} : memref<158x128xi32, #tpu.memory_space<vmem>>, vector<16xi32>,
        %broadcast_in_dim3A_262 = arith.constant 1.000000e+00 : f32
        %broadcast_in_dim3A_263 = vector.broadcast %broadcast_in_dim3A_262 : f32 to vector<16xf32>
        tpu.vector_store_idx %arg25[%get3A_261], %broadcast_in_dim3A_263 {add = true} : memref<10000xf32, #tpu.memory_space<vmem>>[vector<16xi32>], vector<16xf32>,
        %get3A_264 = arith.index_cast %add3A_178 : i32 to index
        %get3A_265 = arith.constant 80 : index
        %get3A_266 = tpu.vector_load %arg9[%get3A_264, %get3A_265] {strides = array<i32>} : memref<158x128xi32, #tpu.memory_space<vmem>>, vector<16xi32>,
        %broadcast_in_dim3A_267 = arith.constant 1.000000e+00 : f32
        %broadcast_in_dim3A_268 = vector.broadcast %broadcast_in_dim3A_267 : f32 to vector<16xf32>
        tpu.vector_store_idx %arg25[%get3A_266], %broadcast_in_dim3A_268 {add = true} : memref<10000xf32, #tpu.memory_space<vmem>>[vector<16xi32>], vector<16xf32>,
        %get3A_269 = arith.index_cast %add3A_178 : i32 to index
        %get3A_270 = arith.constant 96 : index
        %get3A_271 = tpu.vector_load %arg9[%get3A_269, %get3A_270] {strides = array<i32>} : memref<158x128xi32, #tpu.memory_space<vmem>>, vector<16xi32>,
        %broadcast_in_dim3A_272 = arith.constant 1.000000e+00 : f32
        %broadcast_in_dim3A_273 = vector.broadcast %broadcast_in_dim3A_272 : f32 to vector<16xf32>
        tpu.vector_store_idx %arg25[%get3A_271], %broadcast_in_dim3A_273 {add = true} : memref<10000xf32, #tpu.memory_space<vmem>>[vector<16xi32>], vector<16xf32>,
        %get3A_274 = arith.index_cast %add3A_178 : i32 to index
        %get3A_275 = arith.constant 112 : index
        %get3A_276 = tpu.vector_load %arg9[%get3A_274, %get3A_275] {strides = array<i32>} : memref<158x128xi32, #tpu.memory_space<vmem>>, vector<16xi32>,
        %broadcast_in_dim3A_277 = arith.constant 1.000000e+00 : f32
        %broadcast_in_dim3A_278 = vector.broadcast %broadcast_in_dim3A_277 : f32 to vector<16xf32>
        tpu.vector_store_idx %arg25[%get3A_276], %broadcast_in_dim3A_278 {add = true} : memref<10000xf32, #tpu.memory_space<vmem>>[vector<16xi32>], vector<16xf32>,
      } else {
      }
      %eq3A_232 = arith.constant 0 : i32
      %eq3A_233 = arith.cmpi eq, %arg0, %eq3A_232 : i32
      %eq3A_234 = arith.constant 156 : i32
      %eq3A_235 = arith.cmpi eq, %add3A_178, %eq3A_234 : i32
      %and3A_236 = arith.andi %eq3A_233, %eq3A_235 : i1
      %convert_element_type3A_237 = arith.extui %and3A_236 : i1 to i32
      %cond3A_238 = arith.constant 0 : i32
      %cond3A_239 = arith.cmpi ne, %convert_element_type3A_237, %cond3A_238 : i32
      scf.if %cond3A_239 {
        %get3A = arith.index_cast %add3A_178 : i32 to index
        %get3A_241 = arith.constant 0 : index
        %get3A_242 = tpu.vector_load %arg9[%get3A, %get3A_241] {strides = array<i32>} : memref<158x128xi32, #tpu.memory_space<vmem>>, vector<16xi32>,
        %broadcast_in_dim3A = arith.constant 1.000000e+00 : f32
        %broadcast_in_dim3A_243 = vector.broadcast %broadcast_in_dim3A : f32 to vector<16xf32>
        tpu.vector_store_idx %arg25[%get3A_242], %broadcast_in_dim3A_243 {add = true} : memref<10000xf32, #tpu.memory_space<vmem>>[vector<16xi32>], vector<16xf32>,
        %get3A_244 = arith.index_cast %add3A_178 : i32 to index
        %get3A_245 = arith.constant 16 : index
        %get3A_246 = tpu.vector_load %arg9[%get3A_244, %get3A_245] {strides = array<i32>} : memref<158x128xi32, #tpu.memory_space<vmem>>, vector<16xi32>,
        %broadcast_in_dim3A_247 = arith.constant 1.000000e+00 : f32
        %broadcast_in_dim3A_248 = vector.broadcast %broadcast_in_dim3A_247 : f32 to vector<16xf32>
        tpu.vector_store_idx %arg25[%get3A_246], %broadcast_in_dim3A_248 {add = true} : memref<10000xf32, #tpu.memory_space<vmem>>[vector<16xi32>], vector<16xf32>,
      } else {
      }
      %scan3A_240 = arith.constant 0 : i32
      scf.yield %scan3A_240 : i32
    }
    %scan3A_81 = arith.constant 79 : i32
    %dma_wait3A_82 = arith.constant 0 : i32
    %dma_wait3A_83 = arith.constant 0 : i32
    %dma_wait3A_84 = tpu.memref_slice %arg18[%dma_wait3A_82, %dma_wait3A_83] : memref<10000x64xbf16, #tpu.memory_space<vmem_shared>> -> memref<128x64xbf16, #tpu.memory_space<vmem_shared>>
    %dma_wait3A_85 = arith.constant 0 : i32
    %dma_wait3A_86 = arith.constant 0 : i32
    %dma_wait3A_87 = tpu.memref_slice %arg18[%dma_wait3A_85, %dma_wait3A_86] : memref<10000x64xbf16, #tpu.memory_space<vmem_shared>> -> memref<128x64xbf16, #tpu.memory_space<vmem_shared>>
    tpu.wait_dma2 semaphore(%arg23 : memref<!tpu.dma_semaphore, #tpu.memory_space<semaphore_mem>>) src(%arg15 : memref<128x64xbf16, #tpu.memory_space<vmem>>) dst(%dma_wait3A_87 : memref<128x64xbf16, #tpu.memory_space<vmem_shared>>)
    %dma_wait3A_88 = arith.constant 0 : i32
    %dma_wait3A_89 = arith.constant 0 : i32
    %dma_wait3A_90 = tpu.memref_slice %arg18[%dma_wait3A_88, %dma_wait3A_89] : memref<10000x64xbf16, #tpu.memory_space<vmem_shared>> -> memref<128x64xbf16, #tpu.memory_space<vmem_shared>>
    %dma_wait3A_91 = arith.constant 0 : i32
    %dma_wait3A_92 = arith.constant 0 : i32
    %dma_wait3A_93 = tpu.memref_slice %arg18[%dma_wait3A_91, %dma_wait3A_92] : memref<10000x64xbf16, #tpu.memory_space<vmem_shared>> -> memref<128x64xbf16, #tpu.memory_space<vmem_shared>>
    tpu.wait_dma2 semaphore(%arg24 : memref<!tpu.dma_semaphore, #tpu.memory_space<semaphore_mem>>) src(%arg16 : memref<128x64xbf16, #tpu.memory_space<vmem>>) dst(%dma_wait3A_93 : memref<128x64xbf16, #tpu.memory_space<vmem_shared>>)
    %barrier3A_94 = arith.constant 0 : index
    tpu.barrier barrier_id(%barrier3A_94)
    %mul3A_95 = arith.constant 625 : i32
    %mul3A_96 = arith.muli %arg1, %mul3A_95 : i32
    %mul3A_97 = arith.constant 625 : i32
    %mul3A_98 = arith.muli %arg1, %mul3A_97 : i32
    "tpu.region"() ({
      %run_scoped3A = tpu.sem_alloc : memref<!tpu.dma_semaphore, #tpu.memory_space<semaphore_mem>>
      %dma_start3A_104 = arith.constant 0 : i32
      %dma_start3A_105 = tpu.memref_slice %arg7[%arg0, %mul3A_98, %dma_start3A_104] : memref<2x10000x64xbf16, #tpu.memory_space<hbm>> -> memref<1x625x64xbf16, #tpu.memory_space<hbm>>
      %dma_start3A_106 = tpu.memref_squeeze %dma_start3A_105 : memref<1x625x64xbf16, #tpu.memory_space<hbm>> -> memref<625x64xbf16, #tpu.memory_space<hbm>>
      %dma_start3A_107 = arith.constant 0 : i32
      %dma_start3A_108 = tpu.memref_slice %arg18[%mul3A_96, %dma_start3A_107] : memref<10000x64xbf16, #tpu.memory_space<vmem_shared>> -> memref<625x64xbf16, #tpu.memory_space<vmem_shared>>
      tpu.enqueue_dma source(%dma_start3A_108 : memref<625x64xbf16, #tpu.memory_space<vmem_shared>>) target(%dma_start3A_106 : memref<625x64xbf16, #tpu.memory_space<hbm>>) target_semaphore(%run_scoped3A : memref<!tpu.dma_semaphore, #tpu.memory_space<semaphore_mem>>)
      %dma_wait3A_109 = arith.constant 0 : i32
      %dma_wait3A_110 = tpu.memref_slice %arg7[%arg0, %mul3A_98, %dma_wait3A_109] : memref<2x10000x64xbf16, #tpu.memory_space<hbm>> -> memref<1x625x64xbf16, #tpu.memory_space<hbm>>
      %dma_wait3A_111 = tpu.memref_squeeze %dma_wait3A_110 : memref<1x625x64xbf16, #tpu.memory_space<hbm>> -> memref<625x64xbf16, #tpu.memory_space<hbm>>
      %dma_wait3A_112 = arith.constant 0 : i32
      %dma_wait3A_113 = tpu.memref_slice %arg18[%mul3A_96, %dma_wait3A_112] : memref<10000x64xbf16, #tpu.memory_space<vmem_shared>> -> memref<625x64xbf16, #tpu.memory_space<vmem_shared>>
      tpu.wait_dma2 semaphore(%run_scoped3A : memref<!tpu.dma_semaphore, #tpu.memory_space<semaphore_mem>>) src(%dma_wait3A_113 : memref<625x64xbf16, #tpu.memory_space<vmem_shared>>) dst(%dma_wait3A_111 : memref<625x64xbf16, #tpu.memory_space<hbm>>)
      tpu.yield
    }) : () -> ()
    %eq3A_99 = arith.constant 0 : i32
    %eq3A_100 = arith.cmpi eq, %arg0, %eq3A_99 : i32
    %convert_element_type3A_101 = arith.extui %eq3A_100 : i1 to i32
    %cond3A_102 = arith.constant 0 : i32
    %cond3A_103 = arith.cmpi ne, %convert_element_type3A_101, %cond3A_102 : i32
    scf.if %cond3A_103 {
      "tpu.region"() ({
        %run_scoped3A = tpu.sem_alloc : memref<!tpu.dma_semaphore, #tpu.memory_space<semaphore_mem>>
        %dma_start3A_104 = arith.constant 0 : i32
        %dma_start3A_105 = tpu.memref_slice %arg8[%arg1, %dma_start3A_104] : memref<16x10000xf32, #tpu.memory_space<hbm>> -> memref<1x10000xf32, #tpu.memory_space<hbm>>
        %dma_start3A_106 = tpu.memref_squeeze %dma_start3A_105 : memref<1x10000xf32, #tpu.memory_space<hbm>> -> memref<10000xf32, #tpu.memory_space<hbm>>
        %dma_start3A_107 = arith.constant 0 : i32
        %dma_start3A_108 = tpu.memref_slice %arg8[%arg1, %dma_start3A_107] : memref<16x10000xf32, #tpu.memory_space<hbm>> -> memref<1x10000xf32, #tpu.memory_space<hbm>>
        %dma_start3A_109 = tpu.memref_squeeze %dma_start3A_108 : memref<1x10000xf32, #tpu.memory_space<hbm>> -> memref<10000xf32, #tpu.memory_space<hbm>>
        tpu.enqueue_dma source(%arg25 : memref<10000xf32, #tpu.memory_space<vmem>>) target(%dma_start3A_109 : memref<10000xf32, #tpu.memory_space<hbm>>) target_semaphore(%run_scoped3A : memref<!tpu.dma_semaphore, #tpu.memory_space<semaphore_mem>>)
        %dma_wait3A_110 = arith.constant 0 : i32
        %dma_wait3A_111 = tpu.memref_slice %arg8[%arg1, %dma_wait3A_110] : memref<16x10000xf32, #tpu.memory_space<hbm>> -> memref<1x10000xf32, #tpu.memory_space<hbm>>
        %dma_wait3A_112 = tpu.memref_squeeze %dma_wait3A_111 : memref<1x10000xf32, #tpu.memory_space<hbm>> -> memref<10000xf32, #tpu.memory_space<hbm>>
        %dma_wait3A_113 = arith.constant 0 : i32
        %dma_wait3A_114 = tpu.memref_slice %arg8[%arg1, %dma_wait3A_113] : memref<16x10000xf32, #tpu.memory_space<hbm>> -> memref<1x10000xf32, #tpu.memory_space<hbm>>
        %dma_wait3A_115 = tpu.memref_squeeze %dma_wait3A_114 : memref<1x10000xf32, #tpu.memory_space<hbm>> -> memref<10000xf32, #tpu.memory_space<hbm>>
        tpu.wait_dma2 semaphore(%run_scoped3A : memref<!tpu.dma_semaphore, #tpu.memory_space<semaphore_mem>>) src(%arg25 : memref<10000xf32, #tpu.memory_space<vmem>>) dst(%dma_wait3A_115 : memref<10000xf32, #tpu.memory_space<hbm>>)
        tpu.yield
      }) : () -> ()
    } else {
    }
    return
  }
}

#map = affine_map<(d0, d1) -> (0, 0)>
#map1 = affine_map<(d0, d1) -> (0, 0, 0, 0)>
#map2 = affine_map<(d0, d1) -> (0, 0, 0)>
module attributes {stable_mosaic.version = 14 : i64} {
  func.func @body(%arg0: i32, %arg1: i32, %arg2: memref<10000x32xbf16, #tpu.memory_space<hbm>>, %arg3: memref<10000x32xbf16, #tpu.memory_space<hbm>>, %arg4: memref<10000x32xbf16, #tpu.memory_space<hbm>>, %arg5: memref<10000x32xbf16, #tpu.memory_space<hbm>>, %arg6: memref<2x16x158x128xi32, #tpu.memory_space<hbm>>, %arg7: memref<2x10000x32xbf16, #tpu.memory_space<hbm>>, %arg8: memref<158x128xi32, #tpu.memory_space<vmem>>, %arg9: memref<158x128xi32, #tpu.memory_space<vmem>>, %arg10: memref<128x32xbf16, #tpu.memory_space<vmem>>, %arg11: memref<128x32xbf16, #tpu.memory_space<vmem>>, %arg12: memref<128x32xbf16, #tpu.memory_space<vmem>>, %arg13: memref<128x32xbf16, #tpu.memory_space<vmem>>, %arg14: memref<128x32xbf16, #tpu.memory_space<vmem>>, %arg15: memref<128x32xbf16, #tpu.memory_space<vmem>>, %arg16: memref<125x32xbf16, #tpu.memory_space<vmem>>, %arg17: memref<10000x32xbf16, #tpu.memory_space<vmem_shared>>, %arg18: memref<!tpu.dma_semaphore, #tpu.memory_space<semaphore_mem>>, %arg19: memref<!tpu.dma_semaphore, #tpu.memory_space<semaphore_mem>>, %arg20: memref<!tpu.dma_semaphore, #tpu.memory_space<semaphore_mem>>, %arg21: memref<!tpu.dma_semaphore, #tpu.memory_space<semaphore_mem>>, %arg22: memref<!tpu.dma_semaphore, #tpu.memory_space<semaphore_mem>>, %arg23: memref<!tpu.dma_semaphore, #tpu.memory_space<semaphore_mem>>) attributes {dimension_semantics = [#tpu.dimension_semantics<core_parallel>, #tpu.dimension_semantics<subcore_parallel>], iteration_bounds = array<i64: 2, 16>, scalar_prefetch = 0 : i64, scratch_operands = 16 : i64, tpu.core_type = #tpu.core_type<sc_vector_subcore>, window_params = [{transform_indices = #map}, {transform_indices = #map}, {transform_indices = #map}, {transform_indices = #map}, {transform_indices = #map1}, {transform_indices = #map2}]} {
    %dma_start3A = arith.constant 1 : i32
    %dma_start3A_0 = arith.constant 0 : i32
    %dma_start3A_1 = arith.constant 0 : i32
    %dma_start3A_2 = tpu.memref_slice %arg6[%dma_start3A, %arg1, %dma_start3A_0, %dma_start3A_1] : memref<2x16x158x128xi32, #tpu.memory_space<hbm>> -> memref<1x1x158x128xi32, #tpu.memory_space<hbm>>
    %dma_start3A_3 = tpu.memref_squeeze %dma_start3A_2 : memref<1x1x158x128xi32, #tpu.memory_space<hbm>> -> memref<158x128xi32, #tpu.memory_space<hbm>>
    %dma_start3A_4 = arith.constant 0 : i32
    %dma_start3A_5 = arith.constant 0 : i32
    %dma_start3A_6 = tpu.memref_slice %arg6[%dma_start3A, %arg1, %dma_start3A_4, %dma_start3A_5] : memref<2x16x158x128xi32, #tpu.memory_space<hbm>> -> memref<1x1x158x128xi32, #tpu.memory_space<hbm>>
    %dma_start3A_7 = tpu.memref_squeeze %dma_start3A_6 : memref<1x1x158x128xi32, #tpu.memory_space<hbm>> -> memref<158x128xi32, #tpu.memory_space<hbm>>
    tpu.enqueue_dma source(%dma_start3A_7 : memref<158x128xi32, #tpu.memory_space<hbm>>) target(%arg8 : memref<158x128xi32, #tpu.memory_space<vmem>>) target_semaphore(%arg18 : memref<!tpu.dma_semaphore, #tpu.memory_space<semaphore_mem>>)
    %dma_start3A_8 = arith.constant 0 : i32
    %dma_start3A_9 = arith.constant 0 : i32
    %dma_start3A_10 = arith.constant 0 : i32
    %dma_start3A_11 = tpu.memref_slice %arg6[%dma_start3A_8, %arg1, %dma_start3A_9, %dma_start3A_10] : memref<2x16x158x128xi32, #tpu.memory_space<hbm>> -> memref<1x1x158x128xi32, #tpu.memory_space<hbm>>
    %dma_start3A_12 = tpu.memref_squeeze %dma_start3A_11 : memref<1x1x158x128xi32, #tpu.memory_space<hbm>> -> memref<158x128xi32, #tpu.memory_space<hbm>>
    %dma_start3A_13 = arith.constant 0 : i32
    %dma_start3A_14 = arith.constant 0 : i32
    %dma_start3A_15 = tpu.memref_slice %arg6[%dma_start3A_8, %arg1, %dma_start3A_13, %dma_start3A_14] : memref<2x16x158x128xi32, #tpu.memory_space<hbm>> -> memref<1x1x158x128xi32, #tpu.memory_space<hbm>>
    %dma_start3A_16 = tpu.memref_squeeze %dma_start3A_15 : memref<1x1x158x128xi32, #tpu.memory_space<hbm>> -> memref<158x128xi32, #tpu.memory_space<hbm>>
    tpu.enqueue_dma source(%dma_start3A_16 : memref<158x128xi32, #tpu.memory_space<hbm>>) target(%arg9 : memref<158x128xi32, #tpu.memory_space<vmem>>) target_semaphore(%arg20 : memref<!tpu.dma_semaphore, #tpu.memory_space<semaphore_mem>>)
    %scan3A = arith.constant 0 : i32
    %scan3A_17 = arith.constant 0 : i32
    %scan3A_18 = arith.constant 125 : i32
    %scan3A_19 = arith.addi %scan3A_17, %scan3A_18 : i32
    %scan3A_20 = arith.constant 1 : i32
    %scan3A_21 = scf.for %scan3A_92 = %scan3A_17 to %scan3A_19 step %scan3A_20 iter_args(%scan3A_93 = %scan3A) -> (i32)  : i32 {
      %broadcast_in_dim3A = arith.constant 0.000000e+00 : bf16
      %broadcast_in_dim3A_94 = vector.broadcast %broadcast_in_dim3A : bf16 to vector<32xbf16>
      %swap3A = arith.index_cast %scan3A_92 : i32 to index
      %swap3A_95 = arith.constant 0 : index
      %swap3A_96 = tpu.vector_load %arg16[%swap3A, %swap3A_95] {strides = array<i32>} : memref<125x32xbf16, #tpu.memory_space<vmem>>, vector<32xbf16>,
      tpu.vector_store %arg16[%swap3A, %swap3A_95], %broadcast_in_dim3A_94 {strides = array<i32>} : memref<125x32xbf16, #tpu.memory_space<vmem>>, vector<32xbf16>,
      %scan3A_97 = arith.constant 0 : i32
      scf.yield %scan3A_97 : i32
    }
    %scan3A_22 = arith.constant 125 : i32
    %mul3A = arith.constant 625 : i32
    %mul3A_23 = arith.muli %arg1, %mul3A : i32
    %add3A = arith.constant 0 : i32
    %add3A_24 = arith.addi %mul3A_23, %add3A : i32
    "tpu.region"() ({
      %run_scoped3A = tpu.sem_alloc : memref<!tpu.dma_semaphore, #tpu.memory_space<semaphore_mem>>
      %dma_start3A_92 = arith.constant 0 : i32
      %dma_start3A_93 = tpu.memref_slice %arg17[%add3A_24, %dma_start3A_92] : memref<10000x32xbf16, #tpu.memory_space<vmem_shared>> -> memref<125x32xbf16, #tpu.memory_space<vmem_shared>>
      %dma_start3A_94 = arith.constant 0 : i32
      %dma_start3A_95 = tpu.memref_slice %arg17[%add3A_24, %dma_start3A_94] : memref<10000x32xbf16, #tpu.memory_space<vmem_shared>> -> memref<125x32xbf16, #tpu.memory_space<vmem_shared>>
      tpu.enqueue_dma source(%arg16 : memref<125x32xbf16, #tpu.memory_space<vmem>>) target(%dma_start3A_95 : memref<125x32xbf16, #tpu.memory_space<vmem_shared>>) target_semaphore(%run_scoped3A : memref<!tpu.dma_semaphore, #tpu.memory_space<semaphore_mem>>)
      %dma_wait3A_96 = arith.constant 0 : i32
      %dma_wait3A_97 = tpu.memref_slice %arg17[%add3A_24, %dma_wait3A_96] : memref<10000x32xbf16, #tpu.memory_space<vmem_shared>> -> memref<125x32xbf16, #tpu.memory_space<vmem_shared>>
      %dma_wait3A_98 = arith.constant 0 : i32
      %dma_wait3A_99 = tpu.memref_slice %arg17[%add3A_24, %dma_wait3A_98] : memref<10000x32xbf16, #tpu.memory_space<vmem_shared>> -> memref<125x32xbf16, #tpu.memory_space<vmem_shared>>
      tpu.wait_dma2 semaphore(%run_scoped3A : memref<!tpu.dma_semaphore, #tpu.memory_space<semaphore_mem>>) src(%arg16 : memref<125x32xbf16, #tpu.memory_space<vmem>>) dst(%dma_wait3A_99 : memref<125x32xbf16, #tpu.memory_space<vmem_shared>>)
      tpu.yield
    }) : () -> ()
    %mul3A_25 = arith.constant 625 : i32
    %mul3A_26 = arith.muli %arg1, %mul3A_25 : i32
    %add3A_27 = arith.constant 125 : i32
    %add3A_28 = arith.addi %mul3A_26, %add3A_27 : i32
    "tpu.region"() ({
      %run_scoped3A = tpu.sem_alloc : memref<!tpu.dma_semaphore, #tpu.memory_space<semaphore_mem>>
      %dma_start3A_92 = arith.constant 0 : i32
      %dma_start3A_93 = tpu.memref_slice %arg17[%add3A_28, %dma_start3A_92] : memref<10000x32xbf16, #tpu.memory_space<vmem_shared>> -> memref<125x32xbf16, #tpu.memory_space<vmem_shared>>
      %dma_start3A_94 = arith.constant 0 : i32
      %dma_start3A_95 = tpu.memref_slice %arg17[%add3A_28, %dma_start3A_94] : memref<10000x32xbf16, #tpu.memory_space<vmem_shared>> -> memref<125x32xbf16, #tpu.memory_space<vmem_shared>>
      tpu.enqueue_dma source(%arg16 : memref<125x32xbf16, #tpu.memory_space<vmem>>) target(%dma_start3A_95 : memref<125x32xbf16, #tpu.memory_space<vmem_shared>>) target_semaphore(%run_scoped3A : memref<!tpu.dma_semaphore, #tpu.memory_space<semaphore_mem>>)
      %dma_wait3A_96 = arith.constant 0 : i32
      %dma_wait3A_97 = tpu.memref_slice %arg17[%add3A_28, %dma_wait3A_96] : memref<10000x32xbf16, #tpu.memory_space<vmem_shared>> -> memref<125x32xbf16, #tpu.memory_space<vmem_shared>>
      %dma_wait3A_98 = arith.constant 0 : i32
      %dma_wait3A_99 = tpu.memref_slice %arg17[%add3A_28, %dma_wait3A_98] : memref<10000x32xbf16, #tpu.memory_space<vmem_shared>> -> memref<125x32xbf16, #tpu.memory_space<vmem_shared>>
      tpu.wait_dma2 semaphore(%run_scoped3A : memref<!tpu.dma_semaphore, #tpu.memory_space<semaphore_mem>>) src(%arg16 : memref<125x32xbf16, #tpu.memory_space<vmem>>) dst(%dma_wait3A_99 : memref<125x32xbf16, #tpu.memory_space<vmem_shared>>)
      tpu.yield
    }) : () -> ()
    %mul3A_29 = arith.constant 625 : i32
    %mul3A_30 = arith.muli %arg1, %mul3A_29 : i32
    %add3A_31 = arith.constant 250 : i32
    %add3A_32 = arith.addi %mul3A_30, %add3A_31 : i32
    "tpu.region"() ({
      %run_scoped3A = tpu.sem_alloc : memref<!tpu.dma_semaphore, #tpu.memory_space<semaphore_mem>>
      %dma_start3A_92 = arith.constant 0 : i32
      %dma_start3A_93 = tpu.memref_slice %arg17[%add3A_32, %dma_start3A_92] : memref<10000x32xbf16, #tpu.memory_space<vmem_shared>> -> memref<125x32xbf16, #tpu.memory_space<vmem_shared>>
      %dma_start3A_94 = arith.constant 0 : i32
      %dma_start3A_95 = tpu.memref_slice %arg17[%add3A_32, %dma_start3A_94] : memref<10000x32xbf16, #tpu.memory_space<vmem_shared>> -> memref<125x32xbf16, #tpu.memory_space<vmem_shared>>
      tpu.enqueue_dma source(%arg16 : memref<125x32xbf16, #tpu.memory_space<vmem>>) target(%dma_start3A_95 : memref<125x32xbf16, #tpu.memory_space<vmem_shared>>) target_semaphore(%run_scoped3A : memref<!tpu.dma_semaphore, #tpu.memory_space<semaphore_mem>>)
      %dma_wait3A_96 = arith.constant 0 : i32
      %dma_wait3A_97 = tpu.memref_slice %arg17[%add3A_32, %dma_wait3A_96] : memref<10000x32xbf16, #tpu.memory_space<vmem_shared>> -> memref<125x32xbf16, #tpu.memory_space<vmem_shared>>
      %dma_wait3A_98 = arith.constant 0 : i32
      %dma_wait3A_99 = tpu.memref_slice %arg17[%add3A_32, %dma_wait3A_98] : memref<10000x32xbf16, #tpu.memory_space<vmem_shared>> -> memref<125x32xbf16, #tpu.memory_space<vmem_shared>>
      tpu.wait_dma2 semaphore(%run_scoped3A : memref<!tpu.dma_semaphore, #tpu.memory_space<semaphore_mem>>) src(%arg16 : memref<125x32xbf16, #tpu.memory_space<vmem>>) dst(%dma_wait3A_99 : memref<125x32xbf16, #tpu.memory_space<vmem_shared>>)
      tpu.yield
    }) : () -> ()
    %mul3A_33 = arith.constant 625 : i32
    %mul3A_34 = arith.muli %arg1, %mul3A_33 : i32
    %add3A_35 = arith.constant 375 : i32
    %add3A_36 = arith.addi %mul3A_34, %add3A_35 : i32
    "tpu.region"() ({
      %run_scoped3A = tpu.sem_alloc : memref<!tpu.dma_semaphore, #tpu.memory_space<semaphore_mem>>
      %dma_start3A_92 = arith.constant 0 : i32
      %dma_start3A_93 = tpu.memref_slice %arg17[%add3A_36, %dma_start3A_92] : memref<10000x32xbf16, #tpu.memory_space<vmem_shared>> -> memref<125x32xbf16, #tpu.memory_space<vmem_shared>>
      %dma_start3A_94 = arith.constant 0 : i32
      %dma_start3A_95 = tpu.memref_slice %arg17[%add3A_36, %dma_start3A_94] : memref<10000x32xbf16, #tpu.memory_space<vmem_shared>> -> memref<125x32xbf16, #tpu.memory_space<vmem_shared>>
      tpu.enqueue_dma source(%arg16 : memref<125x32xbf16, #tpu.memory_space<vmem>>) target(%dma_start3A_95 : memref<125x32xbf16, #tpu.memory_space<vmem_shared>>) target_semaphore(%run_scoped3A : memref<!tpu.dma_semaphore, #tpu.memory_space<semaphore_mem>>)
      %dma_wait3A_96 = arith.constant 0 : i32
      %dma_wait3A_97 = tpu.memref_slice %arg17[%add3A_36, %dma_wait3A_96] : memref<10000x32xbf16, #tpu.memory_space<vmem_shared>> -> memref<125x32xbf16, #tpu.memory_space<vmem_shared>>
      %dma_wait3A_98 = arith.constant 0 : i32
      %dma_wait3A_99 = tpu.memref_slice %arg17[%add3A_36, %dma_wait3A_98] : memref<10000x32xbf16, #tpu.memory_space<vmem_shared>> -> memref<125x32xbf16, #tpu.memory_space<vmem_shared>>
      tpu.wait_dma2 semaphore(%run_scoped3A : memref<!tpu.dma_semaphore, #tpu.memory_space<semaphore_mem>>) src(%arg16 : memref<125x32xbf16, #tpu.memory_space<vmem>>) dst(%dma_wait3A_99 : memref<125x32xbf16, #tpu.memory_space<vmem_shared>>)
      tpu.yield
    }) : () -> ()
    %mul3A_37 = arith.constant 625 : i32
    %mul3A_38 = arith.muli %arg1, %mul3A_37 : i32
    %add3A_39 = arith.constant 500 : i32
    %add3A_40 = arith.addi %mul3A_38, %add3A_39 : i32
    "tpu.region"() ({
      %run_scoped3A = tpu.sem_alloc : memref<!tpu.dma_semaphore, #tpu.memory_space<semaphore_mem>>
      %dma_start3A_92 = arith.constant 0 : i32
      %dma_start3A_93 = tpu.memref_slice %arg17[%add3A_40, %dma_start3A_92] : memref<10000x32xbf16, #tpu.memory_space<vmem_shared>> -> memref<125x32xbf16, #tpu.memory_space<vmem_shared>>
      %dma_start3A_94 = arith.constant 0 : i32
      %dma_start3A_95 = tpu.memref_slice %arg17[%add3A_40, %dma_start3A_94] : memref<10000x32xbf16, #tpu.memory_space<vmem_shared>> -> memref<125x32xbf16, #tpu.memory_space<vmem_shared>>
      tpu.enqueue_dma source(%arg16 : memref<125x32xbf16, #tpu.memory_space<vmem>>) target(%dma_start3A_95 : memref<125x32xbf16, #tpu.memory_space<vmem_shared>>) target_semaphore(%run_scoped3A : memref<!tpu.dma_semaphore, #tpu.memory_space<semaphore_mem>>)
      %dma_wait3A_96 = arith.constant 0 : i32
      %dma_wait3A_97 = tpu.memref_slice %arg17[%add3A_40, %dma_wait3A_96] : memref<10000x32xbf16, #tpu.memory_space<vmem_shared>> -> memref<125x32xbf16, #tpu.memory_space<vmem_shared>>
      %dma_wait3A_98 = arith.constant 0 : i32
      %dma_wait3A_99 = tpu.memref_slice %arg17[%add3A_40, %dma_wait3A_98] : memref<10000x32xbf16, #tpu.memory_space<vmem_shared>> -> memref<125x32xbf16, #tpu.memory_space<vmem_shared>>
      tpu.wait_dma2 semaphore(%run_scoped3A : memref<!tpu.dma_semaphore, #tpu.memory_space<semaphore_mem>>) src(%arg16 : memref<125x32xbf16, #tpu.memory_space<vmem>>) dst(%dma_wait3A_99 : memref<125x32xbf16, #tpu.memory_space<vmem_shared>>)
      tpu.yield
    }) : () -> ()
    %barrier3A = arith.constant 0 : index
    tpu.barrier barrier_id(%barrier3A)
    %dma_wait3A = arith.constant 1 : i32
    %dma_wait3A_41 = arith.constant 0 : i32
    %dma_wait3A_42 = arith.constant 0 : i32
    %dma_wait3A_43 = tpu.memref_slice %arg6[%dma_wait3A, %arg1, %dma_wait3A_41, %dma_wait3A_42] : memref<2x16x158x128xi32, #tpu.memory_space<hbm>> -> memref<1x1x158x128xi32, #tpu.memory_space<hbm>>
    %dma_wait3A_44 = tpu.memref_squeeze %dma_wait3A_43 : memref<1x1x158x128xi32, #tpu.memory_space<hbm>> -> memref<158x128xi32, #tpu.memory_space<hbm>>
    %dma_wait3A_45 = arith.constant 0 : i32
    %dma_wait3A_46 = arith.constant 0 : i32
    %dma_wait3A_47 = tpu.memref_slice %arg6[%dma_wait3A, %arg1, %dma_wait3A_45, %dma_wait3A_46] : memref<2x16x158x128xi32, #tpu.memory_space<hbm>> -> memref<1x1x158x128xi32, #tpu.memory_space<hbm>>
    %dma_wait3A_48 = tpu.memref_squeeze %dma_wait3A_47 : memref<1x1x158x128xi32, #tpu.memory_space<hbm>> -> memref<158x128xi32, #tpu.memory_space<hbm>>
    tpu.wait_dma2 semaphore(%arg18 : memref<!tpu.dma_semaphore, #tpu.memory_space<semaphore_mem>>) src(%dma_wait3A_48 : memref<158x128xi32, #tpu.memory_space<hbm>>) dst(%arg8 : memref<158x128xi32, #tpu.memory_space<vmem>>)
    %dma_wait3A_49 = arith.constant 0 : i32
    %dma_wait3A_50 = arith.constant 0 : i32
    %dma_wait3A_51 = arith.constant 0 : i32
    %dma_wait3A_52 = tpu.memref_slice %arg6[%dma_wait3A_49, %arg1, %dma_wait3A_50, %dma_wait3A_51] : memref<2x16x158x128xi32, #tpu.memory_space<hbm>> -> memref<1x1x158x128xi32, #tpu.memory_space<hbm>>
    %dma_wait3A_53 = tpu.memref_squeeze %dma_wait3A_52 : memref<1x1x158x128xi32, #tpu.memory_space<hbm>> -> memref<158x128xi32, #tpu.memory_space<hbm>>
    %dma_wait3A_54 = arith.constant 0 : i32
    %dma_wait3A_55 = arith.constant 0 : i32
    %dma_wait3A_56 = tpu.memref_slice %arg6[%dma_wait3A_49, %arg1, %dma_wait3A_54, %dma_wait3A_55] : memref<2x16x158x128xi32, #tpu.memory_space<hbm>> -> memref<1x1x158x128xi32, #tpu.memory_space<hbm>>
    %dma_wait3A_57 = tpu.memref_squeeze %dma_wait3A_56 : memref<1x1x158x128xi32, #tpu.memory_space<hbm>> -> memref<158x128xi32, #tpu.memory_space<hbm>>
    tpu.wait_dma2 semaphore(%arg20 : memref<!tpu.dma_semaphore, #tpu.memory_space<semaphore_mem>>) src(%dma_wait3A_57 : memref<158x128xi32, #tpu.memory_space<hbm>>) dst(%arg9 : memref<158x128xi32, #tpu.memory_space<vmem>>)
    %eq3A = arith.constant 0 : i32
    %eq3A_58 = arith.cmpi eq, %arg0, %eq3A : i32
    %convert_element_type3A = arith.extui %eq3A_58 : i1 to i32
    %cond3A = arith.constant 0 : i32
    %cond3A_59 = arith.constant 0 : i32
    %cond3A_60 = arith.constant 0 : i32
    %cond3A_61 = arith.cmpi ne, %convert_element_type3A, %cond3A_60 : i32
    scf.if %cond3A_61 {
      %dma_start3A_92 = arith.constant 0 : i32
      %dma_start3A_93 = tpu.memref_slice %arg8[%cond3A, %dma_start3A_92] : memref<158x128xi32, #tpu.memory_space<vmem>> -> memref<1x128xi32, #tpu.memory_space<vmem>>
      %dma_start3A_94 = tpu.memref_squeeze %dma_start3A_93 : memref<1x128xi32, #tpu.memory_space<vmem>> -> memref<128xi32, #tpu.memory_space<vmem>>
      %dma_start3A_95 = arith.constant 0 : i32
      %dma_start3A_96 = arith.constant 0 : i32
      %dma_start3A_97 = tpu.memref_slice %arg2[%dma_start3A_95, %dma_start3A_96] : memref<10000x32xbf16, #tpu.memory_space<hbm>> -> memref<10000x32xbf16, #tpu.memory_space<hbm>>
      tpu.enqueue_indirect_dma source(%dma_start3A_97 : memref<10000x32xbf16, #tpu.memory_space<hbm>>) target(%arg10 : memref<128x32xbf16, #tpu.memory_space<vmem>>) offsets(%dma_start3A_94 : memref<128xi32, #tpu.memory_space<vmem>>) semaphore(%arg18 : memref<!tpu.dma_semaphore, #tpu.memory_space<semaphore_mem>>)
      %dma_start3A_98 = arith.constant 0 : i32
      %dma_start3A_99 = tpu.memref_slice %arg9[%cond3A_59, %dma_start3A_98] : memref<158x128xi32, #tpu.memory_space<vmem>> -> memref<1x128xi32, #tpu.memory_space<vmem>>
      %dma_start3A_100 = tpu.memref_squeeze %dma_start3A_99 : memref<1x128xi32, #tpu.memory_space<vmem>> -> memref<128xi32, #tpu.memory_space<vmem>>
      %dma_start3A_101 = arith.constant 0 : i32
      %dma_start3A_102 = arith.constant 0 : i32
      %dma_start3A_103 = tpu.memref_slice %arg4[%dma_start3A_101, %dma_start3A_102] : memref<10000x32xbf16, #tpu.memory_space<hbm>> -> memref<10000x32xbf16, #tpu.memory_space<hbm>>
      tpu.enqueue_indirect_dma source(%dma_start3A_103 : memref<10000x32xbf16, #tpu.memory_space<hbm>>) target(%arg12 : memref<128x32xbf16, #tpu.memory_space<vmem>>) offsets(%dma_start3A_100 : memref<128xi32, #tpu.memory_space<vmem>>) semaphore(%arg20 : memref<!tpu.dma_semaphore, #tpu.memory_space<semaphore_mem>>)
    } else {
    }
    %ne3A = arith.constant 0 : i32
    %ne3A_62 = arith.cmpi ne, %arg0, %ne3A : i32
    %convert_element_type3A_63 = arith.extui %ne3A_62 : i1 to i32
    %cond3A_64 = arith.constant 0 : i32
    %cond3A_65 = arith.constant 0 : i32
    %cond3A_66 = arith.constant 0 : i32
    %cond3A_67 = arith.cmpi ne, %convert_element_type3A_63, %cond3A_66 : i32
    scf.if %cond3A_67 {
      %dma_start3A_92 = arith.constant 0 : i32
      %dma_start3A_93 = tpu.memref_slice %arg8[%cond3A_64, %dma_start3A_92] : memref<158x128xi32, #tpu.memory_space<vmem>> -> memref<1x128xi32, #tpu.memory_space<vmem>>
      %dma_start3A_94 = tpu.memref_squeeze %dma_start3A_93 : memref<1x128xi32, #tpu.memory_space<vmem>> -> memref<128xi32, #tpu.memory_space<vmem>>
      %dma_start3A_95 = arith.constant 0 : i32
      %dma_start3A_96 = arith.constant 0 : i32
      %dma_start3A_97 = tpu.memref_slice %arg3[%dma_start3A_95, %dma_start3A_96] : memref<10000x32xbf16, #tpu.memory_space<hbm>> -> memref<10000x32xbf16, #tpu.memory_space<hbm>>
      tpu.enqueue_indirect_dma source(%dma_start3A_97 : memref<10000x32xbf16, #tpu.memory_space<hbm>>) target(%arg10 : memref<128x32xbf16, #tpu.memory_space<vmem>>) offsets(%dma_start3A_94 : memref<128xi32, #tpu.memory_space<vmem>>) semaphore(%arg18 : memref<!tpu.dma_semaphore, #tpu.memory_space<semaphore_mem>>)
      %dma_start3A_98 = arith.constant 0 : i32
      %dma_start3A_99 = tpu.memref_slice %arg9[%cond3A_65, %dma_start3A_98] : memref<158x128xi32, #tpu.memory_space<vmem>> -> memref<1x128xi32, #tpu.memory_space<vmem>>
      %dma_start3A_100 = tpu.memref_squeeze %dma_start3A_99 : memref<1x128xi32, #tpu.memory_space<vmem>> -> memref<128xi32, #tpu.memory_space<vmem>>
      %dma_start3A_101 = arith.constant 0 : i32
      %dma_start3A_102 = arith.constant 0 : i32
      %dma_start3A_103 = tpu.memref_slice %arg5[%dma_start3A_101, %dma_start3A_102] : memref<10000x32xbf16, #tpu.memory_space<hbm>> -> memref<10000x32xbf16, #tpu.memory_space<hbm>>
      tpu.enqueue_indirect_dma source(%dma_start3A_103 : memref<10000x32xbf16, #tpu.memory_space<hbm>>) target(%arg12 : memref<128x32xbf16, #tpu.memory_space<vmem>>) offsets(%dma_start3A_100 : memref<128xi32, #tpu.memory_space<vmem>>) semaphore(%arg20 : memref<!tpu.dma_semaphore, #tpu.memory_space<semaphore_mem>>)
    } else {
    }
    %scan3A_68 = arith.constant 0 : i32
    %scan3A_69 = arith.constant 0 : i32
    %scan3A_70 = arith.constant 79 : i32
    %scan3A_71 = arith.addi %scan3A_69, %scan3A_70 : i32
    %scan3A_72 = arith.constant 1 : i32
    %scan3A_73 = scf.for %scan3A_92 = %scan3A_69 to %scan3A_71 step %scan3A_72 iter_args(%scan3A_93 = %scan3A_68) -> (i32)  : i32 {
      %mul3A_94 = arith.constant 2 : i32
      %mul3A_95 = arith.muli %mul3A_94, %scan3A_92 : i32
      %add3A_96 = arith.constant 0 : i32
      %add3A_97 = arith.addi %mul3A_95, %add3A_96 : i32
      %add3A_98 = arith.constant 1 : i32
      %add3A_99 = arith.addi %add3A_97, %add3A_98 : i32
      %eq3A_100 = arith.constant 0 : i32
      %eq3A_101 = arith.cmpi eq, %arg0, %eq3A_100 : i32
      %convert_element_type3A_102 = arith.extui %eq3A_101 : i1 to i32
      %cond3A_103 = arith.constant 0 : i32
      %cond3A_104 = arith.cmpi ne, %convert_element_type3A_102, %cond3A_103 : i32
      scf.if %cond3A_104 {
        %dma_start3A_198 = arith.constant 0 : i32
        %dma_start3A_199 = tpu.memref_slice %arg8[%add3A_99, %dma_start3A_198] : memref<158x128xi32, #tpu.memory_space<vmem>> -> memref<1x128xi32, #tpu.memory_space<vmem>>
        %dma_start3A_200 = tpu.memref_squeeze %dma_start3A_199 : memref<1x128xi32, #tpu.memory_space<vmem>> -> memref<128xi32, #tpu.memory_space<vmem>>
        %dma_start3A_201 = arith.constant 0 : i32
        %dma_start3A_202 = arith.constant 0 : i32
        %dma_start3A_203 = tpu.memref_slice %arg2[%dma_start3A_201, %dma_start3A_202] : memref<10000x32xbf16, #tpu.memory_space<hbm>> -> memref<10000x32xbf16, #tpu.memory_space<hbm>>
        tpu.enqueue_indirect_dma source(%dma_start3A_203 : memref<10000x32xbf16, #tpu.memory_space<hbm>>) target(%arg11 : memref<128x32xbf16, #tpu.memory_space<vmem>>) offsets(%dma_start3A_200 : memref<128xi32, #tpu.memory_space<vmem>>) semaphore(%arg19 : memref<!tpu.dma_semaphore, #tpu.memory_space<semaphore_mem>>)
        %dma_start3A_204 = arith.constant 0 : i32
        %dma_start3A_205 = tpu.memref_slice %arg9[%add3A_99, %dma_start3A_204] : memref<158x128xi32, #tpu.memory_space<vmem>> -> memref<1x128xi32, #tpu.memory_space<vmem>>
        %dma_start3A_206 = tpu.memref_squeeze %dma_start3A_205 : memref<1x128xi32, #tpu.memory_space<vmem>> -> memref<128xi32, #tpu.memory_space<vmem>>
        %dma_start3A_207 = arith.constant 0 : i32
        %dma_start3A_208 = arith.constant 0 : i32
        %dma_start3A_209 = tpu.memref_slice %arg4[%dma_start3A_207, %dma_start3A_208] : memref<10000x32xbf16, #tpu.memory_space<hbm>> -> memref<10000x32xbf16, #tpu.memory_space<hbm>>
        tpu.enqueue_indirect_dma source(%dma_start3A_209 : memref<10000x32xbf16, #tpu.memory_space<hbm>>) target(%arg13 : memref<128x32xbf16, #tpu.memory_space<vmem>>) offsets(%dma_start3A_206 : memref<128xi32, #tpu.memory_space<vmem>>) semaphore(%arg21 : memref<!tpu.dma_semaphore, #tpu.memory_space<semaphore_mem>>)
      } else {
      }
      %ne3A_105 = arith.constant 0 : i32
      %ne3A_106 = arith.cmpi ne, %arg0, %ne3A_105 : i32
      %convert_element_type3A_107 = arith.extui %ne3A_106 : i1 to i32
      %cond3A_108 = arith.constant 0 : i32
      %cond3A_109 = arith.cmpi ne, %convert_element_type3A_107, %cond3A_108 : i32
      scf.if %cond3A_109 {
        %dma_start3A_198 = arith.constant 0 : i32
        %dma_start3A_199 = tpu.memref_slice %arg8[%add3A_99, %dma_start3A_198] : memref<158x128xi32, #tpu.memory_space<vmem>> -> memref<1x128xi32, #tpu.memory_space<vmem>>
        %dma_start3A_200 = tpu.memref_squeeze %dma_start3A_199 : memref<1x128xi32, #tpu.memory_space<vmem>> -> memref<128xi32, #tpu.memory_space<vmem>>
        %dma_start3A_201 = arith.constant 0 : i32
        %dma_start3A_202 = arith.constant 0 : i32
        %dma_start3A_203 = tpu.memref_slice %arg3[%dma_start3A_201, %dma_start3A_202] : memref<10000x32xbf16, #tpu.memory_space<hbm>> -> memref<10000x32xbf16, #tpu.memory_space<hbm>>
        tpu.enqueue_indirect_dma source(%dma_start3A_203 : memref<10000x32xbf16, #tpu.memory_space<hbm>>) target(%arg11 : memref<128x32xbf16, #tpu.memory_space<vmem>>) offsets(%dma_start3A_200 : memref<128xi32, #tpu.memory_space<vmem>>) semaphore(%arg19 : memref<!tpu.dma_semaphore, #tpu.memory_space<semaphore_mem>>)
        %dma_start3A_204 = arith.constant 0 : i32
        %dma_start3A_205 = tpu.memref_slice %arg9[%add3A_99, %dma_start3A_204] : memref<158x128xi32, #tpu.memory_space<vmem>> -> memref<1x128xi32, #tpu.memory_space<vmem>>
        %dma_start3A_206 = tpu.memref_squeeze %dma_start3A_205 : memref<1x128xi32, #tpu.memory_space<vmem>> -> memref<128xi32, #tpu.memory_space<vmem>>
        %dma_start3A_207 = arith.constant 0 : i32
        %dma_start3A_208 = arith.constant 0 : i32
        %dma_start3A_209 = tpu.memref_slice %arg5[%dma_start3A_207, %dma_start3A_208] : memref<10000x32xbf16, #tpu.memory_space<hbm>> -> memref<10000x32xbf16, #tpu.memory_space<hbm>>
        tpu.enqueue_indirect_dma source(%dma_start3A_209 : memref<10000x32xbf16, #tpu.memory_space<hbm>>) target(%arg13 : memref<128x32xbf16, #tpu.memory_space<vmem>>) offsets(%dma_start3A_206 : memref<128xi32, #tpu.memory_space<vmem>>) semaphore(%arg21 : memref<!tpu.dma_semaphore, #tpu.memory_space<semaphore_mem>>)
      } else {
      }
      %dma_wait3A_110 = arith.constant 0 : i32
      %dma_wait3A_111 = arith.constant 0 : i32
      %dma_wait3A_112 = tpu.memref_slice %arg2[%dma_wait3A_110, %dma_wait3A_111] : memref<10000x32xbf16, #tpu.memory_space<hbm>> -> memref<128x32xbf16, #tpu.memory_space<hbm>>
      %dma_wait3A_113 = arith.constant 0 : i32
      %dma_wait3A_114 = arith.constant 0 : i32
      %dma_wait3A_115 = tpu.memref_slice %arg2[%dma_wait3A_113, %dma_wait3A_114] : memref<10000x32xbf16, #tpu.memory_space<hbm>> -> memref<128x32xbf16, #tpu.memory_space<hbm>>
      tpu.wait_dma2 semaphore(%arg18 : memref<!tpu.dma_semaphore, #tpu.memory_space<semaphore_mem>>) src(%dma_wait3A_115 : memref<128x32xbf16, #tpu.memory_space<hbm>>) dst(%arg10 : memref<128x32xbf16, #tpu.memory_space<vmem>>)
      %dma_wait3A_116 = arith.constant 0 : i32
      %dma_wait3A_117 = arith.constant 0 : i32
      %dma_wait3A_118 = tpu.memref_slice %arg4[%dma_wait3A_116, %dma_wait3A_117] : memref<10000x32xbf16, #tpu.memory_space<hbm>> -> memref<128x32xbf16, #tpu.memory_space<hbm>>
      %dma_wait3A_119 = arith.constant 0 : i32
      %dma_wait3A_120 = arith.constant 0 : i32
      %dma_wait3A_121 = tpu.memref_slice %arg4[%dma_wait3A_119, %dma_wait3A_120] : memref<10000x32xbf16, #tpu.memory_space<hbm>> -> memref<128x32xbf16, #tpu.memory_space<hbm>>
      tpu.wait_dma2 semaphore(%arg20 : memref<!tpu.dma_semaphore, #tpu.memory_space<semaphore_mem>>) src(%dma_wait3A_121 : memref<128x32xbf16, #tpu.memory_space<hbm>>) dst(%arg12 : memref<128x32xbf16, #tpu.memory_space<vmem>>)
      %gt3A = arith.constant 0 : i32
      %gt3A_122 = arith.cmpi sgt, %scan3A_92, %gt3A : i32
      %convert_element_type3A_123 = arith.extui %gt3A_122 : i1 to i32
      %cond3A_124 = arith.constant 0 : i32
      %cond3A_125 = arith.cmpi ne, %convert_element_type3A_123, %cond3A_124 : i32
      scf.if %cond3A_125 {
        %dma_wait3A_198 = arith.constant 0 : i32
        %dma_wait3A_199 = arith.constant 0 : i32
        %dma_wait3A_200 = tpu.memref_slice %arg17[%dma_wait3A_198, %dma_wait3A_199] : memref<10000x32xbf16, #tpu.memory_space<vmem_shared>> -> memref<128x32xbf16, #tpu.memory_space<vmem_shared>>
        %dma_wait3A_201 = arith.constant 0 : i32
        %dma_wait3A_202 = arith.constant 0 : i32
        %dma_wait3A_203 = tpu.memref_slice %arg17[%dma_wait3A_201, %dma_wait3A_202] : memref<10000x32xbf16, #tpu.memory_space<vmem_shared>> -> memref<128x32xbf16, #tpu.memory_space<vmem_shared>>
        tpu.wait_dma2 semaphore(%arg22 : memref<!tpu.dma_semaphore, #tpu.memory_space<semaphore_mem>>) src(%arg14 : memref<128x32xbf16, #tpu.memory_space<vmem>>) dst(%dma_wait3A_203 : memref<128x32xbf16, #tpu.memory_space<vmem_shared>>)
      } else {
      }
      %scan3A_126 = arith.constant 0 : i32
      %scan3A_127 = arith.constant 0 : i32
      %scan3A_128 = arith.constant 32 : i32
      %scan3A_129 = arith.addi %scan3A_127, %scan3A_128 : i32
      %scan3A_130 = arith.constant 1 : i32
      %scan3A_131 = scf.for %scan3A_198 = %scan3A_127 to %scan3A_129 step %scan3A_130 iter_args(%scan3A_199 = %scan3A_126) -> (i32)  : i32 {
        %mul3A_200 = arith.constant 4 : i32
        %mul3A_201 = arith.muli %scan3A_198, %mul3A_200 : i32
        %add3A_202 = arith.constant 0 : i32
        %add3A_203 = arith.addi %mul3A_201, %add3A_202 : i32
        %get3A = arith.index_cast %add3A_203 : i32 to index
        %get3A_204 = arith.constant 0 : index
        %get3A_205 = tpu.vector_load %arg10[%get3A, %get3A_204] {strides = array<i32>} : memref<128x32xbf16, #tpu.memory_space<vmem>>, vector<32xbf16>,
        %get3A_206 = arith.index_cast %add3A_203 : i32 to index
        %get3A_207 = arith.constant 0 : index
        %get3A_208 = tpu.vector_load %arg12[%get3A_206, %get3A_207] {strides = array<i32>} : memref<128x32xbf16, #tpu.memory_space<vmem>>, vector<32xbf16>,
        %add3A_209 = arith.addf %get3A_205, %get3A_208 : vector<32xbf16>
        %max3A = arith.constant 0.000000e+00 : bf16
        %max3A_210 = vector.broadcast %max3A : bf16 to vector<32xbf16>
        %max3A_211 = arith.maximumf %add3A_209, %max3A_210 : vector<32xbf16>
        %swap3A = arith.index_cast %add3A_203 : i32 to index
        %swap3A_212 = arith.constant 0 : index
        %swap3A_213 = tpu.vector_load %arg14[%swap3A, %swap3A_212] {strides = array<i32>} : memref<128x32xbf16, #tpu.memory_space<vmem>>, vector<32xbf16>,
        tpu.vector_store %arg14[%swap3A, %swap3A_212], %max3A_211 {strides = array<i32>} : memref<128x32xbf16, #tpu.memory_space<vmem>>, vector<32xbf16>,
        %add3A_214 = arith.constant 1 : i32
        %add3A_215 = arith.addi %mul3A_201, %add3A_214 : i32
        %get3A_216 = arith.index_cast %add3A_215 : i32 to index
        %get3A_217 = arith.constant 0 : index
        %get3A_218 = tpu.vector_load %arg10[%get3A_216, %get3A_217] {strides = array<i32>} : memref<128x32xbf16, #tpu.memory_space<vmem>>, vector<32xbf16>,
        %get3A_219 = arith.index_cast %add3A_215 : i32 to index
        %get3A_220 = arith.constant 0 : index
        %get3A_221 = tpu.vector_load %arg12[%get3A_219, %get3A_220] {strides = array<i32>} : memref<128x32xbf16, #tpu.memory_space<vmem>>, vector<32xbf16>,
        %add3A_222 = arith.addf %get3A_218, %get3A_221 : vector<32xbf16>
        %max3A_223 = arith.constant 0.000000e+00 : bf16
        %max3A_224 = vector.broadcast %max3A_223 : bf16 to vector<32xbf16>
        %max3A_225 = arith.maximumf %add3A_222, %max3A_224 : vector<32xbf16>
        %swap3A_226 = arith.index_cast %add3A_215 : i32 to index
        %swap3A_227 = arith.constant 0 : index
        %swap3A_228 = tpu.vector_load %arg14[%swap3A_226, %swap3A_227] {strides = array<i32>} : memref<128x32xbf16, #tpu.memory_space<vmem>>, vector<32xbf16>,
        tpu.vector_store %arg14[%swap3A_226, %swap3A_227], %max3A_225 {strides = array<i32>} : memref<128x32xbf16, #tpu.memory_space<vmem>>, vector<32xbf16>,
        %add3A_229 = arith.constant 2 : i32
        %add3A_230 = arith.addi %mul3A_201, %add3A_229 : i32
        %get3A_231 = arith.index_cast %add3A_230 : i32 to index
        %get3A_232 = arith.constant 0 : index
        %get3A_233 = tpu.vector_load %arg10[%get3A_231, %get3A_232] {strides = array<i32>} : memref<128x32xbf16, #tpu.memory_space<vmem>>, vector<32xbf16>,
        %get3A_234 = arith.index_cast %add3A_230 : i32 to index
        %get3A_235 = arith.constant 0 : index
        %get3A_236 = tpu.vector_load %arg12[%get3A_234, %get3A_235] {strides = array<i32>} : memref<128x32xbf16, #tpu.memory_space<vmem>>, vector<32xbf16>,
        %add3A_237 = arith.addf %get3A_233, %get3A_236 : vector<32xbf16>
        %max3A_238 = arith.constant 0.000000e+00 : bf16
        %max3A_239 = vector.broadcast %max3A_238 : bf16 to vector<32xbf16>
        %max3A_240 = arith.maximumf %add3A_237, %max3A_239 : vector<32xbf16>
        %swap3A_241 = arith.index_cast %add3A_230 : i32 to index
        %swap3A_242 = arith.constant 0 : index
        %swap3A_243 = tpu.vector_load %arg14[%swap3A_241, %swap3A_242] {strides = array<i32>} : memref<128x32xbf16, #tpu.memory_space<vmem>>, vector<32xbf16>,
        tpu.vector_store %arg14[%swap3A_241, %swap3A_242], %max3A_240 {strides = array<i32>} : memref<128x32xbf16, #tpu.memory_space<vmem>>, vector<32xbf16>,
        %add3A_244 = arith.constant 3 : i32
        %add3A_245 = arith.addi %mul3A_201, %add3A_244 : i32
        %get3A_246 = arith.index_cast %add3A_245 : i32 to index
        %get3A_247 = arith.constant 0 : index
        %get3A_248 = tpu.vector_load %arg10[%get3A_246, %get3A_247] {strides = array<i32>} : memref<128x32xbf16, #tpu.memory_space<vmem>>, vector<32xbf16>,
        %get3A_249 = arith.index_cast %add3A_245 : i32 to index
        %get3A_250 = arith.constant 0 : index
        %get3A_251 = tpu.vector_load %arg12[%get3A_249, %get3A_250] {strides = array<i32>} : memref<128x32xbf16, #tpu.memory_space<vmem>>, vector<32xbf16>,
        %add3A_252 = arith.addf %get3A_248, %get3A_251 : vector<32xbf16>
        %max3A_253 = arith.constant 0.000000e+00 : bf16
        %max3A_254 = vector.broadcast %max3A_253 : bf16 to vector<32xbf16>
        %max3A_255 = arith.maximumf %add3A_252, %max3A_254 : vector<32xbf16>
        %swap3A_256 = arith.index_cast %add3A_245 : i32 to index
        %swap3A_257 = arith.constant 0 : index
        %swap3A_258 = tpu.vector_load %arg14[%swap3A_256, %swap3A_257] {strides = array<i32>} : memref<128x32xbf16, #tpu.memory_space<vmem>>, vector<32xbf16>,
        tpu.vector_store %arg14[%swap3A_256, %swap3A_257], %max3A_255 {strides = array<i32>} : memref<128x32xbf16, #tpu.memory_space<vmem>>, vector<32xbf16>,
        %scan3A_259 = arith.constant 0 : i32
        scf.yield %scan3A_259 : i32
      }
      %scan3A_132 = arith.constant 32 : i32
      %eq3A_133 = arith.constant 156 : i32
      %eq3A_134 = arith.cmpi eq, %add3A_97, %eq3A_133 : i32
      %convert_element_type3A_135 = arith.extui %eq3A_134 : i1 to i32
      %cond3A_136 = arith.constant 0 : i32
      %cond3A_137 = arith.cmpi ne, %convert_element_type3A_135, %cond3A_136 : i32
      scf.if %cond3A_137 {
        %scan3A_198 = arith.constant 0 : i32
        %scan3A_199 = arith.constant 32 : i32
        %scan3A_200 = arith.constant 96 : i32
        %scan3A_201 = arith.addi %scan3A_199, %scan3A_200 : i32
        %scan3A_202 = arith.constant 1 : i32
        %scan3A_203 = scf.for %scan3A_205 = %scan3A_199 to %scan3A_201 step %scan3A_202 iter_args(%scan3A_206 = %scan3A_198) -> (i32)  : i32 {
          %broadcast_in_dim3A = arith.constant 0.000000e+00 : bf16
          %broadcast_in_dim3A_207 = vector.broadcast %broadcast_in_dim3A : bf16 to vector<32xbf16>
          %swap3A = arith.index_cast %scan3A_205 : i32 to index
          %swap3A_208 = arith.constant 0 : index
          %swap3A_209 = tpu.vector_load %arg14[%swap3A, %swap3A_208] {strides = array<i32>} : memref<128x32xbf16, #tpu.memory_space<vmem>>, vector<32xbf16>,
          tpu.vector_store %arg14[%swap3A, %swap3A_208], %broadcast_in_dim3A_207 {strides = array<i32>} : memref<128x32xbf16, #tpu.memory_space<vmem>>, vector<32xbf16>,
          %scan3A_210 = arith.constant 0 : i32
          scf.yield %scan3A_210 : i32
        }
        %scan3A_204 = arith.constant 96 : i32
      } else {
      }
      %gt3A_138 = arith.constant 156 : i32
      %gt3A_139 = arith.cmpi sgt, %add3A_97, %gt3A_138 : i32
      %convert_element_type3A_140 = arith.extui %gt3A_139 : i1 to i32
      %cond3A_141 = arith.constant 0 : i32
      %cond3A_142 = arith.cmpi ne, %convert_element_type3A_140, %cond3A_141 : i32
      scf.if %cond3A_142 {
        %scan3A_198 = arith.constant 0 : i32
        %scan3A_199 = arith.constant 0 : i32
        %scan3A_200 = arith.constant 128 : i32
        %scan3A_201 = arith.addi %scan3A_199, %scan3A_200 : i32
        %scan3A_202 = arith.constant 1 : i32
        %scan3A_203 = scf.for %scan3A_205 = %scan3A_199 to %scan3A_201 step %scan3A_202 iter_args(%scan3A_206 = %scan3A_198) -> (i32)  : i32 {
          %broadcast_in_dim3A = arith.constant 0.000000e+00 : bf16
          %broadcast_in_dim3A_207 = vector.broadcast %broadcast_in_dim3A : bf16 to vector<32xbf16>
          %swap3A = arith.index_cast %scan3A_205 : i32 to index
          %swap3A_208 = arith.constant 0 : index
          %swap3A_209 = tpu.vector_load %arg14[%swap3A, %swap3A_208] {strides = array<i32>} : memref<128x32xbf16, #tpu.memory_space<vmem>>, vector<32xbf16>,
          tpu.vector_store %arg14[%swap3A, %swap3A_208], %broadcast_in_dim3A_207 {strides = array<i32>} : memref<128x32xbf16, #tpu.memory_space<vmem>>, vector<32xbf16>,
          %scan3A_210 = arith.constant 0 : i32
          scf.yield %scan3A_210 : i32
        }
        %scan3A_204 = arith.constant 128 : i32
      } else {
      }
      %dma_start3A_143 = arith.constant 0 : i32
      %dma_start3A_144 = tpu.memref_slice %arg8[%add3A_97, %dma_start3A_143] : memref<158x128xi32, #tpu.memory_space<vmem>> -> memref<1x128xi32, #tpu.memory_space<vmem>>
      %dma_start3A_145 = tpu.memref_squeeze %dma_start3A_144 : memref<1x128xi32, #tpu.memory_space<vmem>> -> memref<128xi32, #tpu.memory_space<vmem>>
      %dma_start3A_146 = arith.constant 0 : i32
      %dma_start3A_147 = arith.constant 0 : i32
      %dma_start3A_148 = tpu.memref_slice %arg17[%dma_start3A_146, %dma_start3A_147] : memref<10000x32xbf16, #tpu.memory_space<vmem_shared>> -> memref<10000x32xbf16, #tpu.memory_space<vmem_shared>>
      tpu.enqueue_indirect_dma source(%arg14 : memref<128x32xbf16, #tpu.memory_space<vmem>>) target(%dma_start3A_148 : memref<10000x32xbf16, #tpu.memory_space<vmem_shared>>) offsets(%dma_start3A_145 : memref<128xi32, #tpu.memory_space<vmem>>) semaphore(%arg22 : memref<!tpu.dma_semaphore, #tpu.memory_space<semaphore_mem>>) {add = true}
      %mul3A_149 = arith.constant 2 : i32
      %mul3A_150 = arith.muli %mul3A_149, %scan3A_92 : i32
      %add3A_151 = arith.constant 1 : i32
      %add3A_152 = arith.addi %mul3A_150, %add3A_151 : i32
      %lt3A = arith.constant 78 : i32
      %lt3A_153 = arith.cmpi slt, %scan3A_92, %lt3A : i32
      %convert_element_type3A_154 = arith.extui %lt3A_153 : i1 to i32
      %cond3A_155 = arith.constant 0 : i32
      %cond3A_156 = arith.cmpi ne, %convert_element_type3A_154, %cond3A_155 : i32
      scf.if %cond3A_156 {
        %add3A_198 = arith.constant 1 : i32
        %add3A_199 = arith.addi %add3A_152, %add3A_198 : i32
        %eq3A_200 = arith.constant 0 : i32
        %eq3A_201 = arith.cmpi eq, %arg0, %eq3A_200 : i32
        %convert_element_type3A_202 = arith.extui %eq3A_201 : i1 to i32
        %cond3A_203 = arith.constant 0 : i32
        %cond3A_204 = arith.cmpi ne, %convert_element_type3A_202, %cond3A_203 : i32
        scf.if %cond3A_204 {
          %dma_start3A_210 = arith.constant 0 : i32
          %dma_start3A_211 = tpu.memref_slice %arg8[%add3A_199, %dma_start3A_210] : memref<158x128xi32, #tpu.memory_space<vmem>> -> memref<1x128xi32, #tpu.memory_space<vmem>>
          %dma_start3A_212 = tpu.memref_squeeze %dma_start3A_211 : memref<1x128xi32, #tpu.memory_space<vmem>> -> memref<128xi32, #tpu.memory_space<vmem>>
          %dma_start3A_213 = arith.constant 0 : i32
          %dma_start3A_214 = arith.constant 0 : i32
          %dma_start3A_215 = tpu.memref_slice %arg2[%dma_start3A_213, %dma_start3A_214] : memref<10000x32xbf16, #tpu.memory_space<hbm>> -> memref<10000x32xbf16, #tpu.memory_space<hbm>>
          tpu.enqueue_indirect_dma source(%dma_start3A_215 : memref<10000x32xbf16, #tpu.memory_space<hbm>>) target(%arg10 : memref<128x32xbf16, #tpu.memory_space<vmem>>) offsets(%dma_start3A_212 : memref<128xi32, #tpu.memory_space<vmem>>) semaphore(%arg18 : memref<!tpu.dma_semaphore, #tpu.memory_space<semaphore_mem>>)
          %dma_start3A_216 = arith.constant 0 : i32
          %dma_start3A_217 = tpu.memref_slice %arg9[%add3A_199, %dma_start3A_216] : memref<158x128xi32, #tpu.memory_space<vmem>> -> memref<1x128xi32, #tpu.memory_space<vmem>>
          %dma_start3A_218 = tpu.memref_squeeze %dma_start3A_217 : memref<1x128xi32, #tpu.memory_space<vmem>> -> memref<128xi32, #tpu.memory_space<vmem>>
          %dma_start3A_219 = arith.constant 0 : i32
          %dma_start3A_220 = arith.constant 0 : i32
          %dma_start3A_221 = tpu.memref_slice %arg4[%dma_start3A_219, %dma_start3A_220] : memref<10000x32xbf16, #tpu.memory_space<hbm>> -> memref<10000x32xbf16, #tpu.memory_space<hbm>>
          tpu.enqueue_indirect_dma source(%dma_start3A_221 : memref<10000x32xbf16, #tpu.memory_space<hbm>>) target(%arg12 : memref<128x32xbf16, #tpu.memory_space<vmem>>) offsets(%dma_start3A_218 : memref<128xi32, #tpu.memory_space<vmem>>) semaphore(%arg20 : memref<!tpu.dma_semaphore, #tpu.memory_space<semaphore_mem>>)
        } else {
        }
        %ne3A_205 = arith.constant 0 : i32
        %ne3A_206 = arith.cmpi ne, %arg0, %ne3A_205 : i32
        %convert_element_type3A_207 = arith.extui %ne3A_206 : i1 to i32
        %cond3A_208 = arith.constant 0 : i32
        %cond3A_209 = arith.cmpi ne, %convert_element_type3A_207, %cond3A_208 : i32
        scf.if %cond3A_209 {
          %dma_start3A_210 = arith.constant 0 : i32
          %dma_start3A_211 = tpu.memref_slice %arg8[%add3A_199, %dma_start3A_210] : memref<158x128xi32, #tpu.memory_space<vmem>> -> memref<1x128xi32, #tpu.memory_space<vmem>>
          %dma_start3A_212 = tpu.memref_squeeze %dma_start3A_211 : memref<1x128xi32, #tpu.memory_space<vmem>> -> memref<128xi32, #tpu.memory_space<vmem>>
          %dma_start3A_213 = arith.constant 0 : i32
          %dma_start3A_214 = arith.constant 0 : i32
          %dma_start3A_215 = tpu.memref_slice %arg3[%dma_start3A_213, %dma_start3A_214] : memref<10000x32xbf16, #tpu.memory_space<hbm>> -> memref<10000x32xbf16, #tpu.memory_space<hbm>>
          tpu.enqueue_indirect_dma source(%dma_start3A_215 : memref<10000x32xbf16, #tpu.memory_space<hbm>>) target(%arg10 : memref<128x32xbf16, #tpu.memory_space<vmem>>) offsets(%dma_start3A_212 : memref<128xi32, #tpu.memory_space<vmem>>) semaphore(%arg18 : memref<!tpu.dma_semaphore, #tpu.memory_space<semaphore_mem>>)
          %dma_start3A_216 = arith.constant 0 : i32
          %dma_start3A_217 = tpu.memref_slice %arg9[%add3A_199, %dma_start3A_216] : memref<158x128xi32, #tpu.memory_space<vmem>> -> memref<1x128xi32, #tpu.memory_space<vmem>>
          %dma_start3A_218 = tpu.memref_squeeze %dma_start3A_217 : memref<1x128xi32, #tpu.memory_space<vmem>> -> memref<128xi32, #tpu.memory_space<vmem>>
          %dma_start3A_219 = arith.constant 0 : i32
          %dma_start3A_220 = arith.constant 0 : i32
          %dma_start3A_221 = tpu.memref_slice %arg5[%dma_start3A_219, %dma_start3A_220] : memref<10000x32xbf16, #tpu.memory_space<hbm>> -> memref<10000x32xbf16, #tpu.memory_space<hbm>>
          tpu.enqueue_indirect_dma source(%dma_start3A_221 : memref<10000x32xbf16, #tpu.memory_space<hbm>>) target(%arg12 : memref<128x32xbf16, #tpu.memory_space<vmem>>) offsets(%dma_start3A_218 : memref<128xi32, #tpu.memory_space<vmem>>) semaphore(%arg20 : memref<!tpu.dma_semaphore, #tpu.memory_space<semaphore_mem>>)
        } else {
        }
      } else {
      }
      %dma_wait3A_157 = arith.constant 0 : i32
      %dma_wait3A_158 = arith.constant 0 : i32
      %dma_wait3A_159 = tpu.memref_slice %arg2[%dma_wait3A_157, %dma_wait3A_158] : memref<10000x32xbf16, #tpu.memory_space<hbm>> -> memref<128x32xbf16, #tpu.memory_space<hbm>>
      %dma_wait3A_160 = arith.constant 0 : i32
      %dma_wait3A_161 = arith.constant 0 : i32
      %dma_wait3A_162 = tpu.memref_slice %arg2[%dma_wait3A_160, %dma_wait3A_161] : memref<10000x32xbf16, #tpu.memory_space<hbm>> -> memref<128x32xbf16, #tpu.memory_space<hbm>>
      tpu.wait_dma2 semaphore(%arg19 : memref<!tpu.dma_semaphore, #tpu.memory_space<semaphore_mem>>) src(%dma_wait3A_162 : memref<128x32xbf16, #tpu.memory_space<hbm>>) dst(%arg11 : memref<128x32xbf16, #tpu.memory_space<vmem>>)
      %dma_wait3A_163 = arith.constant 0 : i32
      %dma_wait3A_164 = arith.constant 0 : i32
      %dma_wait3A_165 = tpu.memref_slice %arg4[%dma_wait3A_163, %dma_wait3A_164] : memref<10000x32xbf16, #tpu.memory_space<hbm>> -> memref<128x32xbf16, #tpu.memory_space<hbm>>
      %dma_wait3A_166 = arith.constant 0 : i32
      %dma_wait3A_167 = arith.constant 0 : i32
      %dma_wait3A_168 = tpu.memref_slice %arg4[%dma_wait3A_166, %dma_wait3A_167] : memref<10000x32xbf16, #tpu.memory_space<hbm>> -> memref<128x32xbf16, #tpu.memory_space<hbm>>
      tpu.wait_dma2 semaphore(%arg21 : memref<!tpu.dma_semaphore, #tpu.memory_space<semaphore_mem>>) src(%dma_wait3A_168 : memref<128x32xbf16, #tpu.memory_space<hbm>>) dst(%arg13 : memref<128x32xbf16, #tpu.memory_space<vmem>>)
      %gt3A_169 = arith.constant 0 : i32
      %gt3A_170 = arith.cmpi sgt, %scan3A_92, %gt3A_169 : i32
      %convert_element_type3A_171 = arith.extui %gt3A_170 : i1 to i32
      %cond3A_172 = arith.constant 0 : i32
      %cond3A_173 = arith.cmpi ne, %convert_element_type3A_171, %cond3A_172 : i32
      scf.if %cond3A_173 {
        %dma_wait3A_198 = arith.constant 0 : i32
        %dma_wait3A_199 = arith.constant 0 : i32
        %dma_wait3A_200 = tpu.memref_slice %arg17[%dma_wait3A_198, %dma_wait3A_199] : memref<10000x32xbf16, #tpu.memory_space<vmem_shared>> -> memref<128x32xbf16, #tpu.memory_space<vmem_shared>>
        %dma_wait3A_201 = arith.constant 0 : i32
        %dma_wait3A_202 = arith.constant 0 : i32
        %dma_wait3A_203 = tpu.memref_slice %arg17[%dma_wait3A_201, %dma_wait3A_202] : memref<10000x32xbf16, #tpu.memory_space<vmem_shared>> -> memref<128x32xbf16, #tpu.memory_space<vmem_shared>>
        tpu.wait_dma2 semaphore(%arg23 : memref<!tpu.dma_semaphore, #tpu.memory_space<semaphore_mem>>) src(%arg15 : memref<128x32xbf16, #tpu.memory_space<vmem>>) dst(%dma_wait3A_203 : memref<128x32xbf16, #tpu.memory_space<vmem_shared>>)
      } else {
      }
      %scan3A_174 = arith.constant 0 : i32
      %scan3A_175 = arith.constant 0 : i32
      %scan3A_176 = arith.constant 32 : i32
      %scan3A_177 = arith.addi %scan3A_175, %scan3A_176 : i32
      %scan3A_178 = arith.constant 1 : i32
      %scan3A_179 = scf.for %scan3A_198 = %scan3A_175 to %scan3A_177 step %scan3A_178 iter_args(%scan3A_199 = %scan3A_174) -> (i32)  : i32 {
        %mul3A_200 = arith.constant 4 : i32
        %mul3A_201 = arith.muli %scan3A_198, %mul3A_200 : i32
        %add3A_202 = arith.constant 0 : i32
        %add3A_203 = arith.addi %mul3A_201, %add3A_202 : i32
        %get3A = arith.index_cast %add3A_203 : i32 to index
        %get3A_204 = arith.constant 0 : index
        %get3A_205 = tpu.vector_load %arg11[%get3A, %get3A_204] {strides = array<i32>} : memref<128x32xbf16, #tpu.memory_space<vmem>>, vector<32xbf16>,
        %get3A_206 = arith.index_cast %add3A_203 : i32 to index
        %get3A_207 = arith.constant 0 : index
        %get3A_208 = tpu.vector_load %arg13[%get3A_206, %get3A_207] {strides = array<i32>} : memref<128x32xbf16, #tpu.memory_space<vmem>>, vector<32xbf16>,
        %add3A_209 = arith.addf %get3A_205, %get3A_208 : vector<32xbf16>
        %max3A = arith.constant 0.000000e+00 : bf16
        %max3A_210 = vector.broadcast %max3A : bf16 to vector<32xbf16>
        %max3A_211 = arith.maximumf %add3A_209, %max3A_210 : vector<32xbf16>
        %swap3A = arith.index_cast %add3A_203 : i32 to index
        %swap3A_212 = arith.constant 0 : index
        %swap3A_213 = tpu.vector_load %arg15[%swap3A, %swap3A_212] {strides = array<i32>} : memref<128x32xbf16, #tpu.memory_space<vmem>>, vector<32xbf16>,
        tpu.vector_store %arg15[%swap3A, %swap3A_212], %max3A_211 {strides = array<i32>} : memref<128x32xbf16, #tpu.memory_space<vmem>>, vector<32xbf16>,
        %add3A_214 = arith.constant 1 : i32
        %add3A_215 = arith.addi %mul3A_201, %add3A_214 : i32
        %get3A_216 = arith.index_cast %add3A_215 : i32 to index
        %get3A_217 = arith.constant 0 : index
        %get3A_218 = tpu.vector_load %arg11[%get3A_216, %get3A_217] {strides = array<i32>} : memref<128x32xbf16, #tpu.memory_space<vmem>>, vector<32xbf16>,
        %get3A_219 = arith.index_cast %add3A_215 : i32 to index
        %get3A_220 = arith.constant 0 : index
        %get3A_221 = tpu.vector_load %arg13[%get3A_219, %get3A_220] {strides = array<i32>} : memref<128x32xbf16, #tpu.memory_space<vmem>>, vector<32xbf16>,
        %add3A_222 = arith.addf %get3A_218, %get3A_221 : vector<32xbf16>
        %max3A_223 = arith.constant 0.000000e+00 : bf16
        %max3A_224 = vector.broadcast %max3A_223 : bf16 to vector<32xbf16>
        %max3A_225 = arith.maximumf %add3A_222, %max3A_224 : vector<32xbf16>
        %swap3A_226 = arith.index_cast %add3A_215 : i32 to index
        %swap3A_227 = arith.constant 0 : index
        %swap3A_228 = tpu.vector_load %arg15[%swap3A_226, %swap3A_227] {strides = array<i32>} : memref<128x32xbf16, #tpu.memory_space<vmem>>, vector<32xbf16>,
        tpu.vector_store %arg15[%swap3A_226, %swap3A_227], %max3A_225 {strides = array<i32>} : memref<128x32xbf16, #tpu.memory_space<vmem>>, vector<32xbf16>,
        %add3A_229 = arith.constant 2 : i32
        %add3A_230 = arith.addi %mul3A_201, %add3A_229 : i32
        %get3A_231 = arith.index_cast %add3A_230 : i32 to index
        %get3A_232 = arith.constant 0 : index
        %get3A_233 = tpu.vector_load %arg11[%get3A_231, %get3A_232] {strides = array<i32>} : memref<128x32xbf16, #tpu.memory_space<vmem>>, vector<32xbf16>,
        %get3A_234 = arith.index_cast %add3A_230 : i32 to index
        %get3A_235 = arith.constant 0 : index
        %get3A_236 = tpu.vector_load %arg13[%get3A_234, %get3A_235] {strides = array<i32>} : memref<128x32xbf16, #tpu.memory_space<vmem>>, vector<32xbf16>,
        %add3A_237 = arith.addf %get3A_233, %get3A_236 : vector<32xbf16>
        %max3A_238 = arith.constant 0.000000e+00 : bf16
        %max3A_239 = vector.broadcast %max3A_238 : bf16 to vector<32xbf16>
        %max3A_240 = arith.maximumf %add3A_237, %max3A_239 : vector<32xbf16>
        %swap3A_241 = arith.index_cast %add3A_230 : i32 to index
        %swap3A_242 = arith.constant 0 : index
        %swap3A_243 = tpu.vector_load %arg15[%swap3A_241, %swap3A_242] {strides = array<i32>} : memref<128x32xbf16, #tpu.memory_space<vmem>>, vector<32xbf16>,
        tpu.vector_store %arg15[%swap3A_241, %swap3A_242], %max3A_240 {strides = array<i32>} : memref<128x32xbf16, #tpu.memory_space<vmem>>, vector<32xbf16>,
        %add3A_244 = arith.constant 3 : i32
        %add3A_245 = arith.addi %mul3A_201, %add3A_244 : i32
        %get3A_246 = arith.index_cast %add3A_245 : i32 to index
        %get3A_247 = arith.constant 0 : index
        %get3A_248 = tpu.vector_load %arg11[%get3A_246, %get3A_247] {strides = array<i32>} : memref<128x32xbf16, #tpu.memory_space<vmem>>, vector<32xbf16>,
        %get3A_249 = arith.index_cast %add3A_245 : i32 to index
        %get3A_250 = arith.constant 0 : index
        %get3A_251 = tpu.vector_load %arg13[%get3A_249, %get3A_250] {strides = array<i32>} : memref<128x32xbf16, #tpu.memory_space<vmem>>, vector<32xbf16>,
        %add3A_252 = arith.addf %get3A_248, %get3A_251 : vector<32xbf16>
        %max3A_253 = arith.constant 0.000000e+00 : bf16
        %max3A_254 = vector.broadcast %max3A_253 : bf16 to vector<32xbf16>
        %max3A_255 = arith.maximumf %add3A_252, %max3A_254 : vector<32xbf16>
        %swap3A_256 = arith.index_cast %add3A_245 : i32 to index
        %swap3A_257 = arith.constant 0 : index
        %swap3A_258 = tpu.vector_load %arg15[%swap3A_256, %swap3A_257] {strides = array<i32>} : memref<128x32xbf16, #tpu.memory_space<vmem>>, vector<32xbf16>,
        tpu.vector_store %arg15[%swap3A_256, %swap3A_257], %max3A_255 {strides = array<i32>} : memref<128x32xbf16, #tpu.memory_space<vmem>>, vector<32xbf16>,
        %scan3A_259 = arith.constant 0 : i32
        scf.yield %scan3A_259 : i32
      }
      %scan3A_180 = arith.constant 32 : i32
      %eq3A_181 = arith.constant 156 : i32
      %eq3A_182 = arith.cmpi eq, %add3A_152, %eq3A_181 : i32
      %convert_element_type3A_183 = arith.extui %eq3A_182 : i1 to i32
      %cond3A_184 = arith.constant 0 : i32
      %cond3A_185 = arith.cmpi ne, %convert_element_type3A_183, %cond3A_184 : i32
      scf.if %cond3A_185 {
        %scan3A_198 = arith.constant 0 : i32
        %scan3A_199 = arith.constant 32 : i32
        %scan3A_200 = arith.constant 96 : i32
        %scan3A_201 = arith.addi %scan3A_199, %scan3A_200 : i32
        %scan3A_202 = arith.constant 1 : i32
        %scan3A_203 = scf.for %scan3A_205 = %scan3A_199 to %scan3A_201 step %scan3A_202 iter_args(%scan3A_206 = %scan3A_198) -> (i32)  : i32 {
          %broadcast_in_dim3A = arith.constant 0.000000e+00 : bf16
          %broadcast_in_dim3A_207 = vector.broadcast %broadcast_in_dim3A : bf16 to vector<32xbf16>
          %swap3A = arith.index_cast %scan3A_205 : i32 to index
          %swap3A_208 = arith.constant 0 : index
          %swap3A_209 = tpu.vector_load %arg15[%swap3A, %swap3A_208] {strides = array<i32>} : memref<128x32xbf16, #tpu.memory_space<vmem>>, vector<32xbf16>,
          tpu.vector_store %arg15[%swap3A, %swap3A_208], %broadcast_in_dim3A_207 {strides = array<i32>} : memref<128x32xbf16, #tpu.memory_space<vmem>>, vector<32xbf16>,
          %scan3A_210 = arith.constant 0 : i32
          scf.yield %scan3A_210 : i32
        }
        %scan3A_204 = arith.constant 96 : i32
      } else {
      }
      %gt3A_186 = arith.constant 156 : i32
      %gt3A_187 = arith.cmpi sgt, %add3A_152, %gt3A_186 : i32
      %convert_element_type3A_188 = arith.extui %gt3A_187 : i1 to i32
      %cond3A_189 = arith.constant 0 : i32
      %cond3A_190 = arith.cmpi ne, %convert_element_type3A_188, %cond3A_189 : i32
      scf.if %cond3A_190 {
        %scan3A_198 = arith.constant 0 : i32
        %scan3A_199 = arith.constant 0 : i32
        %scan3A_200 = arith.constant 128 : i32
        %scan3A_201 = arith.addi %scan3A_199, %scan3A_200 : i32
        %scan3A_202 = arith.constant 1 : i32
        %scan3A_203 = scf.for %scan3A_205 = %scan3A_199 to %scan3A_201 step %scan3A_202 iter_args(%scan3A_206 = %scan3A_198) -> (i32)  : i32 {
          %broadcast_in_dim3A = arith.constant 0.000000e+00 : bf16
          %broadcast_in_dim3A_207 = vector.broadcast %broadcast_in_dim3A : bf16 to vector<32xbf16>
          %swap3A = arith.index_cast %scan3A_205 : i32 to index
          %swap3A_208 = arith.constant 0 : index
          %swap3A_209 = tpu.vector_load %arg15[%swap3A, %swap3A_208] {strides = array<i32>} : memref<128x32xbf16, #tpu.memory_space<vmem>>, vector<32xbf16>,
          tpu.vector_store %arg15[%swap3A, %swap3A_208], %broadcast_in_dim3A_207 {strides = array<i32>} : memref<128x32xbf16, #tpu.memory_space<vmem>>, vector<32xbf16>,
          %scan3A_210 = arith.constant 0 : i32
          scf.yield %scan3A_210 : i32
        }
        %scan3A_204 = arith.constant 128 : i32
      } else {
      }
      %dma_start3A_191 = arith.constant 0 : i32
      %dma_start3A_192 = tpu.memref_slice %arg8[%add3A_152, %dma_start3A_191] : memref<158x128xi32, #tpu.memory_space<vmem>> -> memref<1x128xi32, #tpu.memory_space<vmem>>
      %dma_start3A_193 = tpu.memref_squeeze %dma_start3A_192 : memref<1x128xi32, #tpu.memory_space<vmem>> -> memref<128xi32, #tpu.memory_space<vmem>>
      %dma_start3A_194 = arith.constant 0 : i32
      %dma_start3A_195 = arith.constant 0 : i32
      %dma_start3A_196 = tpu.memref_slice %arg17[%dma_start3A_194, %dma_start3A_195] : memref<10000x32xbf16, #tpu.memory_space<vmem_shared>> -> memref<10000x32xbf16, #tpu.memory_space<vmem_shared>>
      tpu.enqueue_indirect_dma source(%arg15 : memref<128x32xbf16, #tpu.memory_space<vmem>>) target(%dma_start3A_196 : memref<10000x32xbf16, #tpu.memory_space<vmem_shared>>) offsets(%dma_start3A_193 : memref<128xi32, #tpu.memory_space<vmem>>) semaphore(%arg23 : memref<!tpu.dma_semaphore, #tpu.memory_space<semaphore_mem>>) {add = true}
      %scan3A_197 = arith.constant 0 : i32
      scf.yield %scan3A_197 : i32
    }
    %scan3A_74 = arith.constant 79 : i32
    %dma_wait3A_75 = arith.constant 0 : i32
    %dma_wait3A_76 = arith.constant 0 : i32
    %dma_wait3A_77 = tpu.memref_slice %arg17[%dma_wait3A_75, %dma_wait3A_76] : memref<10000x32xbf16, #tpu.memory_space<vmem_shared>> -> memref<128x32xbf16, #tpu.memory_space<vmem_shared>>
    %dma_wait3A_78 = arith.constant 0 : i32
    %dma_wait3A_79 = arith.constant 0 : i32
    %dma_wait3A_80 = tpu.memref_slice %arg17[%dma_wait3A_78, %dma_wait3A_79] : memref<10000x32xbf16, #tpu.memory_space<vmem_shared>> -> memref<128x32xbf16, #tpu.memory_space<vmem_shared>>
    tpu.wait_dma2 semaphore(%arg22 : memref<!tpu.dma_semaphore, #tpu.memory_space<semaphore_mem>>) src(%arg14 : memref<128x32xbf16, #tpu.memory_space<vmem>>) dst(%dma_wait3A_80 : memref<128x32xbf16, #tpu.memory_space<vmem_shared>>)
    %dma_wait3A_81 = arith.constant 0 : i32
    %dma_wait3A_82 = arith.constant 0 : i32
    %dma_wait3A_83 = tpu.memref_slice %arg17[%dma_wait3A_81, %dma_wait3A_82] : memref<10000x32xbf16, #tpu.memory_space<vmem_shared>> -> memref<128x32xbf16, #tpu.memory_space<vmem_shared>>
    %dma_wait3A_84 = arith.constant 0 : i32
    %dma_wait3A_85 = arith.constant 0 : i32
    %dma_wait3A_86 = tpu.memref_slice %arg17[%dma_wait3A_84, %dma_wait3A_85] : memref<10000x32xbf16, #tpu.memory_space<vmem_shared>> -> memref<128x32xbf16, #tpu.memory_space<vmem_shared>>
    tpu.wait_dma2 semaphore(%arg23 : memref<!tpu.dma_semaphore, #tpu.memory_space<semaphore_mem>>) src(%arg15 : memref<128x32xbf16, #tpu.memory_space<vmem>>) dst(%dma_wait3A_86 : memref<128x32xbf16, #tpu.memory_space<vmem_shared>>)
    %barrier3A_87 = arith.constant 0 : index
    tpu.barrier barrier_id(%barrier3A_87)
    %mul3A_88 = arith.constant 625 : i32
    %mul3A_89 = arith.muli %arg1, %mul3A_88 : i32
    %mul3A_90 = arith.constant 625 : i32
    %mul3A_91 = arith.muli %arg1, %mul3A_90 : i32
    "tpu.region"() ({
      %run_scoped3A = tpu.sem_alloc : memref<!tpu.dma_semaphore, #tpu.memory_space<semaphore_mem>>
      %dma_start3A_92 = arith.constant 0 : i32
      %dma_start3A_93 = tpu.memref_slice %arg7[%arg0, %mul3A_91, %dma_start3A_92] : memref<2x10000x32xbf16, #tpu.memory_space<hbm>> -> memref<1x625x32xbf16, #tpu.memory_space<hbm>>
      %dma_start3A_94 = tpu.memref_squeeze %dma_start3A_93 : memref<1x625x32xbf16, #tpu.memory_space<hbm>> -> memref<625x32xbf16, #tpu.memory_space<hbm>>
      %dma_start3A_95 = arith.constant 0 : i32
      %dma_start3A_96 = tpu.memref_slice %arg17[%mul3A_89, %dma_start3A_95] : memref<10000x32xbf16, #tpu.memory_space<vmem_shared>> -> memref<625x32xbf16, #tpu.memory_space<vmem_shared>>
      tpu.enqueue_dma source(%dma_start3A_96 : memref<625x32xbf16, #tpu.memory_space<vmem_shared>>) target(%dma_start3A_94 : memref<625x32xbf16, #tpu.memory_space<hbm>>) target_semaphore(%run_scoped3A : memref<!tpu.dma_semaphore, #tpu.memory_space<semaphore_mem>>)
      %dma_wait3A_97 = arith.constant 0 : i32
      %dma_wait3A_98 = tpu.memref_slice %arg7[%arg0, %mul3A_91, %dma_wait3A_97] : memref<2x10000x32xbf16, #tpu.memory_space<hbm>> -> memref<1x625x32xbf16, #tpu.memory_space<hbm>>
      %dma_wait3A_99 = tpu.memref_squeeze %dma_wait3A_98 : memref<1x625x32xbf16, #tpu.memory_space<hbm>> -> memref<625x32xbf16, #tpu.memory_space<hbm>>
      %dma_wait3A_100 = arith.constant 0 : i32
      %dma_wait3A_101 = tpu.memref_slice %arg17[%mul3A_89, %dma_wait3A_100] : memref<10000x32xbf16, #tpu.memory_space<vmem_shared>> -> memref<625x32xbf16, #tpu.memory_space<vmem_shared>>
      tpu.wait_dma2 semaphore(%run_scoped3A : memref<!tpu.dma_semaphore, #tpu.memory_space<semaphore_mem>>) src(%dma_wait3A_101 : memref<625x32xbf16, #tpu.memory_space<vmem_shared>>) dst(%dma_wait3A_99 : memref<625x32xbf16, #tpu.memory_space<hbm>>)
      tpu.yield
    }) : () -> ()
    return
  }
}

module attributes {stable_mosaic.version = 14 : i64} {
  func.func @_proj_body(%arg0: memref<10000x128xf32, #tpu.memory_space<vmem>>, %arg1: memref<128x64xf32, #tpu.memory_space<vmem>>, %arg2: memref<128x64xf32, #tpu.memory_space<vmem>>, %arg3: memref<128x64xf32, #tpu.memory_space<vmem>>, %arg4: memref<128x64xf32, #tpu.memory_space<vmem>>, %arg5: memref<1x64xf32, #tpu.memory_space<vmem>>, %arg6: memref<1x64xf32, #tpu.memory_space<vmem>>, %arg7: memref<10000x64xbf16, #tpu.memory_space<vmem>>, %arg8: memref<10000x64xbf16, #tpu.memory_space<vmem>>, %arg9: memref<10000x64xbf16, #tpu.memory_space<vmem>>, %arg10: memref<10000x64xbf16, #tpu.memory_space<vmem>>) attributes {dimension_semantics = [], scalar_prefetch = 0 : i64, scratch_operands = 0 : i64, tpu.core_type = #tpu.core_type<tc>} {
    %get3A = arith.constant 0 : index
    %get3A_0 = arith.constant 0 : index
    %get3A_1 = vector.load %arg0[%get3A, %get3A_0] : memref<10000x128xf32, #tpu.memory_space<vmem>>, vector<10000x128xf32>
    %get3A_2 = arith.constant 0 : index
    %get3A_3 = arith.constant 0 : index
    %get3A_4 = vector.load %arg1[%get3A_2, %get3A_3] : memref<128x64xf32, #tpu.memory_space<vmem>>, vector<128x64xf32>
    %dot_general3A = arith.constant dense<0.000000e+00> : vector<10000x64xf32>
    %dot_general3A_5 = tpu.matmul %get3A_1, %get3A_4, %dot_general3A {dimension_numbers = #tpu.dot_dimension_numbers<[1], [0], [0], [1], [0, 0, 1, 1], [], []>, transpose_lhs_hint = false} : vector<10000x128xf32>, vector<128x64xf32>, vector<10000x64xf32> -> vector<10000x64xf32>
    %get3A_6 = arith.constant 0 : index
    %get3A_7 = arith.constant 0 : index
    %get3A_8 = vector.load %arg5[%get3A_6, %get3A_7] : memref<1x64xf32, #tpu.memory_space<vmem>>, vector<1x64xf32>
    %add3A = vector.broadcast %get3A_8 : vector<1x64xf32> to vector<10000x64xf32>
    %add3A_9 = arith.addf %dot_general3A_5, %add3A : vector<10000x64xf32>
    %convert_element_type3A = arith.truncf %add3A_9 : vector<10000x64xf32> to vector<10000x64xbf16>
    %swap3A = arith.constant 0 : index
    %swap3A_10 = arith.constant 0 : index
    %swap3A_11 = vector.load %arg7[%swap3A, %swap3A_10] : memref<10000x64xbf16, #tpu.memory_space<vmem>>, vector<10000x64xbf16>
    tpu.vector_store %arg7[%swap3A, %swap3A_10], %convert_element_type3A {strides = array<i32>} : memref<10000x64xbf16, #tpu.memory_space<vmem>>, vector<10000x64xbf16>,
    %get3A_12 = arith.constant 0 : index
    %get3A_13 = arith.constant 0 : index
    %get3A_14 = vector.load %arg2[%get3A_12, %get3A_13] : memref<128x64xf32, #tpu.memory_space<vmem>>, vector<128x64xf32>
    %dot_general3A_15 = arith.constant dense<0.000000e+00> : vector<10000x64xf32>
    %dot_general3A_16 = tpu.matmul %get3A_1, %get3A_14, %dot_general3A_15 {dimension_numbers = #tpu.dot_dimension_numbers<[1], [0], [0], [1], [0, 0, 1, 1], [], []>, transpose_lhs_hint = false} : vector<10000x128xf32>, vector<128x64xf32>, vector<10000x64xf32> -> vector<10000x64xf32>
    %get3A_17 = arith.constant 0 : index
    %get3A_18 = arith.constant 0 : index
    %get3A_19 = vector.load %arg6[%get3A_17, %get3A_18] : memref<1x64xf32, #tpu.memory_space<vmem>>, vector<1x64xf32>
    %add3A_20 = vector.broadcast %get3A_19 : vector<1x64xf32> to vector<10000x64xf32>
    %add3A_21 = arith.addf %dot_general3A_16, %add3A_20 : vector<10000x64xf32>
    %convert_element_type3A_22 = arith.truncf %add3A_21 : vector<10000x64xf32> to vector<10000x64xbf16>
    %swap3A_23 = arith.constant 0 : index
    %swap3A_24 = arith.constant 0 : index
    %swap3A_25 = vector.load %arg8[%swap3A_23, %swap3A_24] : memref<10000x64xbf16, #tpu.memory_space<vmem>>, vector<10000x64xbf16>
    tpu.vector_store %arg8[%swap3A_23, %swap3A_24], %convert_element_type3A_22 {strides = array<i32>} : memref<10000x64xbf16, #tpu.memory_space<vmem>>, vector<10000x64xbf16>,
    %get3A_26 = arith.constant 0 : index
    %get3A_27 = arith.constant 0 : index
    %get3A_28 = vector.load %arg3[%get3A_26, %get3A_27] : memref<128x64xf32, #tpu.memory_space<vmem>>, vector<128x64xf32>
    %dot_general3A_29 = arith.constant dense<0.000000e+00> : vector<10000x64xf32>
    %dot_general3A_30 = tpu.matmul %get3A_1, %get3A_28, %dot_general3A_29 {dimension_numbers = #tpu.dot_dimension_numbers<[1], [0], [0], [1], [0, 0, 1, 1], [], []>, transpose_lhs_hint = false} : vector<10000x128xf32>, vector<128x64xf32>, vector<10000x64xf32> -> vector<10000x64xf32>
    %convert_element_type3A_31 = arith.truncf %dot_general3A_30 : vector<10000x64xf32> to vector<10000x64xbf16>
    %swap3A_32 = arith.constant 0 : index
    %swap3A_33 = arith.constant 0 : index
    %swap3A_34 = vector.load %arg9[%swap3A_32, %swap3A_33] : memref<10000x64xbf16, #tpu.memory_space<vmem>>, vector<10000x64xbf16>
    tpu.vector_store %arg9[%swap3A_32, %swap3A_33], %convert_element_type3A_31 {strides = array<i32>} : memref<10000x64xbf16, #tpu.memory_space<vmem>>, vector<10000x64xbf16>,
    %get3A_35 = arith.constant 0 : index
    %get3A_36 = arith.constant 0 : index
    %get3A_37 = vector.load %arg4[%get3A_35, %get3A_36] : memref<128x64xf32, #tpu.memory_space<vmem>>, vector<128x64xf32>
    %dot_general3A_38 = arith.constant dense<0.000000e+00> : vector<10000x64xf32>
    %dot_general3A_39 = tpu.matmul %get3A_1, %get3A_37, %dot_general3A_38 {dimension_numbers = #tpu.dot_dimension_numbers<[1], [0], [0], [1], [0, 0, 1, 1], [], []>, transpose_lhs_hint = false} : vector<10000x128xf32>, vector<128x64xf32>, vector<10000x64xf32> -> vector<10000x64xf32>
    %convert_element_type3A_40 = arith.truncf %dot_general3A_39 : vector<10000x64xf32> to vector<10000x64xbf16>
    %swap3A_41 = arith.constant 0 : index
    %swap3A_42 = arith.constant 0 : index
    %swap3A_43 = vector.load %arg10[%swap3A_41, %swap3A_42] : memref<10000x64xbf16, #tpu.memory_space<vmem>>, vector<10000x64xbf16>
    tpu.vector_store %arg10[%swap3A_41, %swap3A_42], %convert_element_type3A_40 {strides = array<i32>} : memref<10000x64xbf16, #tpu.memory_space<vmem>>, vector<10000x64xbf16>,
    return
  }
}

module attributes {stable_mosaic.version = 14 : i64} {
  func.func @_mid_body(%arg0: memref<2x10000x64xbf16, #tpu.memory_space<vmem>>, %arg1: memref<16x10000xf32, #tpu.memory_space<vmem>>, %arg2: memref<64x128xf32, #tpu.memory_space<vmem>>, %arg3: memref<64x128xf32, #tpu.memory_space<vmem>>, %arg4: memref<1x128xf32, #tpu.memory_space<vmem>>, %arg5: memref<128x32xf32, #tpu.memory_space<vmem>>, %arg6: memref<128x32xf32, #tpu.memory_space<vmem>>, %arg7: memref<128x32xf32, #tpu.memory_space<vmem>>, %arg8: memref<128x32xf32, #tpu.memory_space<vmem>>, %arg9: memref<1x32xf32, #tpu.memory_space<vmem>>, %arg10: memref<1x32xf32, #tpu.memory_space<vmem>>, %arg11: memref<10000x32xbf16, #tpu.memory_space<vmem>>, %arg12: memref<10000x32xbf16, #tpu.memory_space<vmem>>, %arg13: memref<10000x32xbf16, #tpu.memory_space<vmem>>, %arg14: memref<10000x32xbf16, #tpu.memory_space<vmem>>) attributes {dimension_semantics = [], scalar_prefetch = 0 : i64, scratch_operands = 0 : i64, tpu.core_type = #tpu.core_type<tc>} {
    %broadcast_in_dim3A = arith.constant 1.000000e+00 : f32
    %broadcast_in_dim3A_0 = vector.broadcast %broadcast_in_dim3A : f32 to vector<16x1xf32>
    %get3A = arith.constant 0 : index
    %get3A_1 = arith.constant 0 : index
    %get3A_2 = vector.load %arg1[%get3A, %get3A_1] : memref<16x10000xf32, #tpu.memory_space<vmem>>, vector<16x10000xf32>
    %dot_general3A = arith.constant dense<0.000000e+00> : vector<10000x1xf32>
    %dot_general3A_3 = tpu.matmul %get3A_2, %broadcast_in_dim3A_0, %dot_general3A {dimension_numbers = #tpu.dot_dimension_numbers<[0], [0], [1], [1], [0, 1, 1, 1], [], []>, transpose_lhs_hint = false} : vector<16x10000xf32>, vector<16x1xf32>, vector<10000x1xf32> -> vector<10000x1xf32>
    %max3A = arith.constant 1.000000e+00 : f32
    %max3A_4 = vector.broadcast %max3A : f32 to vector<10000x1xf32>
    %max3A_5 = arith.maximumf %dot_general3A_3, %max3A_4 : vector<10000x1xf32>
    %div3A = arith.constant 1.000000e+00 : f32
    %div3A_6 = vector.broadcast %div3A : f32 to vector<10000x1xf32>
    %div3A_7 = arith.divf %div3A_6, %max3A_5 : vector<10000x1xf32>
    %gt3A = arith.constant 0.000000e+00 : f32
    %gt3A_8 = vector.broadcast %gt3A : f32 to vector<10000x1xf32>
    %gt3A_9 = arith.cmpf ogt, %dot_general3A_3, %gt3A_8 : vector<10000x1xf32>
    %convert_element_type3A = arith.extui %gt3A_9 : vector<10000x1xi1> to vector<10000x1xi32>
    %convert_element_type3A_10 = arith.sitofp %convert_element_type3A : vector<10000x1xi32> to vector<10000x1xf32>
    %get3A_11 = arith.constant 0 : index
    %get3A_12 = arith.constant 0 : index
    %get3A_13 = arith.constant 0 : index
    %get3A_14 = vector.load %arg0[%get3A_11, %get3A_12, %get3A_13] : memref<2x10000x64xbf16, #tpu.memory_space<vmem>>, vector<1x10000x64xbf16>
    %get3A_15 = vector.shape_cast %get3A_14 : vector<1x10000x64xbf16> to vector<10000x64xbf16>
    %convert_element_type3A_16 = arith.extf %get3A_15 : vector<10000x64xbf16> to vector<10000x64xf32>
    %get3A_17 = arith.constant 1 : index
    %get3A_18 = arith.constant 0 : index
    %get3A_19 = arith.constant 0 : index
    %get3A_20 = vector.load %arg0[%get3A_17, %get3A_18, %get3A_19] : memref<2x10000x64xbf16, #tpu.memory_space<vmem>>, vector<1x10000x64xbf16>
    %get3A_21 = vector.shape_cast %get3A_20 : vector<1x10000x64xbf16> to vector<10000x64xbf16>
    %convert_element_type3A_22 = arith.extf %get3A_21 : vector<10000x64xbf16> to vector<10000x64xf32>
    %mul3A = vector.broadcast %div3A_7 : vector<10000x1xf32> to vector<10000x64xf32>
    %mul3A_23 = arith.mulf %convert_element_type3A_16, %mul3A : vector<10000x64xf32>
    %get3A_24 = arith.constant 0 : index
    %get3A_25 = arith.constant 0 : index
    %get3A_26 = vector.load %arg2[%get3A_24, %get3A_25] : memref<64x128xf32, #tpu.memory_space<vmem>>, vector<64x128xf32>
    %dot_general3A_27 = arith.constant dense<0.000000e+00> : vector<10000x128xf32>
    %dot_general3A_28 = tpu.matmul %mul3A_23, %get3A_26, %dot_general3A_27 {dimension_numbers = #tpu.dot_dimension_numbers<[1], [0], [0], [1], [0, 0, 1, 1], [], []>, transpose_lhs_hint = false} : vector<10000x64xf32>, vector<64x128xf32>, vector<10000x128xf32> -> vector<10000x128xf32>
    %mul3A_29 = vector.broadcast %div3A_7 : vector<10000x1xf32> to vector<10000x64xf32>
    %mul3A_30 = arith.mulf %convert_element_type3A_22, %mul3A_29 : vector<10000x64xf32>
    %get3A_31 = arith.constant 0 : index
    %get3A_32 = arith.constant 0 : index
    %get3A_33 = vector.load %arg3[%get3A_31, %get3A_32] : memref<64x128xf32, #tpu.memory_space<vmem>>, vector<64x128xf32>
    %dot_general3A_34 = arith.constant dense<0.000000e+00> : vector<10000x128xf32>
    %dot_general3A_35 = tpu.matmul %mul3A_30, %get3A_33, %dot_general3A_34 {dimension_numbers = #tpu.dot_dimension_numbers<[1], [0], [0], [1], [0, 0, 1, 1], [], []>, transpose_lhs_hint = false} : vector<10000x64xf32>, vector<64x128xf32>, vector<10000x128xf32> -> vector<10000x128xf32>
    %add3A = arith.addf %dot_general3A_28, %dot_general3A_35 : vector<10000x128xf32>
    %get3A_36 = arith.constant 0 : index
    %get3A_37 = arith.constant 0 : index
    %get3A_38 = vector.load %arg4[%get3A_36, %get3A_37] : memref<1x128xf32, #tpu.memory_space<vmem>>, vector<1x128xf32>
    %mul3A_39 = vector.broadcast %convert_element_type3A_10 : vector<10000x1xf32> to vector<10000x128xf32>
    %mul3A_40 = vector.broadcast %get3A_38 : vector<1x128xf32> to vector<10000x128xf32>
    %mul3A_41 = arith.mulf %mul3A_39, %mul3A_40 : vector<10000x128xf32>
    %add3A_42 = arith.addf %add3A, %mul3A_41 : vector<10000x128xf32>
    %max3A_43 = arith.constant 0.000000e+00 : f32
    %max3A_44 = vector.broadcast %max3A_43 : f32 to vector<10000x128xf32>
    %max3A_45 = arith.maximumf %add3A_42, %max3A_44 : vector<10000x128xf32>
    %get3A_46 = arith.constant 0 : index
    %get3A_47 = arith.constant 0 : index
    %get3A_48 = vector.load %arg5[%get3A_46, %get3A_47] : memref<128x32xf32, #tpu.memory_space<vmem>>, vector<128x32xf32>
    %dot_general3A_49 = arith.constant dense<0.000000e+00> : vector<10000x32xf32>
    %dot_general3A_50 = tpu.matmul %max3A_45, %get3A_48, %dot_general3A_49 {dimension_numbers = #tpu.dot_dimension_numbers<[1], [0], [0], [1], [0, 0, 1, 1], [], []>, transpose_lhs_hint = false} : vector<10000x128xf32>, vector<128x32xf32>, vector<10000x32xf32> -> vector<10000x32xf32>
    %get3A_51 = arith.constant 0 : index
    %get3A_52 = arith.constant 0 : index
    %get3A_53 = vector.load %arg9[%get3A_51, %get3A_52] : memref<1x32xf32, #tpu.memory_space<vmem>>, vector<1x32xf32>
    %add3A_54 = vector.broadcast %get3A_53 : vector<1x32xf32> to vector<10000x32xf32>
    %add3A_55 = arith.addf %dot_general3A_50, %add3A_54 : vector<10000x32xf32>
    %convert_element_type3A_56 = arith.truncf %add3A_55 : vector<10000x32xf32> to vector<10000x32xbf16>
    %swap3A = arith.constant 0 : index
    %swap3A_57 = arith.constant 0 : index
    %swap3A_58 = vector.load %arg11[%swap3A, %swap3A_57] : memref<10000x32xbf16, #tpu.memory_space<vmem>>, vector<10000x32xbf16>
    tpu.vector_store %arg11[%swap3A, %swap3A_57], %convert_element_type3A_56 {strides = array<i32>} : memref<10000x32xbf16, #tpu.memory_space<vmem>>, vector<10000x32xbf16>,
    %get3A_59 = arith.constant 0 : index
    %get3A_60 = arith.constant 0 : index
    %get3A_61 = vector.load %arg6[%get3A_59, %get3A_60] : memref<128x32xf32, #tpu.memory_space<vmem>>, vector<128x32xf32>
    %dot_general3A_62 = arith.constant dense<0.000000e+00> : vector<10000x32xf32>
    %dot_general3A_63 = tpu.matmul %max3A_45, %get3A_61, %dot_general3A_62 {dimension_numbers = #tpu.dot_dimension_numbers<[1], [0], [0], [1], [0, 0, 1, 1], [], []>, transpose_lhs_hint = false} : vector<10000x128xf32>, vector<128x32xf32>, vector<10000x32xf32> -> vector<10000x32xf32>
    %get3A_64 = arith.constant 0 : index
    %get3A_65 = arith.constant 0 : index
    %get3A_66 = vector.load %arg10[%get3A_64, %get3A_65] : memref<1x32xf32, #tpu.memory_space<vmem>>, vector<1x32xf32>
    %add3A_67 = vector.broadcast %get3A_66 : vector<1x32xf32> to vector<10000x32xf32>
    %add3A_68 = arith.addf %dot_general3A_63, %add3A_67 : vector<10000x32xf32>
    %convert_element_type3A_69 = arith.truncf %add3A_68 : vector<10000x32xf32> to vector<10000x32xbf16>
    %swap3A_70 = arith.constant 0 : index
    %swap3A_71 = arith.constant 0 : index
    %swap3A_72 = vector.load %arg12[%swap3A_70, %swap3A_71] : memref<10000x32xbf16, #tpu.memory_space<vmem>>, vector<10000x32xbf16>
    tpu.vector_store %arg12[%swap3A_70, %swap3A_71], %convert_element_type3A_69 {strides = array<i32>} : memref<10000x32xbf16, #tpu.memory_space<vmem>>, vector<10000x32xbf16>,
    %get3A_73 = arith.constant 0 : index
    %get3A_74 = arith.constant 0 : index
    %get3A_75 = vector.load %arg7[%get3A_73, %get3A_74] : memref<128x32xf32, #tpu.memory_space<vmem>>, vector<128x32xf32>
    %dot_general3A_76 = arith.constant dense<0.000000e+00> : vector<10000x32xf32>
    %dot_general3A_77 = tpu.matmul %max3A_45, %get3A_75, %dot_general3A_76 {dimension_numbers = #tpu.dot_dimension_numbers<[1], [0], [0], [1], [0, 0, 1, 1], [], []>, transpose_lhs_hint = false} : vector<10000x128xf32>, vector<128x32xf32>, vector<10000x32xf32> -> vector<10000x32xf32>
    %convert_element_type3A_78 = arith.truncf %dot_general3A_77 : vector<10000x32xf32> to vector<10000x32xbf16>
    %swap3A_79 = arith.constant 0 : index
    %swap3A_80 = arith.constant 0 : index
    %swap3A_81 = vector.load %arg13[%swap3A_79, %swap3A_80] : memref<10000x32xbf16, #tpu.memory_space<vmem>>, vector<10000x32xbf16>
    tpu.vector_store %arg13[%swap3A_79, %swap3A_80], %convert_element_type3A_78 {strides = array<i32>} : memref<10000x32xbf16, #tpu.memory_space<vmem>>, vector<10000x32xbf16>,
    %get3A_82 = arith.constant 0 : index
    %get3A_83 = arith.constant 0 : index
    %get3A_84 = vector.load %arg8[%get3A_82, %get3A_83] : memref<128x32xf32, #tpu.memory_space<vmem>>, vector<128x32xf32>
    %dot_general3A_85 = arith.constant dense<0.000000e+00> : vector<10000x32xf32>
    %dot_general3A_86 = tpu.matmul %max3A_45, %get3A_84, %dot_general3A_85 {dimension_numbers = #tpu.dot_dimension_numbers<[1], [0], [0], [1], [0, 0, 1, 1], [], []>, transpose_lhs_hint = false} : vector<10000x128xf32>, vector<128x32xf32>, vector<10000x32xf32> -> vector<10000x32xf32>
    %convert_element_type3A_87 = arith.truncf %dot_general3A_86 : vector<10000x32xf32> to vector<10000x32xbf16>
    %swap3A_88 = arith.constant 0 : index
    %swap3A_89 = arith.constant 0 : index
    %swap3A_90 = vector.load %arg14[%swap3A_88, %swap3A_89] : memref<10000x32xbf16, #tpu.memory_space<vmem>>, vector<10000x32xbf16>
    tpu.vector_store %arg14[%swap3A_88, %swap3A_89], %convert_element_type3A_87 {strides = array<i32>} : memref<10000x32xbf16, #tpu.memory_space<vmem>>, vector<10000x32xbf16>,
    return
  }
}

module attributes {stable_mosaic.version = 14 : i64} {
  func.func @_final_body(%arg0: memref<2x10000x32xbf16, #tpu.memory_space<vmem>>, %arg1: memref<16x10000xf32, #tpu.memory_space<vmem>>, %arg2: memref<1x128xf32, #tpu.memory_space<vmem>>, %arg3: memref<32x64xf32, #tpu.memory_space<vmem>>, %arg4: memref<32x64xf32, #tpu.memory_space<vmem>>, %arg5: memref<1x64xf32, #tpu.memory_space<vmem>>, %arg6: memref<128x256xf32, #tpu.memory_space<vmem>>, %arg7: memref<64x256xf32, #tpu.memory_space<vmem>>, %arg8: memref<1x256xf32, #tpu.memory_space<vmem>>, %arg9: memref<256x256xf32, #tpu.memory_space<vmem>>, %arg10: memref<1x256xf32, #tpu.memory_space<vmem>>, %arg11: memref<256x16xf32, #tpu.memory_space<vmem>>, %arg12: memref<1x16xf32, #tpu.memory_space<vmem>>, %arg13: memref<256x16xf32, #tpu.memory_space<vmem>>, %arg14: memref<1x16xf32, #tpu.memory_space<vmem>>, %arg15: memref<1x16xf32, #tpu.memory_space<vmem>>, %arg16: memref<1x16xf32, #tpu.memory_space<vmem>>) attributes {dimension_semantics = [], scalar_prefetch = 0 : i64, scratch_operands = 0 : i64, tpu.core_type = #tpu.core_type<tc>} {
    %broadcast_in_dim3A = arith.constant 1.000000e+00 : f32
    %broadcast_in_dim3A_0 = vector.broadcast %broadcast_in_dim3A : f32 to vector<16x1xf32>
    %get3A = arith.constant 0 : index
    %get3A_1 = arith.constant 0 : index
    %get3A_2 = vector.load %arg1[%get3A, %get3A_1] : memref<16x10000xf32, #tpu.memory_space<vmem>>, vector<16x10000xf32>
    %dot_general3A = arith.constant dense<0.000000e+00> : vector<10000x1xf32>
    %dot_general3A_3 = tpu.matmul %get3A_2, %broadcast_in_dim3A_0, %dot_general3A {dimension_numbers = #tpu.dot_dimension_numbers<[0], [0], [1], [1], [0, 1, 1, 1], [], []>, transpose_lhs_hint = false} : vector<16x10000xf32>, vector<16x1xf32>, vector<10000x1xf32> -> vector<10000x1xf32>
    %max3A = arith.constant 1.000000e+00 : f32
    %max3A_4 = vector.broadcast %max3A : f32 to vector<10000x1xf32>
    %max3A_5 = arith.maximumf %dot_general3A_3, %max3A_4 : vector<10000x1xf32>
    %div3A = arith.constant 1.000000e+00 : f32
    %div3A_6 = vector.broadcast %div3A : f32 to vector<10000x1xf32>
    %div3A_7 = arith.divf %div3A_6, %max3A_5 : vector<10000x1xf32>
    %gt3A = arith.constant 0.000000e+00 : f32
    %gt3A_8 = vector.broadcast %gt3A : f32 to vector<10000x1xf32>
    %gt3A_9 = arith.cmpf ogt, %dot_general3A_3, %gt3A_8 : vector<10000x1xf32>
    %convert_element_type3A = arith.extui %gt3A_9 : vector<10000x1xi1> to vector<10000x1xi32>
    %convert_element_type3A_10 = arith.sitofp %convert_element_type3A : vector<10000x1xi32> to vector<10000x1xf32>
    %get3A_11 = arith.constant 0 : index
    %get3A_12 = arith.constant 0 : index
    %get3A_13 = arith.constant 0 : index
    %get3A_14 = vector.load %arg0[%get3A_11, %get3A_12, %get3A_13] : memref<2x10000x32xbf16, #tpu.memory_space<vmem>>, vector<1x10000x32xbf16>
    %get3A_15 = vector.shape_cast %get3A_14 : vector<1x10000x32xbf16> to vector<10000x32xbf16>
    %convert_element_type3A_16 = arith.extf %get3A_15 : vector<10000x32xbf16> to vector<10000x32xf32>
    %mul3A = vector.broadcast %div3A_7 : vector<10000x1xf32> to vector<10000x32xf32>
    %mul3A_17 = arith.mulf %convert_element_type3A_16, %mul3A : vector<10000x32xf32>
    %reduce_sum3A = arith.constant dense<0.000000e+00> : vector<32xf32>
    %reduce_sum3A_18 = vector.multi_reduction <add>, %mul3A_17, %reduce_sum3A [0] : vector<10000x32xf32> to vector<32xf32>
    %broadcast_in_dim3A_19 = vector.shape_cast %reduce_sum3A_18 : vector<32xf32> to vector<1x32xf32>
    %mul3A_20 = arith.constant 9.99999974E-5 : f32
    %mul3A_21 = vector.broadcast %mul3A_20 : f32 to vector<1x32xf32>
    %mul3A_22 = arith.mulf %broadcast_in_dim3A_19, %mul3A_21 : vector<1x32xf32>
    %get3A_23 = arith.constant 1 : index
    %get3A_24 = arith.constant 0 : index
    %get3A_25 = arith.constant 0 : index
    %get3A_26 = vector.load %arg0[%get3A_23, %get3A_24, %get3A_25] : memref<2x10000x32xbf16, #tpu.memory_space<vmem>>, vector<1x10000x32xbf16>
    %get3A_27 = vector.shape_cast %get3A_26 : vector<1x10000x32xbf16> to vector<10000x32xbf16>
    %convert_element_type3A_28 = arith.extf %get3A_27 : vector<10000x32xbf16> to vector<10000x32xf32>
    %mul3A_29 = vector.broadcast %div3A_7 : vector<10000x1xf32> to vector<10000x32xf32>
    %mul3A_30 = arith.mulf %convert_element_type3A_28, %mul3A_29 : vector<10000x32xf32>
    %reduce_sum3A_31 = arith.constant dense<0.000000e+00> : vector<32xf32>
    %reduce_sum3A_32 = vector.multi_reduction <add>, %mul3A_30, %reduce_sum3A_31 [0] : vector<10000x32xf32> to vector<32xf32>
    %broadcast_in_dim3A_33 = vector.shape_cast %reduce_sum3A_32 : vector<32xf32> to vector<1x32xf32>
    %mul3A_34 = arith.constant 9.99999974E-5 : f32
    %mul3A_35 = vector.broadcast %mul3A_34 : f32 to vector<1x32xf32>
    %mul3A_36 = arith.mulf %broadcast_in_dim3A_33, %mul3A_35 : vector<1x32xf32>
    %reduce_sum3A_37 = vector.shape_cast %convert_element_type3A_10 : vector<10000x1xf32> to vector<1x10000x1xf32>
    %reduce_sum3A_38 = arith.constant dense<0.000000e+00> : vector<1xf32>
    %reduce_sum3A_39 = vector.multi_reduction <add>, %reduce_sum3A_37, %reduce_sum3A_38 [1, 2] : vector<1x10000x1xf32> to vector<1xf32>
    %reduce_sum3A_40 = vector.shape_cast %reduce_sum3A_39 : vector<1xf32> to vector<1x1x1xf32>
    %reduce_sum3A_41 = vector.extract %reduce_sum3A_40[0, 0, 0] : f32 from vector<1x1x1xf32>
    %mul3A_42 = arith.constant 9.99999974E-5 : f32
    %mul3A_43 = arith.mulf %reduce_sum3A_41, %mul3A_42 : f32
    %get3A_44 = arith.constant 0 : index
    %get3A_45 = arith.constant 0 : index
    %get3A_46 = vector.load %arg3[%get3A_44, %get3A_45] : memref<32x64xf32, #tpu.memory_space<vmem>>, vector<32x64xf32>
    %dot_general3A_47 = arith.constant dense<0.000000e+00> : vector<1x64xf32>
    %dot_general3A_48 = tpu.matmul %mul3A_22, %get3A_46, %dot_general3A_47 {dimension_numbers = #tpu.dot_dimension_numbers<[1], [0], [0], [1], [0, 0, 1, 1], [], []>, transpose_lhs_hint = false} : vector<1x32xf32>, vector<32x64xf32>, vector<1x64xf32> -> vector<1x64xf32>
    %get3A_49 = arith.constant 0 : index
    %get3A_50 = arith.constant 0 : index
    %get3A_51 = vector.load %arg4[%get3A_49, %get3A_50] : memref<32x64xf32, #tpu.memory_space<vmem>>, vector<32x64xf32>
    %dot_general3A_52 = arith.constant dense<0.000000e+00> : vector<1x64xf32>
    %dot_general3A_53 = tpu.matmul %mul3A_36, %get3A_51, %dot_general3A_52 {dimension_numbers = #tpu.dot_dimension_numbers<[1], [0], [0], [1], [0, 0, 1, 1], [], []>, transpose_lhs_hint = false} : vector<1x32xf32>, vector<32x64xf32>, vector<1x64xf32> -> vector<1x64xf32>
    %add3A = arith.addf %dot_general3A_48, %dot_general3A_53 : vector<1x64xf32>
    %get3A_54 = arith.constant 0 : index
    %get3A_55 = arith.constant 0 : index
    %get3A_56 = vector.load %arg5[%get3A_54, %get3A_55] : memref<1x64xf32, #tpu.memory_space<vmem>>, vector<1x64xf32>
    %mul3A_57 = vector.broadcast %mul3A_43 : f32 to vector<1x64xf32>
    %mul3A_58 = arith.mulf %mul3A_57, %get3A_56 : vector<1x64xf32>
    %add3A_59 = arith.addf %add3A, %mul3A_58 : vector<1x64xf32>
    %get3A_60 = arith.constant 0 : index
    %get3A_61 = arith.constant 0 : index
    %get3A_62 = vector.load %arg2[%get3A_60, %get3A_61] : memref<1x128xf32, #tpu.memory_space<vmem>>, vector<1x128xf32>
    %get3A_63 = arith.constant 0 : index
    %get3A_64 = arith.constant 0 : index
    %get3A_65 = vector.load %arg6[%get3A_63, %get3A_64] : memref<128x256xf32, #tpu.memory_space<vmem>>, vector<128x256xf32>
    %dot_general3A_66 = arith.constant dense<0.000000e+00> : vector<1x256xf32>
    %dot_general3A_67 = tpu.matmul %get3A_62, %get3A_65, %dot_general3A_66 {dimension_numbers = #tpu.dot_dimension_numbers<[1], [0], [0], [1], [0, 0, 1, 1], [], []>, transpose_lhs_hint = false} : vector<1x128xf32>, vector<128x256xf32>, vector<1x256xf32> -> vector<1x256xf32>
    %get3A_68 = arith.constant 0 : index
    %get3A_69 = arith.constant 0 : index
    %get3A_70 = vector.load %arg7[%get3A_68, %get3A_69] : memref<64x256xf32, #tpu.memory_space<vmem>>, vector<64x256xf32>
    %dot_general3A_71 = arith.constant dense<0.000000e+00> : vector<1x256xf32>
    %dot_general3A_72 = tpu.matmul %add3A_59, %get3A_70, %dot_general3A_71 {dimension_numbers = #tpu.dot_dimension_numbers<[1], [0], [0], [1], [0, 0, 1, 1], [], []>, transpose_lhs_hint = false} : vector<1x64xf32>, vector<64x256xf32>, vector<1x256xf32> -> vector<1x256xf32>
    %add3A_73 = arith.addf %dot_general3A_67, %dot_general3A_72 : vector<1x256xf32>
    %get3A_74 = arith.constant 0 : index
    %get3A_75 = arith.constant 0 : index
    %get3A_76 = vector.load %arg8[%get3A_74, %get3A_75] : memref<1x256xf32, #tpu.memory_space<vmem>>, vector<1x256xf32>
    %add3A_77 = arith.addf %add3A_73, %get3A_76 : vector<1x256xf32>
    %max3A_78 = arith.constant 0.000000e+00 : f32
    %max3A_79 = vector.broadcast %max3A_78 : f32 to vector<1x256xf32>
    %max3A_80 = arith.maximumf %add3A_77, %max3A_79 : vector<1x256xf32>
    %get3A_81 = arith.constant 0 : index
    %get3A_82 = arith.constant 0 : index
    %get3A_83 = vector.load %arg9[%get3A_81, %get3A_82] : memref<256x256xf32, #tpu.memory_space<vmem>>, vector<256x256xf32>
    %dot_general3A_84 = arith.constant dense<0.000000e+00> : vector<1x256xf32>
    %dot_general3A_85 = tpu.matmul %max3A_80, %get3A_83, %dot_general3A_84 {dimension_numbers = #tpu.dot_dimension_numbers<[1], [0], [0], [1], [0, 0, 1, 1], [], []>, transpose_lhs_hint = false} : vector<1x256xf32>, vector<256x256xf32>, vector<1x256xf32> -> vector<1x256xf32>
    %get3A_86 = arith.constant 0 : index
    %get3A_87 = arith.constant 0 : index
    %get3A_88 = vector.load %arg10[%get3A_86, %get3A_87] : memref<1x256xf32, #tpu.memory_space<vmem>>, vector<1x256xf32>
    %add3A_89 = arith.addf %dot_general3A_85, %get3A_88 : vector<1x256xf32>
    %max3A_90 = arith.constant 0.000000e+00 : f32
    %max3A_91 = vector.broadcast %max3A_90 : f32 to vector<1x256xf32>
    %max3A_92 = arith.maximumf %add3A_89, %max3A_91 : vector<1x256xf32>
    %get3A_93 = arith.constant 0 : index
    %get3A_94 = arith.constant 0 : index
    %get3A_95 = vector.load %arg11[%get3A_93, %get3A_94] : memref<256x16xf32, #tpu.memory_space<vmem>>, vector<256x16xf32>
    %dot_general3A_96 = arith.constant dense<0.000000e+00> : vector<1x16xf32>
    %dot_general3A_97 = tpu.matmul %max3A_92, %get3A_95, %dot_general3A_96 {dimension_numbers = #tpu.dot_dimension_numbers<[1], [0], [0], [1], [0, 0, 1, 1], [], []>, transpose_lhs_hint = false} : vector<1x256xf32>, vector<256x16xf32>, vector<1x16xf32> -> vector<1x16xf32>
    %get3A_98 = arith.constant 0 : index
    %get3A_99 = arith.constant 0 : index
    %get3A_100 = vector.load %arg12[%get3A_98, %get3A_99] : memref<1x16xf32, #tpu.memory_space<vmem>>, vector<1x16xf32>
    %add3A_101 = arith.addf %dot_general3A_97, %get3A_100 : vector<1x16xf32>
    %swap3A = arith.constant 0 : index
    %swap3A_102 = arith.constant 0 : index
    %swap3A_103 = vector.load %arg15[%swap3A, %swap3A_102] : memref<1x16xf32, #tpu.memory_space<vmem>>, vector<1x16xf32>
    tpu.vector_store %arg15[%swap3A, %swap3A_102], %add3A_101 {strides = array<i32>} : memref<1x16xf32, #tpu.memory_space<vmem>>, vector<1x16xf32>,
    %get3A_104 = arith.constant 0 : index
    %get3A_105 = arith.constant 0 : index
    %get3A_106 = vector.load %arg13[%get3A_104, %get3A_105] : memref<256x16xf32, #tpu.memory_space<vmem>>, vector<256x16xf32>
    %dot_general3A_107 = arith.constant dense<0.000000e+00> : vector<1x16xf32>
    %dot_general3A_108 = tpu.matmul %max3A_92, %get3A_106, %dot_general3A_107 {dimension_numbers = #tpu.dot_dimension_numbers<[1], [0], [0], [1], [0, 0, 1, 1], [], []>, transpose_lhs_hint = false} : vector<1x256xf32>, vector<256x16xf32>, vector<1x16xf32> -> vector<1x16xf32>
    %get3A_109 = arith.constant 0 : index
    %get3A_110 = arith.constant 0 : index
    %get3A_111 = vector.load %arg14[%get3A_109, %get3A_110] : memref<1x16xf32, #tpu.memory_space<vmem>>, vector<1x16xf32>
    %add3A_112 = arith.addf %dot_general3A_108, %get3A_111 : vector<1x16xf32>
    %jit3A = arith.constant -2.000000e+01 : f32
    %jit3A_113 = arith.constant 2.000000e+00 : f32
    %max3A_114 = vector.broadcast %jit3A : f32 to vector<1x16xf32>
    %max3A_115 = arith.maximumf %max3A_114, %add3A_112 : vector<1x16xf32>
    %min3A = vector.broadcast %jit3A_113 : f32 to vector<1x16xf32>
    %min3A_116 = arith.minimumf %min3A, %max3A_115 : vector<1x16xf32>
    %swap3A_117 = arith.constant 0 : index
    %swap3A_118 = arith.constant 0 : index
    %swap3A_119 = vector.load %arg16[%swap3A_117, %swap3A_118] : memref<1x16xf32, #tpu.memory_space<vmem>>, vector<1x16xf32>
    tpu.vector_store %arg16[%swap3A_117, %swap3A_118], %min3A_116 {strides = array<i32>} : memref<1x16xf32, #tpu.memory_space<vmem>>, vector<1x16xf32>,
    return
  }
}

</mosaic_0001>

<sc_bundles>
// kernel: kernel.10.cloned.1.call-start
scs
__scs_entry_jumppad:
0x0: {  	(pc) =	sbr.rel $0x88, $3  }
0x1: {  	(tag) =	ssettag $0x0;
	lr =	simm.s32 $0x1  }
0x2: {  	[smem:$0x3F8E] =	sst lr;
	_ =	strace $0xD0000000  }
0x3: {  	_ = 	snop  }
0x4: {  	_ = 	snop  }
0x5: {  	_ = 	snop  }
0x6: {  	_ = 	snop  }
0x7: {  	_ = 	snop  }
__scs_overlays_trampoline_lowered:
0x8: {  	[smem:$0x3F9D] =	sst s0  }
0x9: {  	[smem:$0x3F9E] =	sst s1  }
0xa: {  	[smem:$0x3F9F] =	sst s2  }
0xb: {  	[smem:$0x3FA0] =	sst s3  }
0xc: {  	[smem:$0x3FA1] =	sst s4  }
0xd: {  	[smem:$0x3FA2] =	sst s5  }
0xe: {  	[smem:$0x3FA3] =	sst s6  }
0xf: {  	[smem:$0x3FA4] =	sst s7  }
0x10: {  	[smem:$0x3FA5] =	sst s8  }
0x11: {  	[smem:$0x3FA6] =	sst s9;
	s0 =	simm.s32 @!p0 $0x0  }
0x12: {  	s1 =	sld [smem:$0x3F8C];
	s0 =	simm.s32 @p0 $0x1  }
0x13: {  	[smem:$0x3FA7] =	sst s0;
	s0 =	simm.s32 @!p1 $0x0  }
0x14: {  	s2 =	sld [smem:$0x3F8B];
	s0 =	simm.s32 @p1 $0x1  }
0x15: {  	[smem:$0x3FA8] =	sst s0;
	s0 =	simm.s32 @!p2 $0x0  }
0x16: {  	s3 =	sld [smem:$0x3FDB];
	s0 =	simm.s32 @p2 $0x1  }
0x17: {  	s4 =	simm.s32 $0x1BF5;
	[smem:$0x3FAA] =	sst s0  }
0x18: {  	s0 =	sld [smem:$0x3F8D];
	_ =	swait.ge [sflag:s4], $0x0  }
0x19: {  	s7 =	sld [smem:$0x3F8E]  }
0x1a: {  	s8 =	sadd.s32 $0xFFFFE003, lr  }
0x1b: {  	s9 =	sadd.s32 $0xFFFFFEF7, lr;
	s5 =	simm.s32 $0xFFFFFFFF;
	p2 =	slt.u32 s8, $0xFFFFF086  }
0x1c: {  	p1 =	slt.u32 s9, $0xF7A;
	s5 =	simm.s32 @!p2 $0x0  }
0x1d: {  	s5 =	simm.s32 @p1 $0x1;
	p0 =	seq.s32 s7, s2  }
0x1e: {  	s7 =	smul.u32 @!p0 $0xF7A, s2;
	p2 =	seq.s32 @!p0 s5, $0x0  }
0x1f: {  	s9 =	smul.u32 $0xF7A, s1;
	s8 =	simm.s32 @!p0 $0x1BF5;
	p2 =	por !p2, p0  }
0x20: {  	[sflag:s8] =	ssyncset.s32 @!p0 $0xFFFFF086;
	s6 =	sadd.s32 @!p0 s3, s7;
	s7 =	simm.s32 @!p0 $0x108  }
0x21: {  	s3 =	sadd.s32 s3, s9;
	s6 =	sadd.s32 @!p0 $0x88, s6;
	s7 =	simm.s32 @p2 $0x1082  }
0x22: {  	[simem:s7], [sflag:s8] =	dma.local @!p0 [hbm:s6], $0xF7A  }
0x23: {  	s9 =	sor.u32 $0xD0000000, s2;
	s6 =	simm.s32 $0x108;
	_ =	swait.ge @!p0 [sflag:s8], $0x0  }
0x24: {  	s3 =	sadd.s32 $0x88, s3;
	s6 =	simm.s32 @!p1 $0x1082;
	[sflag:s4] =	ssyncset.s32 $0xFFFFF086  }
0x25: {  	[simem:s6], [sflag:s4] =	dma.local [hbm:s3], $0xF7A  }
0x26: {  	[smem:$0x3F8E] =	sst s1;
	(tag) =	ssettag s2;
	_ =	strace s9  }
0x27: {  	s1 =	sld [smem:$0x3F9E]  }
0x28: {  	s2 =	sld [smem:$0x3F9F]  }
0x29: {  	s4 =	sld [smem:$0x3FA1]  }
0x2a: {  	p0 =	seq.s32 s5, $0x0;
	s5 =	sld [smem:$0x3FA2]  }
0x2b: {  	s6 =	sld [smem:$0x3FA3]  }
0x2c: {  	s7 =	sld [smem:$0x3FA4]  }
0x2d: {  	s3 =	simm.s32 $0x108;
	s8 =	sld [smem:$0x3FA5]  }
0x2e: {  	s3 =	simm.s32 @!p0 $0x1082;
	s9 =	sld [smem:$0x3FA6]  }
0x2f: {  	lr =	sadd.s32 s0, s3;
	s0 =	sld [smem:$0x3F9D]  }
0x30: {  	s3 =	sld [smem:$0x3FA0]  }
0x31: {  	[smem:$0x3FA9] =	sst s10  }
0x32: {  	s10 =	sld [smem:$0x3FA7];
	_ =	sdelay $0x3  }
0x33: {  	p0 =	seq.s32 s10, $0x1;
	s10 =	sld [smem:$0x3FA9];
	_ =	sdelay $0x3  }
0x34: {  	[smem:$0x3FA9] =	sst s10  }
0x35: {  	s10 =	sld [smem:$0x3FA8];
	_ =	sdelay $0x3  }
0x36: {  	p1 =	seq.s32 s10, $0x1;
	s10 =	sld [smem:$0x3FA9];
	_ =	sdelay $0x3  }
0x37: {  	[smem:$0x3FA9] =	sst s10  }
0x38: {  	s10 =	sld [smem:$0x3FAA]  }
0x39: {  	_ = 	snop;
	(pc) =	sbr.ind lr, $3  }
0x3a: {  	_ = 	snop  }
0x3b: {  	_ = 	snop  }
0x3c: {  	p2 =	seq.s32 s10, $0x1;
	s10 =	sld [smem:$0x3FA9]  }
0x3d: {  	_ =	shalt  }
0x3e: {  	_ =	shalt  }
0x3f: {  	_ =	shalt  }
0x40: {  	_ =	shalt  }
0x41: {  	_ =	shalt  }
0x42: {  	_ =	shalt  }
0x43: {  	_ =	shalt  }
0x44: {  	_ =	shalt  }
0x45: {  	_ =	shalt  }
0x46: {  	_ =	shalt  }
0x47: {  	_ =	shalt  }
0x48: {  	_ =	shalt  }
0x49: {  	_ =	shalt  }
0x4a: {  	_ =	shalt  }
0x4b: {  	_ =	shalt  }
0x4c: {  	_ =	shalt  }
0x4d: {  	_ =	shalt  }
0x4e: {  	_ =	shalt  }
0x4f: {  	_ =	shalt  }
0x50: {  	_ =	shalt  }
0x51: {  	_ =	shalt  }
0x52: {  	_ =	shalt  }
0x53: {  	_ =	shalt  }
0x54: {  	_ =	shalt  }
0x55: {  	_ =	shalt  }
0x56: {  	_ =	shalt  }
0x57: {  	_ =	shalt  }
0x58: {  	_ =	shalt  }
0x59: {  	_ =	shalt  }
0x5a: {  	_ =	shalt  }
0x5b: {  	_ =	shalt  }
0x5c: {  	_ =	shalt  }
0x5d: {  	_ =	shalt  }
0x5e: {  	_ =	shalt  }
0x5f: {  	_ =	shalt  }
0x60: {  	_ =	shalt  }
0x61: {  	_ =	shalt  }
0x62: {  	_ =	shalt  }
0x63: {  	_ =	shalt  }
0x64: {  	_ =	shalt  }
0x65: {  	_ =	shalt  }
0x66: {  	_ =	shalt  }
0x67: {  	_ =	shalt  }
0x68: {  	_ =	shalt  }
0x69: {  	_ =	shalt  }
0x6a: {  	_ =	shalt  }
0x6b: {  	_ =	shalt  }
0x6c: {  	_ =	shalt  }
0x6d: {  	_ =	shalt  }
0x6e: {  	_ =	shalt  }
0x6f: {  	_ =	shalt  }
0x70: {  	_ =	shalt  }
0x71: {  	_ =	shalt  }
0x72: {  	_ =	shalt  }
0x73: {  	_ =	shalt  }
0x74: {  	_ =	shalt  }
0x75: {  	_ =	shalt  }
0x76: {  	_ =	shalt  }
0x77: {  	_ =	shalt  }
0x78: {  	_ =	shalt  }
0x79: {  	_ =	shalt  }
0x7a: {  	_ =	shalt  }
0x7b: {  	_ =	shalt  }
0x7c: {  	_ =	shalt  }
0x7d: {  	_ =	shalt  }
0x7e: {  	_ =	shalt  }
0x7f: {  	_ =	shalt  }
0x80: {  	_ =	shalt  }
0x81: {  	_ =	shalt  }
0x82: {  	_ =	shalt  }
0x83: {  	_ =	shalt  }
0x84: {  	_ =	shalt  }
0x85: {  	_ =	shalt  }
0x86: {  	_ =	shalt  }
0x87: {  	_ =	shalt  }
.Lfunc_end0:
.L_simem_size_0:
called_computation.1_lowered:
.L_overlay_start_0:
0x88: {  	s2 =	sld [smem:$0x3FD9]  }
0x89: {  	s3 =	sld [smem:$0x3FFE];
	_ =	sdelay $0x1  }
0x8a: {  	s1 =	srdreg.scid  }
0x8b: {  	s0 =	sand.u32 $0x1, s1  }
0x8c: {  	s16 =	sshll.u32 s0, $0xA;
	s2 =	sadd.s32 s3, s2  }
0x8d: {  	s2 =	sadd.s32 s2, s16  }
0x8e: {  	[smem:$0x3FB5] =	sst s2  }
0x8f: {  	_ = 	snop  }
0x90: {  	(tm) =	ssettm $0x1  }
0x91: {  	s17 =	sld [smem:$0x3FFB];
	_ =	sdelay $0x3  }
0x92: {  	_ =	strace s17  }
0x93: {  	s2 =	sld [smem:$0x3FFC];
	_ =	sdelay $0x3  }
0x94: {  	_ =	strace s2  }
0x95: {  	s2 =	sld [smem:$0x3FFD];
	_ =	sdelay $0x3  }
0x96: {  	_ =	strace s2  }
0x97: {  	_ =	strace $0x8FFFFFFF  }
0x98: {  	s18 =	sld [smem:$0x3FDB];
	_ =	sdelay $0x1  }
0x99: {  	s19 =	simm.s32 $_scs_section_size  }
0x9a: {  	s4 =	simm.s32 $_size__tile_overlayer_lowered;
	s5 =	simm.s32 $_tile_overlayer_lowered  }
0x9b: {  	s22 =	simm.s32 $0x1BFF;
	s21 =	sshll.u32 s5, $0x1;
	s2 =	sadd.s32 s19, s18  }
0x9c: {  	s6 =	simm.s32 $0x0;
	s20 =	sshll.u32 s4, $0x1;
	s4 =	sadd.s32 s21, s2  }
0x9d: {  	[timem:s6], [sflag:s22] =	dma.local [hbm:s4], s20  }
0x9e: {  	_ =	swait.ge [sflag:s22], s20  }
0x9f: {  	s3 =	ssub.s32 $0x0, s20;
	[sflag:s22] =	ssyncset.done $0x0  }
0xa0: {  	[sflag:s22] =	ssyncadd.s32 s3;
	_ =	sdelay $0x1  }
0xa1: {  	s23 =	simm.s32 $0x1B8B  }
0xa2: {  	_ =	swait.ge [sflag:s23], $0x1  }
0xa3: {  	[sflag:s23] =	ssyncset.done $0x0  }
0xa4: {  	s25 =	simm.s32 $0x1B8E;
	s24 =	sld [smem:$0x3FFE];
	[sflag:s23] =	ssyncadd.s32 $0xFFFFFFFF  }
0xa5: {  	s26 =	simm.s32 $execute0_lowered;
	[smem:$0x3FD2] =	sst s25  }
0xa6: {  	s4 =	sshll.u32 s26, $0x1;
	_ =	strace $0x80000049;
	[dreg:$0x1] =	wrdreg $0xFFFFFFFF  }
0xa7: {  	s28 =	simm.s32 $_size_execute0_lowered;
	s2 =	sadd.s32 s2, s4;
	[dreg:$0x0] =	wrdreg $0x0  }
0xa8: {  	s4 =	sshll.u32 s28, $0x1;
	[dreg:$0x2] =	wrdreg s2  }
0xa9: {  	[dreg:$0x3] =	wrdreg s4  }
0xaa: {  	[dreg:$0x4] =	wrdreg $0xC0  }
0xab: {  	_ =	task [dreg:s6], $0x5FFFF  }
0xac: {  	[dreg:$0x1] =	wrdreg $0xFFFFFFFF  }
0xad: {  	[dreg:$0x0] =	wrdreg $0x60  }
0xae: {  	[dreg:$0x2] =	wrdreg s24  }
0xaf: {  	[dreg:$0x3] =	wrdreg $0xD5D00  }
0xb0: {  	[dreg:$0x4] =	wrdreg $0x9  }
0xb1: {  	_ =	task.clear_ibuf [dreg:s6], $0x5FFFF;
	_ =	strace $0x90000049  }
0xb2: {  	s29 =	simm.s32 $0x9;
	_ =	strace $0x8000004B  }
0xb3: {  	_ =	swait.ge [sflag:s29], $0x1  }
0xb4: {  	[sflag:s29] =	ssyncadd.s32 $0xFFFFFFFF  }
0xb5: {  	_ =	strace $0x9000004B  }
0xb6: {  	_ =	sfence  }
0xb7: {  	s30 =	sld [smem:$0x0];
	_ =	sdelay $0x2  }
0xb8: {  	s31 =	sshll.u32 s1, $0xD;
	s1 =	sshrl.u32 s1, $0x2  }
0xb9: {  	s3 =	sand.u32 $0x4000, s31;
	s1 =	sadd.s32 s1, s30  }
0xba: {  	s0 =	sor.u32 s3, s0;
	s1 =	sshll.u32 s1, $0x11  }
0xbb: {  	s0 =	sor.u32 s1, s0  }
0xbc: {  	s0 =	sadd.s32 $0x8F2B, s0  }
0xbd: {  	[sflag:s0] =	ssyncadd.remote.s32 $0x1  }
0xbe: {  	_ =	sfence.sel $0xFFFF  }
0xbf: {  	[dreg:$0x0] =	wrdreg $0xFFFFFFFF;
	(pc) =	sbr.abs _section_cstart, $3  }
0xc0: {  	[dreg:$0x1] =	wrdreg $0xFFFFFFFF  }
0xc1: {  	_ =	task.clear_ibuf [dreg:s6], $0x2FFFF;
	_ =	strace $0x9FFFFFFF  }
0xc2: {  	(tm) =	ssettm $0x7FFFFFFF  }
0xc3: {  	_ =	shalt  }
tec
execute0_lowered:
.L_overlay_start_1:
0x0: {  	(tag) =	ssettag $0x1  }
0x1: {  	s0 =	rddreg [dreg:$0x0]  }
0x2: {  	s2 =	rddreg [dreg:$0x1];
	s1 =	simm.s32 $0x0;
	s11 =	stileid.u32  }
0x3: {  	s3 =	srdreg.scid;
	s28 =	simm.s32 $0xA600;
	s29 =	simm.s32 $0xB600  }
0x4: {  	s30 =	simm.s32 $0x4E00;
	s31 =	simm.s32 $0xBE00;
	s18 =	smul.u32 $0x4F00, s11  }
0x5: {  	[smem:$0x7FF] =	sst s1;
	s3 =	sand.u32 $0x1, s3;
	s8 =	smul.u32 $0x4E20, s11  }
0x6: {  	s4 =	sadd.s32 $0x9200, s0;
	s5 =	sadd.s32 $0x4200, s0;
	s6 =	sadd.s32 $0x13200, s0  }
0x7: {  	s7 =	sadd.s32 $0xE200, s0;
	s11 =	smul.u32 $0x9C40, s11;
	_ =	strace $0x8000004A  }
0x8: {  	s9 =	smul.u32 $0x4E200, s3;
	s10 =	ssub.s32 $0x2, s3;
	p0 =	seq.s32 s3, $0x0  }
0x9: {  	s17 =	smov.u32 s5;
	s3 =	simm.s32 $0x6;
	s1 =	sshrl.u32 s18, $0x3  }
0xa: {  	s12 =	sshrl.u32 s10, $0x1;
	s20 =	sshrl.u32 s11, $0x2;
	s18 =	smov.u32 s7  }
0xb: {  	s17 =	smov.u32 @p0 s4;
	s9 =	sadd.s32 s8, s9;
	s1 =	sadd.s32 s1, s0  }
0xc: {  	s19 =	ssub.s32 s10, s12;
	s8 =	sshrl.u32 s8, $0x1;
	s22 =	sadd.s32 s20, s2  }
0xd: {  	s18 =	smov.u32 @p0 s6;
	s20 =	simm.s32 $0xCE00;
	s21 =	sadd.s32 $0x35800, s1  }
0xe: {  	s9 =	sshrl.u32 s9, $0x4;
	s1 =	sadd.s32 $0x2BA00, s1;
	[dreg:$0x3] =	wrdreg s21  }
0xf: {  	s10 =	sadd.s32 s8, s2;
	s23 =	sadd.s32 $0x7D0, s22;
	[dreg:$0x4] =	wrdreg s1  }
0x10: {  	s24 =	sadd.s32 $0xFA0, s22;
	s25 =	sadd.s32 $0x1770, s22;
	[dreg:$0x5] =	wrdreg s23  }
0x11: {  	s26 =	sadd.s32 $0x1F40, s22;
	s16 =	smax.u32 s19, $0x1;
	[dreg:$0x6] =	wrdreg s24  }
0x12: {  	s19 =	simm.s32 $0x4F00;
	s22 =	simm.s32 $0x1;
	[dreg:$0x7] =	wrdreg s25  }
0x13: {  	s8 =	simm.s32 $0x0;
	s0 =	sadd.s32 s9, s0;
	[dreg:$0x8] =	wrdreg s26  }
0x14: {  	s21 =	simm.s32 $0x7;
	s23 =	simm.s32 $0x3;
	s24 =	simm.s32 $0x80  }
0x15: {  	s1 =	simm.s32 $0x4;
	s26 =	simm.s32 $0xC600;
	s0 =	sadd.s32 $0x18200, s0  }
0x16: {  	v0 =	vimm.bf16 $0.0e+00;
	s25 =	simm.s32 $0x5;
	[dreg:$0x9] =	wrdreg s0;
	s0 =	simm.s32 $0x2  }
.LBB2_1:
0x17: {  	s9 =	simm.s32 $0x0;
	s11 =	rddreg [dreg:$0x3]  }
0x18: {  	[tilespmem:s9], [sflag:$0x1] =	stream.linear.gather [hbm4b:s11+s9], $0x4F00, $0x38;
	[tilespmem:$0xFCE0] =	vst v63  }
0x19: {  	s15 =	rddreg [dreg:$0x4]  }
0x1a: {  	[tilespmem:s19], [sflag:$0x3] =	stream.linear.gather [hbm4b:s15+s9], $0x4F00, $0x38;
	[tilespmem:$0xFCE0] =	vst v63  }
0x1b: {  	s11 =	simm.s32 $0x0;
	s9 =	simm.s32 $0x40  }
.LBB2_2:
0x1c: {  	p1 =	sne.s32 s9, $0x1F00;
	[tilespmem:s11+$0xCE00] =	vst v0;
	s11 =	smov.u32 s9;
	s9 =	sadd.s32 $0x40, s9  }
.Ltmp0:
0x1d: {  	(pc) =	sbr.rel @p1 .LBB2_2-.Ltmp0, $2  }
0x1e: {  	_ =	sdelay $0x2  }
0x1f: {  	s11 =	sshra.s32 s11, $0x2  }
0x20: {  	[tilespmem:s11+$0xCE00] =	vst v0  }
0x21: {  	[spmem:s10] =	stream.linear.scatter [tilespmem:s20], [sflag:$0x7], $0x7D0, $0x38;
	[tilespmem:$0xFCE0] =	vst v63  }
0x22: {  	_ =	swait.ge [sflag:s21], $0x7D0  }
0x23: {  	[sflag:s21] =	ssyncset.done $0x0  }
0x24: {  	s9 =	rddreg [dreg:$0x5];
	[sflag:s21] =	ssyncadd.s32 $0xFFFFF830  }
0x25: {  	[spmem:s9] =	stream.linear.scatter [tilespmem:s20], [sflag:$0x7], $0x7D0, $0x38;
	[tilespmem:$0xFCE0] =	vst v63  }
0x26: {  	_ =	swait.ge [sflag:s21], $0x7D0  }
0x27: {  	[sflag:s21] =	ssyncset.done $0x0  }
0x28: {  	s11 =	rddreg [dreg:$0x6];
	[sflag:s21] =	ssyncadd.s32 $0xFFFFF830  }
0x29: {  	[spmem:s11] =	stream.linear.scatter [tilespmem:s20], [sflag:$0x7], $0x7D0, $0x38;
	[tilespmem:$0xFCE0] =	vst v63  }
0x2a: {  	_ =	swait.ge [sflag:s21], $0x7D0  }
0x2b: {  	[sflag:s21] =	ssyncset.done $0x0  }
0x2c: {  	s12 =	rddreg [dreg:$0x7];
	[sflag:s21] =	ssyncadd.s32 $0xFFFFF830  }
0x2d: {  	[spmem:s12] =	stream.linear.scatter [tilespmem:s20], [sflag:$0x7], $0x7D0, $0x38;
	[tilespmem:$0xFCE0] =	vst v63  }
0x2e: {  	_ =	swait.ge [sflag:s21], $0x7D0  }
0x2f: {  	[sflag:s21] =	ssyncset.done $0x0  }
0x30: {  	s13 =	rddreg [dreg:$0x8];
	[sflag:s21] =	ssyncadd.s32 $0xFFFFF830  }
0x31: {  	[spmem:s13] =	stream.linear.scatter [tilespmem:s20], [sflag:$0x7], $0x7D0, $0x38;
	[tilespmem:$0xFCE0] =	vst v63  }
0x32: {  	_ =	swait.ge [sflag:s21], $0x7D0  }
0x33: {  	[sflag:s21] =	ssyncset.done $0x0  }
0x34: {  	[sflag:s21] =	ssyncadd.s32 $0xFFFFF830  }
0x35: {  	[bflag:$0x0] =	sbarrier.arrive $0xFFFF  }
0x36: {  	_ =	swait.ge [sflag:s22], $0x4F00  }
0x37: {  	[sflag:s22] =	ssyncset.done $0x0  }
0x38: {  	[sflag:s22] =	ssyncadd.s32 $0xFFFFB100  }
0x39: {  	_ =	swait.ge [sflag:s23], $0x4F00  }
0x3a: {  	[sflag:s23] =	ssyncset.done $0x0  }
0x3b: {  	s14 =	simm.s32 $0x9E00;
	s9 =	simm.s32 $0x0;
	[sflag:s23] =	ssyncadd.s32 $0xFFFFB100  }
0x3c: {  	[tilespmem:s14], [sflag:$0x1] =	stream.indirect.gather [hbm4b:s17+s24], $0x10, s9, s24, $0xb8;
	[tilespmem:$0xFCE0] =	vst v63  }
0x3d: {  	s15 =	simm.s32 $0xAE00  }
0x3e: {  	[tilespmem:s15], [sflag:$0x3] =	stream.indirect.gather [hbm4b:s18+s24], $0x10, s19, s24, $0xb8;
	[tilespmem:$0xFCE0] =	vst v63  }
.LBB2_4:
0x3f: {  	s11 =	sshllo.u32 s9, $0x1  }
0x40: {  	s11 =	sshll.u32 s11, $0x7  }
0x41: {  	[tilespmem:s28], [sflag:$0x2] =	stream.indirect.gather [hbm4b:s17+s24], $0x10, s11, s24, $0xb8;
	[tilespmem:$0xFCE0] =	vst v63  }
0x42: {  	s12 =	sadd.s32 $0x4F00, s11  }
0x43: {  	[tilespmem:s29], [sflag:$0x4] =	stream.indirect.gather [hbm4b:s18+s24], $0x10, s12, s24, $0xb8;
	[tilespmem:$0xFCE0] =	vst v63  }
0x44: {  	_ =	swait.ge [sflag:s22], $0x800  }
0x45: {  	[sflag:s22] =	ssyncset.done $0x0  }
0x46: {  	[sflag:s22] =	ssyncadd.s32 $0xFFFFF800  }
0x47: {  	_ =	swait.ge [sflag:s23], $0x800  }
0x48: {  	p1 =	seq.s32 s9, $0x0;
	[sflag:s23] =	ssyncset.done $0x0  }
0x49: {  	s12 =	simm.s32 @!p1 $0x5;
	[sflag:s23] =	ssyncadd.s32 $0xFFFFF800  }
0x4a: {  	_ =	swait.ge @!p1 [sflag:s12], $0x800  }
0x4b: {  	[sflag:s12] =	ssyncset.done @!p1 $0x0  }
0x4c: {  	s13 =	simm.s32 $0x0;
	[sflag:s12] =	ssyncadd.s32 @!p1 $0xFFFFF800  }
0x4d: {  	v3 =	vld [tilespmem:s13+$0x9E30]  }
0x4e: {  	v4 =	vld [tilespmem:s13+$0xAE30]  }
0x4f: {  	v6 =	vld [tilespmem:s13+$0x9E00]  }
0x50: {  	v7 =	vld [tilespmem:s13+$0xAE00]  }
0x51: {  	v2 =	vld [tilespmem:s13+$0x9E10]  }
0x52: {  	v5 =	vld [tilespmem:s13+$0xAE10]  }
0x53: {  	v1 =	vld [tilespmem:s13+$0x9E20];
	v8 =	vadd.bf16 v4, v3  }
0x54: {  	s12 =	simm.s32 $0x40;
	v4 =	vld [tilespmem:s13+$0xAE20]  }
0x55: {  	s14 =	simm.s32 $0x200;
	v3 =	vld [tilespmem:s12+$0x9E30];
	v6 =	vadd.bf16 v7, v6;
	v7 =	vmax.bf16 v8, v0  }
.LBB2_5:
0x56: {  	p2 =	sne.s32 s14, $0x1F00;
	v8 =	vld [tilespmem:s12+$0xAE30];
	[tilespmem:s13+$0xBE30] =	vst v7  }
0x57: {  	v7 =	vld [tilespmem:s12+$0x9E00];
	v6 =	vmax.bf16 v6, v0;
	v5 =	vadd.bf16 v5, v2  }
0x58: {  	v9 =	vld [tilespmem:s12+$0xAE00];
	[tilespmem:s13+$0xBE00] =	vst v6  }
.Ltmp1:
0x59: {  	v2 =	vld [tilespmem:s12+$0x9E10];
	v6 =	vmax.bf16 v5, v0;
	v4 =	vadd.bf16 v4, v1;
	(pc) =	sbr.rel @p2 .LBB2_5-.Ltmp1, $4  }
0x5a: {  	v5 =	vld [tilespmem:s12+$0xAE10];
	[tilespmem:s13+$0xBE10] =	vst v6  }
0x5b: {  	v1 =	vld [tilespmem:s12+$0x9E20];
	v8 =	vadd.bf16 v8, v3;
	v3 =	vmax.bf16 v4, v0  }
0x5c: {  	v4 =	vld [tilespmem:s12+$0xAE20];
	[tilespmem:s13+$0xBE20] =	vst v3;
	s13 =	smov.u32 s12;
	s12 =	sshra.s32 s14, $0x2  }
0x5d: {  	s14 =	sadd.s32 $0x100, s14;
	v3 =	vld [tilespmem:s12+$0x9E30];
	v6 =	vadd.bf16 v9, v7;
	v7 =	vmax.bf16 v8, v0  }
0x5e: {  	v8 =	vld [tilespmem:s12+$0xAE30];
	[tilespmem:s13+$0xBE30] =	vst v7  }
0x5f: {  	v7 =	vld [tilespmem:s12+$0x9E00];
	v6 =	vmax.bf16 v6, v0;
	v2 =	vadd.bf16 v5, v2  }
0x60: {  	v9 =	vld [tilespmem:s12+$0xAE00];
	[tilespmem:s13+$0xBE00] =	vst v6  }
0x61: {  	v62 =	vld [tilespmem:s12+$0x9E10];
	v2 =	vmax.bf16 v2, v0  }
0x62: {  	v6 =	vld [tilespmem:s12+$0xAE10];
	[tilespmem:s13+$0xBE10] =	vst v2  }
0x63: {  	v2 =	vld [tilespmem:s12+$0x9E20]  }
0x64: {  	v10 =	vld [tilespmem:s12+$0xAE20]  }
0x65: {  	v1 =	vadd.bf16 v4, v1  }
0x66: {  	v3 =	vadd.bf16 v8, v3  }
0x67: {  	p2 =	seq.s32 s9, $0x4E;
	v1 =	vmax.bf16 v1, v0;
	v63 =	vadd.bf16 v9, v7  }
.Ltmp2:
0x68: {  	[tilespmem:s13+$0xBE20] =	vst v1;
	v1 =	vmax.bf16 v3, v0;
	v3 =	vadd.bf16 v6, v62;
	(pc) =	sbr.rel @!p2 .LBB2_7-.Ltmp2, $4  }
0x69: {  	[tilespmem:s12+$0xBE30] =	vst v1;
	v1 =	vmax.bf16 v63, v0;
	v2 =	vadd.bf16 v10, v2  }
0x6a: {  	[tilespmem:s12+$0xBE00] =	vst v1;
	v1 =	vmax.bf16 v3, v0  }
0x6b: {  	[tilespmem:s12+$0xBE10] =	vst v1;
	v1 =	vmax.bf16 v2, v0  }
0x6c: {  	[tilespmem:s12+$0xBE20] =	vst v1  }
0x6d: {  	s12 =	simm.s32 $0x840;
	s13 =	simm.s32 $0x200  }
.LBB2_9:
0x6e: {  	p2 =	sne.s32 s12, $0x1FC0;
	[tilespmem:s13+$0xBE00] =	vst v0;
	s13 =	smov.u32 s12;
	s12 =	sadd.s32 $0x40, s12  }
.Ltmp3:
0x6f: {  	(pc) =	sbr.rel @p2 .LBB2_9-.Ltmp3, $2  }
0x70: {  	_ =	sdelay $0x2  }
0x71: {  	s13 =	sshra.s32 s13, $0x2  }
.Ltmp4:
0x72: {  	(pc) =	sbr.rel .LBB2_11-.Ltmp4, $3  }
0x73: {  	_ =	sdelay $0x1  }
0x74: {  	[tilespmem:s13+$0xBE00] =	vst v0  }
0x75: {  	[spmem:s2] =	stream.indirect.scatter.add.bf16 [tilespmem:s31], [sflag:$0x5], $0x10, s30, s24, $0xb8;
	[tilespmem:$0xFCE0] =	vst v63  }
.LBB2_7:
0x76: {  	s12 =	sshll.u32 s9, $0x8  }
0x77: {  	s13 =	sand.u32 $0x3FFFFF00, s12  }
0x78: {  	[spmem:s2] =	stream.indirect.scatter.add.bf16 [tilespmem:s31], [sflag:$0x5], $0x10, s13, s24, $0xb8;
	[tilespmem:$0xFCE0] =	vst v63  }
0x79: {  	s14 =	simm.s32 @p0 $0x80;
	s15 =	simm.s32 @p0 $0x9E00;
	s13 =	sadd.s32 $0x100, s12  }
0x7a: {  	[tilespmem:s15], [sflag:$0x1] =	stream.indirect.gather @p0 [hbm4b:s4+s14], $0x10, s13, s14, $0xb8;
	[tilespmem:$0xFCE0] =	vst v63  }
0x7b: {  	s12 =	sadd.s32 $0x5000, s12;
	s15 =	simm.s32 @p0 $0xAE00  }
0x7c: {  	[tilespmem:s15], [sflag:$0x3] =	stream.indirect.gather @p0 [hbm4b:s6+s14], $0x10, s12, s14, $0xb8;
	[tilespmem:$0xFCE0] =	vst v63  }
0x7d: {  	s14 =	simm.s32 @!p0 $0x80;
	s15 =	simm.s32 @!p0 $0x9E00  }
0x7e: {  	[tilespmem:s15], [sflag:$0x1] =	stream.indirect.gather @!p0 [hbm4b:s5+s14], $0x10, s13, s14, $0xb8;
	[tilespmem:$0xFCE0] =	vst v63  }
0x7f: {  	s13 =	simm.s32 @!p0 $0xAE00  }
0x80: {  	[tilespmem:s13], [sflag:$0x3] =	stream.indirect.gather @!p0 [hbm4b:s7+s14], $0x10, s12, s14, $0xb8;
	[tilespmem:$0xFCE0] =	vst v63  }
.LBB2_11:
0x81: {  	_ =	swait.ge [sflag:s0], $0x800  }
0x82: {  	[sflag:s0] =	ssyncset.done $0x0  }
0x83: {  	[sflag:s0] =	ssyncadd.s32 $0xFFFFF800  }
0x84: {  	_ =	swait.ge [sflag:s1], $0x800  }
0x85: {  	[sflag:s1] =	ssyncset.done $0x0  }
0x86: {  	s12 =	simm.s32 @!p1 $0x6;
	[sflag:s1] =	ssyncadd.s32 $0xFFFFF800  }
0x87: {  	_ =	swait.ge @!p1 [sflag:s12], $0x800  }
0x88: {  	[sflag:s12] =	ssyncset.done @!p1 $0x0  }
0x89: {  	s13 =	simm.s32 $0x0;
	[sflag:s12] =	ssyncadd.s32 @!p1 $0xFFFFF800  }
0x8a: {  	v3 =	vld [tilespmem:s13+$0xA630]  }
0x8b: {  	v4 =	vld [tilespmem:s13+$0xB630]  }
0x8c: {  	v6 =	vld [tilespmem:s13+$0xA600]  }
0x8d: {  	v7 =	vld [tilespmem:s13+$0xB600]  }
0x8e: {  	v2 =	vld [tilespmem:s13+$0xA610]  }
0x8f: {  	v5 =	vld [tilespmem:s13+$0xB610]  }
0x90: {  	v1 =	vld [tilespmem:s13+$0xA620];
	v8 =	vadd.bf16 v4, v3  }
0x91: {  	s12 =	simm.s32 $0x40;
	v4 =	vld [tilespmem:s13+$0xB620]  }
0x92: {  	s14 =	simm.s32 $0x200;
	v3 =	vld [tilespmem:s12+$0xA630];
	v6 =	vadd.bf16 v7, v6;
	v7 =	vmax.bf16 v8, v0  }
.LBB2_12:
0x93: {  	p1 =	sne.s32 s14, $0x1F00;
	v8 =	vld [tilespmem:s12+$0xB630];
	[tilespmem:s13+$0xC630] =	vst v7  }
0x94: {  	v7 =	vld [tilespmem:s12+$0xA600];
	v6 =	vmax.bf16 v6, v0;
	v5 =	vadd.bf16 v5, v2  }
0x95: {  	v9 =	vld [tilespmem:s12+$0xB600];
	[tilespmem:s13+$0xC600] =	vst v6  }
.Ltmp5:
0x96: {  	v2 =	vld [tilespmem:s12+$0xA610];
	v6 =	vmax.bf16 v5, v0;
	v4 =	vadd.bf16 v4, v1;
	(pc) =	sbr.rel @p1 .LBB2_12-.Ltmp5, $4  }
0x97: {  	v5 =	vld [tilespmem:s12+$0xB610];
	[tilespmem:s13+$0xC610] =	vst v6  }
0x98: {  	v1 =	vld [tilespmem:s12+$0xA620];
	v8 =	vadd.bf16 v8, v3;
	v3 =	vmax.bf16 v4, v0  }
0x99: {  	v4 =	vld [tilespmem:s12+$0xB620];
	[tilespmem:s13+$0xC620] =	vst v3;
	s13 =	smov.u32 s12;
	s12 =	sshra.s32 s14, $0x2  }
0x9a: {  	s14 =	sadd.s32 $0x100, s14;
	v3 =	vld [tilespmem:s12+$0xA630];
	v6 =	vadd.bf16 v9, v7;
	v7 =	vmax.bf16 v8, v0  }
0x9b: {  	v8 =	vld [tilespmem:s12+$0xB630];
	[tilespmem:s13+$0xC630] =	vst v7  }
0x9c: {  	v7 =	vld [tilespmem:s12+$0xA600];
	v6 =	vmax.bf16 v6, v0;
	v2 =	vadd.bf16 v5, v2  }
0x9d: {  	v9 =	vld [tilespmem:s12+$0xB600];
	[tilespmem:s13+$0xC600] =	vst v6  }
0x9e: {  	v62 =	vld [tilespmem:s12+$0xA610];
	v2 =	vmax.bf16 v2, v0  }
0x9f: {  	v6 =	vld [tilespmem:s12+$0xB610];
	[tilespmem:s13+$0xC610] =	vst v2  }
0xa0: {  	v2 =	vld [tilespmem:s12+$0xA620]  }
0xa1: {  	v10 =	vld [tilespmem:s12+$0xB620]  }
0xa2: {  	v1 =	vadd.bf16 v4, v1  }
0xa3: {  	v3 =	vadd.bf16 v8, v3  }
0xa4: {  	p1 =	sne.s32 s9, $0x4E;
	v1 =	vmax.bf16 v1, v0;
	v63 =	vadd.bf16 v9, v7  }
.Ltmp6:
0xa5: {  	[tilespmem:s13+$0xC620] =	vst v1;
	v1 =	vmax.bf16 v3, v0;
	v3 =	vadd.bf16 v6, v62;
	(pc) =	sbr.rel @!p1 .LBB2_14-.Ltmp6, $4  }
0xa6: {  	[tilespmem:s12+$0xC630] =	vst v1;
	v1 =	vmax.bf16 v63, v0;
	v2 =	vadd.bf16 v10, v2  }
0xa7: {  	[tilespmem:s12+$0xC600] =	vst v1;
	v1 =	vmax.bf16 v3, v0  }
0xa8: {  	[tilespmem:s12+$0xC610] =	vst v1;
	v1 =	vmax.bf16 v2, v0  }
0xa9: {  	[tilespmem:s12+$0xC620] =	vst v1  }
.Ltmp7:
0xaa: {  	(pc) =	sbr.rel .LBB2_4-.Ltmp7, $3  }
0xab: {  	_ =	sdelay $0x1  }
0xac: {  	s11 =	sand.u32 $0x3FFFFF80, s11;
	s9 =	sadd.s32 $0x1, s9  }
0xad: {  	[spmem:s2] =	stream.indirect.scatter.add.bf16 [tilespmem:s26], [sflag:$0x6], $0x10, s11, s24, $0xb8;
	[tilespmem:$0xFCE0] =	vst v63  }
.LBB2_14:
0xae: {  	s9 =	simm.s32 $0x40;
	s11 =	simm.s32 $0x0  }
.LBB2_15:
0xaf: {  	p1 =	seq.s32 s9, $0x1FC0;
	[tilespmem:s11+$0xC600] =	vst v0;
	s11 =	smov.u32 s9;
	s9 =	sadd.s32 $0x40, s9  }
.Ltmp8:
0xb0: {  	(pc) =	sbr.rel @!p1 .LBB2_15-.Ltmp8, $2  }
0xb1: {  	_ =	sdelay $0x2  }
0xb2: {  	s11 =	sshra.s32 s11, $0x2  }
0xb3: {  	[tilespmem:s11+$0xC600] =	vst v0;
	s9 =	simm.s32 $0x4E80  }
0xb4: {  	[spmem:s2] =	stream.indirect.scatter.add.bf16 [tilespmem:s26], [sflag:$0x6], $0x10, s9, s24, $0xb8;
	[tilespmem:$0xFCE0] =	vst v63  }
0xb5: {  	_ =	swait.ge [sflag:s25], $0x800  }
0xb6: {  	[sflag:s25] =	ssyncset.done $0x0  }
0xb7: {  	[sflag:s25] =	ssyncadd.s32 $0xFFFFF800  }
0xb8: {  	_ =	swait.ge [sflag:s3], $0x800  }
0xb9: {  	s14 =	stileid.u32;
	[sflag:s3] =	ssyncset.done $0x0  }
0xba: {  	s15 =	sshrl.u32 s10, $0x3;
	s8 =	sadd.s32 $0x1, s8;
	[sflag:s3] =	ssyncadd.s32 $0xFFFFF800  }
0xbb: {  	s9 =	sshll.u32 s14, $0x6;
	p1 =	sne.s32 s8, s16;
	[bflag:$0x0] =	sbarrier.arrive $0xFFFF  }
.Ltmp9:
0xbc: {  	s9 =	sor.u32 $0x1C07, s9;
	s12 =	rddreg [dreg:$0x9];
	(pc) =	sbr.rel @p1 .LBB2_1-.Ltmp9, $4  }
0xbd: {  	[hbm:s12], [sflag:s9] =	dma.local [spmem:s15], $0x4E2  }
0xbe: {  	_ =	swait.ge [sflag:s21], $0x4E2  }
0xbf: {  	[sflag:s21] =	ssyncset.done $0x0  }
0xc0: {  	[sflag:s21] =	ssyncadd.s32 $0xFFFFFB1E  }
0xc1: {  	_ =	sfence.sel $0x180000  }
0xc2: {  	[bflag:$0x0] =	sbarrier.arrive $0xFFFF  }
0xc3: {  	_ =	strace $0x9000004A  }
0xc4: {  	s0 =	stileid.u32;
	[bflag:$0x2] =	sbarrier.arrive $0xFFFF  }
0xc5: {  	p0 =	sne.s32 s0, $0x0;
	s0 =	rddreg [dreg:$0x2]  }
0xc6: {  	s0 =	sadd.s32 @!p0 $0x100000, s0  }
0xc7: {  	[sflag:s0] =	ssyncadd.tile.s32 @!p0 $0x1;
	_ =	shalt  }
.Lfunc_end2:
_tile_overlayer_lowered:
.L_overlay_start_2:
0xc8: {  	(tag) =	ssettag $0x2  }
0xc9: {  	s0 =	rddreg [dreg:$0x0];
	s2 =	stileid.u32  }
0xca: {  	s1 =	rddreg [dreg:$0x1];
	p0 =	sne.s32 s2, $0x0  }
0xcb: {  	s3 =	rddreg [dreg:$0x2];
	[bflag:$0x3] =	sbarrier.arrive $0xFFFF;
	s2 =	simm.s32 @!p0 $0x1C07  }
0xcc: {  	[timem:s3], [sflag:s2] =	dma.local @!p0 [hbm:s0], s1  }
0xcd: {  	s0 =	simm.s32 @!p0 $0x7  }
0xce: {  	_ =	swait.ge @!p0 [sflag:s0], s1  }
0xcf: {  	s1 =	ssub.s32 @!p0 $0x0, s1;
	[sflag:s0] =	ssyncset.done @!p0 $0x0  }
0xd0: {  	[sflag:s0] =	ssyncadd.s32 @!p0 s1  }
0xd1: {  	[bflag:$0x3] =	sbarrier.arrive $0xFFFF  }
0xd2: {  	_ =	shalt  }

// kernel: kernel.7.cloned.1.call-start
scs
__scs_entry_jumppad:
0x0: {  	(pc) =	sbr.rel $0x88, $3  }
0x1: {  	(tag) =	ssettag $0x0;
	lr =	simm.s32 $0x1  }
0x2: {  	[smem:$0x3F8E] =	sst lr;
	_ =	strace $0xD0000000  }
0x3: {  	_ = 	snop  }
0x4: {  	_ = 	snop  }
0x5: {  	_ = 	snop  }
0x6: {  	_ = 	snop  }
0x7: {  	_ = 	snop  }
__scs_overlays_trampoline_lowered:
0x8: {  	[smem:$0x3F9D] =	sst s0  }
0x9: {  	[smem:$0x3F9E] =	sst s1  }
0xa: {  	[smem:$0x3F9F] =	sst s2  }
0xb: {  	[smem:$0x3FA0] =	sst s3  }
0xc: {  	[smem:$0x3FA1] =	sst s4  }
0xd: {  	[smem:$0x3FA2] =	sst s5  }
0xe: {  	[smem:$0x3FA3] =	sst s6  }
0xf: {  	[smem:$0x3FA4] =	sst s7  }
0x10: {  	[smem:$0x3FA5] =	sst s8  }
0x11: {  	[smem:$0x3FA6] =	sst s9;
	s0 =	simm.s32 @!p0 $0x0  }
0x12: {  	s1 =	sld [smem:$0x3F8C];
	s0 =	simm.s32 @p0 $0x1  }
0x13: {  	[smem:$0x3FA7] =	sst s0;
	s0 =	simm.s32 @!p1 $0x0  }
0x14: {  	s2 =	sld [smem:$0x3F8B];
	s0 =	simm.s32 @p1 $0x1  }
0x15: {  	[smem:$0x3FA8] =	sst s0;
	s0 =	simm.s32 @!p2 $0x0  }
0x16: {  	s3 =	sld [smem:$0x3FDB];
	s0 =	simm.s32 @p2 $0x1  }
0x17: {  	s4 =	simm.s32 $0x1BF5;
	[smem:$0x3FAA] =	sst s0  }
0x18: {  	s0 =	sld [smem:$0x3F8D];
	_ =	swait.ge [sflag:s4], $0x0  }
0x19: {  	s7 =	sld [smem:$0x3F8E]  }
0x1a: {  	s8 =	sadd.s32 $0xFFFFE003, lr  }
0x1b: {  	s9 =	sadd.s32 $0xFFFFFEF7, lr;
	s5 =	simm.s32 $0xFFFFFFFF;
	p2 =	slt.u32 s8, $0xFFFFF086  }
0x1c: {  	p1 =	slt.u32 s9, $0xF7A;
	s5 =	simm.s32 @!p2 $0x0  }
0x1d: {  	s5 =	simm.s32 @p1 $0x1;
	p0 =	seq.s32 s7, s2  }
0x1e: {  	s7 =	smul.u32 @!p0 $0xF7A, s2;
	p2 =	seq.s32 @!p0 s5, $0x0  }
0x1f: {  	s9 =	smul.u32 $0xF7A, s1;
	s8 =	simm.s32 @!p0 $0x1BF5;
	p2 =	por !p2, p0  }
0x20: {  	[sflag:s8] =	ssyncset.s32 @!p0 $0xFFFFF086;
	s6 =	sadd.s32 @!p0 s3, s7;
	s7 =	simm.s32 @!p0 $0x108  }
0x21: {  	s3 =	sadd.s32 s3, s9;
	s6 =	sadd.s32 @!p0 $0x88, s6;
	s7 =	simm.s32 @p2 $0x1082  }
0x22: {  	[simem:s7], [sflag:s8] =	dma.local @!p0 [hbm:s6], $0xF7A  }
0x23: {  	s9 =	sor.u32 $0xD0000000, s2;
	s6 =	simm.s32 $0x108;
	_ =	swait.ge @!p0 [sflag:s8], $0x0  }
0x24: {  	s3 =	sadd.s32 $0x88, s3;
	s6 =	simm.s32 @!p1 $0x1082;
	[sflag:s4] =	ssyncset.s32 $0xFFFFF086  }
0x25: {  	[simem:s6], [sflag:s4] =	dma.local [hbm:s3], $0xF7A  }
0x26: {  	[smem:$0x3F8E] =	sst s1;
	(tag) =	ssettag s2;
	_ =	strace s9  }
0x27: {  	s1 =	sld [smem:$0x3F9E]  }
0x28: {  	s2 =	sld [smem:$0x3F9F]  }
0x29: {  	s4 =	sld [smem:$0x3FA1]  }
0x2a: {  	p0 =	seq.s32 s5, $0x0;
	s5 =	sld [smem:$0x3FA2]  }
0x2b: {  	s6 =	sld [smem:$0x3FA3]  }
0x2c: {  	s7 =	sld [smem:$0x3FA4]  }
0x2d: {  	s3 =	simm.s32 $0x108;
	s8 =	sld [smem:$0x3FA5]  }
0x2e: {  	s3 =	simm.s32 @!p0 $0x1082;
	s9 =	sld [smem:$0x3FA6]  }
0x2f: {  	lr =	sadd.s32 s0, s3;
	s0 =	sld [smem:$0x3F9D]  }
0x30: {  	s3 =	sld [smem:$0x3FA0]  }
0x31: {  	[smem:$0x3FA9] =	sst s10  }
0x32: {  	s10 =	sld [smem:$0x3FA7];
	_ =	sdelay $0x3  }
0x33: {  	p0 =	seq.s32 s10, $0x1;
	s10 =	sld [smem:$0x3FA9];
	_ =	sdelay $0x3  }
0x34: {  	[smem:$0x3FA9] =	sst s10  }
0x35: {  	s10 =	sld [smem:$0x3FA8];
	_ =	sdelay $0x3  }
0x36: {  	p1 =	seq.s32 s10, $0x1;
	s10 =	sld [smem:$0x3FA9];
	_ =	sdelay $0x3  }
0x37: {  	[smem:$0x3FA9] =	sst s10  }
0x38: {  	s10 =	sld [smem:$0x3FAA]  }
0x39: {  	_ = 	snop;
	(pc) =	sbr.ind lr, $3  }
0x3a: {  	_ = 	snop  }
0x3b: {  	_ = 	snop  }
0x3c: {  	p2 =	seq.s32 s10, $0x1;
	s10 =	sld [smem:$0x3FA9]  }
0x3d: {  	_ =	shalt  }
0x3e: {  	_ =	shalt  }
0x3f: {  	_ =	shalt  }
0x40: {  	_ =	shalt  }
0x41: {  	_ =	shalt  }
0x42: {  	_ =	shalt  }
0x43: {  	_ =	shalt  }
0x44: {  	_ =	shalt  }
0x45: {  	_ =	shalt  }
0x46: {  	_ =	shalt  }
0x47: {  	_ =	shalt  }
0x48: {  	_ =	shalt  }
0x49: {  	_ =	shalt  }
0x4a: {  	_ =	shalt  }
0x4b: {  	_ =	shalt  }
0x4c: {  	_ =	shalt  }
0x4d: {  	_ =	shalt  }
0x4e: {  	_ =	shalt  }
0x4f: {  	_ =	shalt  }
0x50: {  	_ =	shalt  }
0x51: {  	_ =	shalt  }
0x52: {  	_ =	shalt  }
0x53: {  	_ =	shalt  }
0x54: {  	_ =	shalt  }
0x55: {  	_ =	shalt  }
0x56: {  	_ =	shalt  }
0x57: {  	_ =	shalt  }
0x58: {  	_ =	shalt  }
0x59: {  	_ =	shalt  }
0x5a: {  	_ =	shalt  }
0x5b: {  	_ =	shalt  }
0x5c: {  	_ =	shalt  }
0x5d: {  	_ =	shalt  }
0x5e: {  	_ =	shalt  }
0x5f: {  	_ =	shalt  }
0x60: {  	_ =	shalt  }
0x61: {  	_ =	shalt  }
0x62: {  	_ =	shalt  }
0x63: {  	_ =	shalt  }
0x64: {  	_ =	shalt  }
0x65: {  	_ =	shalt  }
0x66: {  	_ =	shalt  }
0x67: {  	_ =	shalt  }
0x68: {  	_ =	shalt  }
0x69: {  	_ =	shalt  }
0x6a: {  	_ =	shalt  }
0x6b: {  	_ =	shalt  }
0x6c: {  	_ =	shalt  }
0x6d: {  	_ =	shalt  }
0x6e: {  	_ =	shalt  }
0x6f: {  	_ =	shalt  }
0x70: {  	_ =	shalt  }
0x71: {  	_ =	shalt  }
0x72: {  	_ =	shalt  }
0x73: {  	_ =	shalt  }
0x74: {  	_ =	shalt  }
0x75: {  	_ =	shalt  }
0x76: {  	_ =	shalt  }
0x77: {  	_ =	shalt  }
0x78: {  	_ =	shalt  }
0x79: {  	_ =	shalt  }
0x7a: {  	_ =	shalt  }
0x7b: {  	_ =	shalt  }
0x7c: {  	_ =	shalt  }
0x7d: {  	_ =	shalt  }
0x7e: {  	_ =	shalt  }
0x7f: {  	_ =	shalt  }
0x80: {  	_ =	shalt  }
0x81: {  	_ =	shalt  }
0x82: {  	_ =	shalt  }
0x83: {  	_ =	shalt  }
0x84: {  	_ =	shalt  }
0x85: {  	_ =	shalt  }
0x86: {  	_ =	shalt  }
0x87: {  	_ =	shalt  }
.Lfunc_end0:
.L_simem_size_0:
called_computation_lowered:
.L_overlay_start_0:
0x88: {  	s2 =	sld [smem:$0x3FD9]  }
0x89: {  	s3 =	sld [smem:$0x3FFE];
	_ =	sdelay $0x1  }
0x8a: {  	s1 =	srdreg.scid  }
0x8b: {  	s0 =	sand.u32 $0x1, s1  }
0x8c: {  	s16 =	sshll.u32 s0, $0xA;
	s2 =	sadd.s32 s3, s2  }
0x8d: {  	s2 =	sadd.s32 s2, s16  }
0x8e: {  	[smem:$0x3FB5] =	sst s2  }
0x8f: {  	_ = 	snop  }
0x90: {  	(tm) =	ssettm $0x1  }
0x91: {  	s17 =	sld [smem:$0x3FFB];
	_ =	sdelay $0x3  }
0x92: {  	_ =	strace s17  }
0x93: {  	s2 =	sld [smem:$0x3FFC];
	_ =	sdelay $0x3  }
0x94: {  	_ =	strace s2  }
0x95: {  	s2 =	sld [smem:$0x3FFD];
	_ =	sdelay $0x3  }
0x96: {  	_ =	strace s2  }
0x97: {  	_ =	strace $0x8FFFFFFF  }
0x98: {  	s18 =	sld [smem:$0x3FDB];
	_ =	sdelay $0x1  }
0x99: {  	s19 =	simm.s32 $_scs_section_size  }
0x9a: {  	s4 =	simm.s32 $_size__tile_overlayer_lowered;
	s5 =	simm.s32 $_tile_overlayer_lowered  }
0x9b: {  	s22 =	simm.s32 $0x1BFF;
	s21 =	sshll.u32 s5, $0x1;
	s2 =	sadd.s32 s19, s18  }
0x9c: {  	s6 =	simm.s32 $0x0;
	s20 =	sshll.u32 s4, $0x1;
	s4 =	sadd.s32 s21, s2  }
0x9d: {  	[timem:s6], [sflag:s22] =	dma.local [hbm:s4], s20  }
0x9e: {  	_ =	swait.ge [sflag:s22], s20  }
0x9f: {  	s3 =	ssub.s32 $0x0, s20;
	[sflag:s22] =	ssyncset.done $0x0  }
0xa0: {  	[sflag:s22] =	ssyncadd.s32 s3;
	_ =	sdelay $0x1  }
0xa1: {  	s23 =	simm.s32 $0x1B8B  }
0xa2: {  	_ =	swait.ge [sflag:s23], $0x1  }
0xa3: {  	[sflag:s23] =	ssyncset.done $0x0  }
0xa4: {  	s25 =	simm.s32 $0x1B8E;
	s24 =	sld [smem:$0x3FFE];
	[sflag:s23] =	ssyncadd.s32 $0xFFFFFFFF  }
0xa5: {  	s26 =	simm.s32 $execute0_lowered;
	[smem:$0x3FD2] =	sst s25  }
0xa6: {  	s4 =	sshll.u32 s26, $0x1;
	_ =	strace $0x80000046;
	[dreg:$0x1] =	wrdreg $0xFFFFFFFF  }
0xa7: {  	s28 =	simm.s32 $_size_execute0_lowered;
	s2 =	sadd.s32 s2, s4;
	[dreg:$0x0] =	wrdreg $0x0  }
0xa8: {  	s4 =	sshll.u32 s28, $0x1;
	[dreg:$0x2] =	wrdreg s2  }
0xa9: {  	[dreg:$0x3] =	wrdreg s4  }
0xaa: {  	[dreg:$0x4] =	wrdreg $0xC0  }
0xab: {  	_ =	task [dreg:s6], $0x5FFFF  }
0xac: {  	[dreg:$0x1] =	wrdreg $0xFFFFFFFF  }
0xad: {  	[dreg:$0x0] =	wrdreg $0x60  }
0xae: {  	[dreg:$0x2] =	wrdreg s24  }
0xaf: {  	[dreg:$0x3] =	wrdreg $0x10DA00  }
0xb0: {  	[dreg:$0x4] =	wrdreg $0x9  }
0xb1: {  	_ =	task.clear_ibuf [dreg:s6], $0x5FFFF;
	_ =	strace $0x90000046  }
0xb2: {  	s29 =	simm.s32 $0x9;
	_ =	strace $0x80000048  }
0xb3: {  	_ =	swait.ge [sflag:s29], $0x1  }
0xb4: {  	[sflag:s29] =	ssyncadd.s32 $0xFFFFFFFF  }
0xb5: {  	_ =	strace $0x90000048  }
0xb6: {  	_ =	sfence  }
0xb7: {  	s30 =	sld [smem:$0x0];
	_ =	sdelay $0x2  }
0xb8: {  	s31 =	sshll.u32 s1, $0xD;
	s1 =	sshrl.u32 s1, $0x2  }
0xb9: {  	s3 =	sand.u32 $0x4000, s31;
	s1 =	sadd.s32 s1, s30  }
0xba: {  	s0 =	sor.u32 s3, s0;
	s1 =	sshll.u32 s1, $0x11  }
0xbb: {  	s0 =	sor.u32 s1, s0  }
0xbc: {  	s0 =	sadd.s32 $0x8F2B, s0  }
0xbd: {  	[sflag:s0] =	ssyncadd.remote.s32 $0x1  }
0xbe: {  	_ =	sfence.sel $0xFFFF  }
0xbf: {  	[dreg:$0x0] =	wrdreg $0xFFFFFFFF;
	(pc) =	sbr.abs _section_cstart, $3  }
0xc0: {  	[dreg:$0x1] =	wrdreg $0xFFFFFFFF  }
0xc1: {  	_ =	task.clear_ibuf [dreg:s6], $0x2FFFF;
	_ =	strace $0x9FFFFFFF  }
0xc2: {  	(tm) =	ssettm $0x7FFFFFFF  }
0xc3: {  	_ =	shalt  }
tec
execute0_lowered:
.L_overlay_start_1:
0x0: {  	(tag) =	ssettag $0x1  }
0x1: {  	s0 =	rddreg [dreg:$0x0]  }
0x2: {  	s2 =	rddreg [dreg:$0x1];
	s1 =	simm.s32 $0x0;
	s12 =	stileid.u32  }
0x3: {  	s3 =	srdreg.scid;
	s14 =	simm.s32 $0x4F00;
	s29 =	simm.s32 $0xAE00  }
0x4: {  	s30 =	simm.s32 $0xCE00;
	s31 =	simm.s32 $0x4E00;
	s16 =	smul.u32 $0x4F00, s12  }
0x5: {  	s28 =	simm.s32 $0x4;
	[smem:$0x7FF] =	sst s1;
	s8 =	smul.u32 $0x9C40, s12  }
0x6: {  	s3 =	sand.u32 $0x1, s3;
	s4 =	sadd.s32 $0x21C00, s0;
	s10 =	smul.u32 $0x4E2, s12  }
0x7: {  	s5 =	sadd.s32 $0x17E00, s0;
	s6 =	sadd.s32 $0xE000, s0;
	s12 =	smul.u32 $0x13880, s12  }
0x8: {  	s7 =	sadd.s32 $0x4200, s0;
	_ =	strace $0x80000047;
	s9 =	smul.u32 $0x9C400, s3  }
0x9: {  	s11 =	ssub.s32 $0x2, s3;
	p0 =	seq.s32 s3, $0x0;
	s1 =	sshrl.u32 s16, $0x3  }
0xa: {  	s17 =	sshrl.u32 s11, $0x1;
	s19 =	sshrl.u32 s12, $0x2;
	s20 =	sshrl.u32 s8, $0x1  }
0xb: {  	s1 =	sadd.s32 s1, s0;
	s9 =	sadd.s32 s8, s9;
	s11 =	ssub.s32 s11, s17  }
0xc: {  	s21 =	sadd.s32 s19, s2;
	s19 =	smov.u32 s7;
	s8 =	simm.s32 $0x6  }
0xd: {  	s9 =	sshrl.u32 s9, $0x4;
	s18 =	sadd.s32 $0x35800, s1;
	s1 =	sadd.s32 $0x2BA00, s1  }
0xe: {  	s22 =	sadd.s32 $0xFA0, s21;
	s23 =	sadd.s32 $0x1F40, s21;
	[dreg:$0x3] =	wrdreg s18  }
0xf: {  	s24 =	sadd.s32 $0x2EE0, s21;
	s25 =	sadd.s32 $0x3E80, s21;
	[dreg:$0x4] =	wrdreg s1  }
0x10: {  	s17 =	smax.u32 s11, $0x1;
	s19 =	smov.u32 @p0 s6;
	[dreg:$0x5] =	wrdreg s22  }
0x11: {  	s21 =	simm.s32 $0xFE00;
	s9 =	sadd.s32 s9, s0;
	[dreg:$0x6] =	wrdreg s23  }
0x12: {  	s0 =	sadd.s32 s10, s0;
	s10 =	sadd.s32 s20, s2;
	[dreg:$0x7] =	wrdreg s24  }
0x13: {  	[dreg:$0x8] =	wrdreg s25;
	s18 =	smov.u32 s5;
	s22 =	simm.s32 $0x7  }
.Ltmp0:
0x14: {  	s23 =	simm.s32 $0x1;
	s24 =	simm.s32 $0x3;
	(pc) =	sbr.rel .LBB2_1-.Ltmp0, $4  }
0x15: {  	s25 =	simm.s32 $0x80;
	s1 =	simm.s32 $0xEE00;
	s26 =	sadd.s32 $0x44600, s9  }
0x16: {  	s0 =	sadd.s32 $0x3F600, s0;
	s18 =	smov.u32 @p0 s4;
	p0 =	sne.s32 s3, $0x0  }
0x17: {  	s3 =	simm.s32 $0x5;
	s9 =	simm.s32 $0x0;
	[dreg:$0x9] =	wrdreg s26  }
0x18: {  	v0 =	vimm.bf16 $0.0e+00;
	v1 =	vimm.f32 $0.0e+00;
	[dreg:$0xa] =	wrdreg s0;
	s0 =	simm.s32 $0xDE00;
	s26 =	simm.s32 $0x2  }
.LBB2_19:
0x19: {  	_ =	swait.ge [sflag:s3], $0x1000  }
0x1a: {  	[sflag:s3] =	ssyncset.done $0x0  }
0x1b: {  	[sflag:s3] =	ssyncadd.s32 $0xFFFFF000  }
0x1c: {  	_ =	swait.ge [sflag:s8], $0x1000  }
0x1d: {  	[sflag:s8] =	ssyncset.done $0x0  }
0x1e: {  	s11 =	stileid.u32;
	[sflag:s8] =	ssyncadd.s32 $0xFFFFF000  }
0x1f: {  	s11 =	sshll.u32 s11, $0x6;
	[bflag:$0x0] =	sbarrier.arrive $0xFFFF  }
0x20: {  	s12 =	sshrl.u32 s10, $0x3;
	s11 =	sor.u32 $0x1C07, s11;
	s13 =	rddreg [dreg:$0x9]  }
0x21: {  	[hbm:s13], [sflag:s11] =	dma.local [spmem:s12], $0x9C4  }
0x22: {  	s9 =	sadd.s32 $0x1, s9;
	_ =	swait.ge [sflag:s22], $0x9C4  }
0x23: {  	p1 =	sne.s32 s9, s17;
	s11 =	simm.s32 @!p0 $0x0;
	[sflag:s22] =	ssyncset.done $0x0  }
0x24: {  	s12 =	simm.s32 @!p0 $0x15BC0;
	s13 =	rddreg [dreg:$0xa];
	[sflag:s22] =	ssyncadd.s32 $0xFFFFF63C  }
0x25: {  	[hbm4b:s13+s11] =	stream.linear.scatter @!p0 [tilespmem:s12], [sflag:$0x7], $0x2710, $0x38;
	[tilespmem:$0x182D0] =	vst v63  }
.Ltmp1:
0x26: {  	_ = 	snop;
	(pc) =	sbr.rel @!p1 .LBB2_20-.Ltmp1, $4  }
0x27: {  	s11 =	simm.s32 @!p0 $0x7  }
0x28: {  	_ =	swait.ge @!p0 [sflag:s11], $0x2710  }
0x29: {  	[sflag:s11] =	ssyncset.done @!p0 $0x0  }
0x2a: {  	s14 =	simm.s32 $0x4F00;
	[sflag:s11] =	ssyncadd.s32 @!p0 $0xFFFFD8F0  }
.LBB2_1:
0x2b: {  	s11 =	simm.s32 $0x0;
	s12 =	rddreg [dreg:$0x3]  }
0x2c: {  	[tilespmem:s11], [sflag:$0x1] =	stream.linear.gather [hbm4b:s12+s11], $0x4F00, $0x38;
	[tilespmem:$0x182D0] =	vst v63  }
0x2d: {  	s20 =	rddreg [dreg:$0x4]  }
0x2e: {  	[tilespmem:s14], [sflag:$0x3] =	stream.linear.gather [hbm4b:s20+s11], $0x4F00, $0x38;
	[tilespmem:$0x182D0] =	vst v63  }
0x2f: {  	s12 =	simm.s32 $0x0;
	s11 =	simm.s32 $0x80  }
.LBB2_2:
0x30: {  	p1 =	sne.s32 s11, $0x3E00;
	[tilespmem:s12+$0xFE00] =	vst v0;
	s13 =	smov.u32 s11;
	s11 =	sadd.s32 $0x80, s11  }
.Ltmp2:
0x31: {  	[tilespmem:s12+$0xFE10] =	vst v0;
	(pc) =	sbr.rel @p1 .LBB2_2-.Ltmp2, $2  }
0x32: {  	_ =	sdelay $0x2  }
0x33: {  	s12 =	sshra.s32 s13, $0x2  }
0x34: {  	[tilespmem:s12+$0xFE00] =	vst v0  }
0x35: {  	[tilespmem:s12+$0xFE10] =	vst v0  }
0x36: {  	[spmem:s10] =	stream.linear.scatter [tilespmem:s21], [sflag:$0x7], $0xFA0, $0x38;
	[tilespmem:$0x182D0] =	vst v63  }
0x37: {  	_ =	swait.ge [sflag:s22], $0xFA0  }
0x38: {  	[sflag:s22] =	ssyncset.done $0x0  }
0x39: {  	s11 =	rddreg [dreg:$0x5];
	[sflag:s22] =	ssyncadd.s32 $0xFFFFF060  }
0x3a: {  	[spmem:s11] =	stream.linear.scatter [tilespmem:s21], [sflag:$0x7], $0xFA0, $0x38;
	[tilespmem:$0x182D0] =	vst v63  }
0x3b: {  	_ =	swait.ge [sflag:s22], $0xFA0  }
0x3c: {  	[sflag:s22] =	ssyncset.done $0x0  }
0x3d: {  	s15 =	rddreg [dreg:$0x6];
	[sflag:s22] =	ssyncadd.s32 $0xFFFFF060  }
0x3e: {  	[spmem:s15] =	stream.linear.scatter [tilespmem:s21], [sflag:$0x7], $0xFA0, $0x38;
	[tilespmem:$0x182D0] =	vst v63  }
0x3f: {  	_ =	swait.ge [sflag:s22], $0xFA0  }
0x40: {  	[sflag:s22] =	ssyncset.done $0x0  }
0x41: {  	s16 =	rddreg [dreg:$0x7];
	[sflag:s22] =	ssyncadd.s32 $0xFFFFF060  }
0x42: {  	[spmem:s16] =	stream.linear.scatter [tilespmem:s21], [sflag:$0x7], $0xFA0, $0x38;
	[tilespmem:$0x182D0] =	vst v63  }
0x43: {  	_ =	swait.ge [sflag:s22], $0xFA0  }
0x44: {  	[sflag:s22] =	ssyncset.done $0x0  }
0x45: {  	s20 =	rddreg [dreg:$0x8];
	[sflag:s22] =	ssyncadd.s32 $0xFFFFF060  }
0x46: {  	[spmem:s20] =	stream.linear.scatter [tilespmem:s21], [sflag:$0x7], $0xFA0, $0x38;
	[tilespmem:$0x182D0] =	vst v63  }
0x47: {  	_ =	swait.ge [sflag:s22], $0xFA0  }
0x48: {  	[sflag:s22] =	ssyncset.done $0x0  }
0x49: {  	s12 =	simm.s32 $0x0;
	s11 =	simm.s32 $0x40;
	[sflag:s22] =	ssyncadd.s32 $0xFFFFF060  }
.LBB2_4:
0x4a: {  	p1 =	sne.s32 s11, $0x9C00;
	[tilespmem:s12+$0x15BC0] =	vst v1;
	s12 =	smov.u32 s11;
	s11 =	sadd.s32 $0x40, s11  }
.Ltmp3:
0x4b: {  	(pc) =	sbr.rel @p1 .LBB2_4-.Ltmp3, $2  }
0x4c: {  	_ =	sdelay $0x2  }
0x4d: {  	s12 =	sshra.s32 s12, $0x2  }
0x4e: {  	[tilespmem:s12+$0x15BC0] =	vst v1  }
0x4f: {  	[bflag:$0x0] =	sbarrier.arrive $0xFFFF  }
0x50: {  	_ =	swait.ge [sflag:s23], $0x4F00  }
0x51: {  	[sflag:s23] =	ssyncset.done $0x0  }
0x52: {  	[sflag:s23] =	ssyncadd.s32 $0xFFFFB100  }
0x53: {  	_ =	swait.ge [sflag:s24], $0x4F00  }
.Ltmp4:
0x54: {  	[sflag:s24] =	ssyncset.done $0x0;
	(pc) =	sbr.rel .LBB2_6-.Ltmp4, $4  }
0x55: {  	s11 =	simm.s32 $0x0;
	s16 =	simm.s32 $0x9E00;
	[sflag:s24] =	ssyncadd.s32 $0xFFFFB100  }
0x56: {  	[tilespmem:s16], [sflag:$0x1] =	stream.indirect.gather [hbm4b:s18+s25], $0x20, s11, s25, $0xb8;
	[tilespmem:$0x182D0] =	vst v63  }
0x57: {  	s20 =	simm.s32 $0xBE00  }
0x58: {  	[tilespmem:s20], [sflag:$0x3] =	stream.indirect.gather [hbm4b:s19+s25], $0x20, s14, s25, $0xb8;
	[tilespmem:$0x182D0] =	vst v63  }
.LBB2_18:
0x59: {  	s12 =	sand.u32 $0x3FFFFF80, s12  }
0x5a: {  	[spmem:s2] =	stream.indirect.scatter.add.bf16 [tilespmem:s1], [sflag:$0x6], $0x20, s12, s25, $0xb8;
	[tilespmem:$0x182D0] =	vst v63  }
0x5b: {  	v2 =	vld @p3 [tilespmem:s12+$0x0];
	_ =	sdelay $0x6  }
0x5c: {  	v3 =	vimm.f32 @p3 $1.000000000e+00;
	s13 =	simm.s32 @p3 $0x15BC0  }
0x5d: {  	[tilespmem:v2+s13+$0x0] =	vst.idx.add.f32.msk @p3 $0xffff, v3  }
0x5e: {  	v2 =	vld @p3 [tilespmem:s12+$0x10];
	_ =	sdelay $0x7  }
0x5f: {  	[tilespmem:v2+s13+$0x0] =	vst.idx.add.f32.msk @p3 $0xffff, v3  }
0x60: {  	v2 =	vld @p3 [tilespmem:s12+$0x20];
	_ =	sdelay $0x7  }
0x61: {  	[tilespmem:v2+s13+$0x0] =	vst.idx.add.f32.msk @p3 $0xffff, v3  }
0x62: {  	v2 =	vld @p3 [tilespmem:s12+$0x30];
	_ =	sdelay $0x7  }
0x63: {  	[tilespmem:v2+s13+$0x0] =	vst.idx.add.f32.msk @p3 $0xffff, v3  }
0x64: {  	v2 =	vld @p3 [tilespmem:s12+$0x40];
	_ =	sdelay $0x7  }
0x65: {  	[tilespmem:v2+s13+$0x0] =	vst.idx.add.f32.msk @p3 $0xffff, v3  }
0x66: {  	v2 =	vld @p3 [tilespmem:s12+$0x50];
	_ =	sdelay $0x7  }
0x67: {  	[tilespmem:v2+s13+$0x0] =	vst.idx.add.f32.msk @p3 $0xffff, v3  }
0x68: {  	v2 =	vld @p3 [tilespmem:s12+$0x60];
	_ =	sdelay $0x7  }
0x69: {  	[tilespmem:v2+s13+$0x0] =	vst.idx.add.f32.msk @p3 $0xffff, v3  }
0x6a: {  	v2 =	vld @p3 [tilespmem:s12+$0x70];
	_ =	sdelay $0x1  }
0x6b: {  	s11 =	sadd.s32 $0x1, s11  }
0x6c: {  	p1 =	sne.s32 s11, $0x4F  }
.Ltmp5:
0x6d: {  	_ = 	snop;
	(pc) =	sbr.rel @!p1 .LBB2_19-.Ltmp5, $2  }
0x6e: {  	_ =	sdelay $0x2  }
0x6f: {  	[tilespmem:v2+s13+$0x0] =	vst.idx.add.f32.msk @p3 $0xffff, v3  }
.LBB2_6:
0x70: {  	s12 =	sshllo.u32 s11, $0x1  }
0x71: {  	s12 =	sshll.u32 s12, $0x7  }
0x72: {  	[tilespmem:s29], [sflag:$0x2] =	stream.indirect.gather [hbm4b:s18+s25], $0x20, s12, s25, $0xb8;
	[tilespmem:$0x182D0] =	vst v63  }
0x73: {  	s13 =	sadd.s32 $0x4F00, s12  }
0x74: {  	[tilespmem:s30], [sflag:$0x4] =	stream.indirect.gather [hbm4b:s19+s25], $0x20, s13, s25, $0xb8;
	[tilespmem:$0x182D0] =	vst v63  }
0x75: {  	_ =	swait.ge [sflag:s23], $0x1000  }
0x76: {  	[sflag:s23] =	ssyncset.done $0x0  }
0x77: {  	[sflag:s23] =	ssyncadd.s32 $0xFFFFF000  }
0x78: {  	_ =	swait.ge [sflag:s24], $0x1000  }
0x79: {  	p1 =	seq.s32 s11, $0x0;
	[sflag:s24] =	ssyncset.done $0x0  }
0x7a: {  	s13 =	simm.s32 @!p1 $0x5;
	[sflag:s24] =	ssyncadd.s32 $0xFFFFF000  }
0x7b: {  	_ =	swait.ge @!p1 [sflag:s13], $0x1000  }
0x7c: {  	[sflag:s13] =	ssyncset.done @!p1 $0x0  }
0x7d: {  	[sflag:s13] =	ssyncadd.s32 @!p1 $0xFFFFF000;
	s13 =	simm.s32 $0x0  }
0x7e: {  	v2 =	vld [tilespmem:s13+$0x9E70]  }
0x7f: {  	v3 =	vld [tilespmem:s13+$0xBE70]  }
0x80: {  	v4 =	vld [tilespmem:s13+$0x9E00]  }
0x81: {  	v5 =	vld [tilespmem:s13+$0xBE00]  }
0x82: {  	v6 =	vld [tilespmem:s13+$0x9E10]  }
0x83: {  	v7 =	vld [tilespmem:s13+$0xBE10]  }
0x84: {  	v8 =	vld [tilespmem:s13+$0x9E20]  }
0x85: {  	v2 =	vadd.bf16 v3, v2;
	v3 =	vld [tilespmem:s13+$0xBE20]  }
0x86: {  	v9 =	vld [tilespmem:s13+$0x9E30]  }
0x87: {  	v10 =	vld [tilespmem:s13+$0xBE30];
	v4 =	vadd.bf16 v5, v4  }
0x88: {  	v11 =	vld [tilespmem:s13+$0x9E40];
	v2 =	vmax.bf16 v2, v0  }
0x89: {  	[tilespmem:s13+$0xDE70] =	vst v2;
	v2 =	vmax.bf16 v4, v0;
	v4 =	vadd.bf16 v7, v6;
	v7 =	vld [tilespmem:s13+$0xBE40]  }
0x8a: {  	v5 =	vld [tilespmem:s13+$0xBE50];
	v3 =	vadd.bf16 v3, v8  }
0x8b: {  	[tilespmem:s13+$0xDE00] =	vst v2;
	v2 =	vld [tilespmem:s13+$0x9E50];
	v4 =	vmax.bf16 v4, v0  }
0x8c: {  	v6 =	vld [tilespmem:s13+$0xBE60];
	v8 =	vadd.bf16 v10, v9;
	[tilespmem:s13+$0xDE10] =	vst v4;
	v4 =	vmax.bf16 v3, v0  }
0x8d: {  	s20 =	simm.s32 $0x80;
	v3 =	vld [tilespmem:s13+$0x9E60];
	[tilespmem:s13+$0xDE20] =	vst v4  }
0x8e: {  	s14 =	simm.s32 $0x400;
	v8 =	vmax.bf16 v8, v0;
	v7 =	vadd.bf16 v7, v11;
	v4 =	vld [tilespmem:s20+$0x9E70]  }
.LBB2_7:
0x8f: {  	p2 =	sne.s32 s14, $0x3E00;
	v9 =	vld [tilespmem:s20+$0xBE70];
	[tilespmem:s13+$0xDE30] =	vst v8  }
0x90: {  	v8 =	vld [tilespmem:s20+$0x9E00];
	v7 =	vmax.bf16 v7, v0;
	v2 =	vadd.bf16 v5, v2  }
0x91: {  	v5 =	vld [tilespmem:s20+$0xBE00];
	[tilespmem:s13+$0xDE40] =	vst v7  }
0x92: {  	v7 =	vld [tilespmem:s20+$0x9E10];
	v2 =	vmax.bf16 v2, v0;
	v3 =	vadd.bf16 v6, v3  }
0x93: {  	v6 =	vld [tilespmem:s20+$0xBE10];
	[tilespmem:s13+$0xDE50] =	vst v2  }
0x94: {  	v2 =	vld [tilespmem:s20+$0x9E20];
	v4 =	vadd.bf16 v9, v4;
	v3 =	vmax.bf16 v3, v0  }
0x95: {  	v9 =	vld [tilespmem:s20+$0xBE20];
	[tilespmem:s13+$0xDE60] =	vst v3;
	s13 =	smov.u32 s20  }
0x96: {  	v3 =	vadd.bf16 v5, v8;
	v8 =	vld [tilespmem:s13+$0x9E30];
	v4 =	vmax.bf16 v4, v0  }
0x97: {  	v10 =	vld [tilespmem:s13+$0xBE30];
	[tilespmem:s13+$0xDE70] =	vst v4  }
0x98: {  	v3 =	vmax.bf16 v3, v0;
	v4 =	vadd.bf16 v6, v7;
	v7 =	vld [tilespmem:s13+$0x9E40]  }
0x99: {  	[tilespmem:s13+$0xDE00] =	vst v3;
	v11 =	vld [tilespmem:s13+$0xBE40]  }
.Ltmp6:
0x9a: {  	v3 =	vmax.bf16 v4, v0;
	v4 =	vadd.bf16 v9, v2;
	v2 =	vld [tilespmem:s13+$0x9E50];
	(pc) =	sbr.rel @p2 .LBB2_7-.Ltmp6, $4  }
0x9b: {  	[tilespmem:s13+$0xDE10] =	vst v3;
	v5 =	vld [tilespmem:s13+$0xBE50]  }
0x9c: {  	v4 =	vmax.bf16 v4, v0;
	v8 =	vadd.bf16 v10, v8;
	v3 =	vld [tilespmem:s13+$0x9E60]  }
0x9d: {  	s20 =	sshra.s32 s14, $0x2;
	[tilespmem:s13+$0xDE20] =	vst v4;
	v6 =	vld [tilespmem:s13+$0xBE60]  }
0x9e: {  	s14 =	sadd.s32 $0x200, s14;
	v4 =	vld [tilespmem:s20+$0x9E70];
	v8 =	vmax.bf16 v8, v0;
	v7 =	vadd.bf16 v11, v7  }
0x9f: {  	v9 =	vld [tilespmem:s20+$0xBE70];
	[tilespmem:s13+$0xDE30] =	vst v8  }
0xa0: {  	v8 =	vld [tilespmem:s20+$0x9E00];
	v7 =	vmax.bf16 v7, v0;
	v2 =	vadd.bf16 v5, v2  }
0xa1: {  	v10 =	vld [tilespmem:s20+$0xBE00];
	[tilespmem:s13+$0xDE40] =	vst v7  }
0xa2: {  	v55 =	vld [tilespmem:s20+$0x9E10];
	v2 =	vmax.bf16 v2, v0;
	v3 =	vadd.bf16 v6, v3  }
0xa3: {  	v7 =	vld [tilespmem:s20+$0xBE10];
	[tilespmem:s13+$0xDE50] =	vst v2  }
0xa4: {  	v2 =	vld [tilespmem:s20+$0x9E20];
	v3 =	vmax.bf16 v3, v0  }
0xa5: {  	v56 =	vld [tilespmem:s20+$0xBE20];
	[tilespmem:s13+$0xDE60] =	vst v3  }
0xa6: {  	v3 =	vld [tilespmem:s20+$0x9E30]  }
0xa7: {  	v57 =	vld [tilespmem:s20+$0xBE30]  }
0xa8: {  	v59 =	vld [tilespmem:s20+$0x9E40]  }
0xa9: {  	v60 =	vld [tilespmem:s20+$0xBE40]  }
0xaa: {  	v61 =	vld [tilespmem:s20+$0x9E50];
	v2 =	vadd.bf16 v56, v2  }
0xab: {  	v62 =	vld [tilespmem:s20+$0xBE50]  }
0xac: {  	v4 =	vadd.bf16 v9, v4;
	v63 =	vld [tilespmem:s20+$0x9E60];
	v2 =	vmax.bf16 v2, v0  }
0xad: {  	v8 =	vadd.bf16 v10, v8;
	[tilespmem:s20+$0xDE20] =	vst v2;
	v2 =	vld [tilespmem:s20+$0xBE60]  }
0xae: {  	v4 =	vmax.bf16 v4, v0;
	v5 =	vadd.bf16 v7, v55  }
0xaf: {  	[tilespmem:s20+$0xDE70] =	vst v4;
	v58 =	vmax.bf16 v8, v0;
	v3 =	vadd.bf16 v57, v3  }
0xb0: {  	p2 =	sne.s32 s11, $0x4E;
	[tilespmem:s20+$0xDE00] =	vst v58;
	v5 =	vmax.bf16 v5, v0;
	v4 =	vadd.bf16 v60, v59  }
.Ltmp7:
0xb1: {  	[tilespmem:s20+$0xDE10] =	vst v5;
	v5 =	vadd.bf16 v62, v61;
	v3 =	vmax.bf16 v3, v0;
	(pc) =	sbr.rel @p2 .LBB2_21-.Ltmp7, $4  }
0xb2: {  	[tilespmem:s20+$0xDE30] =	vst v3;
	v3 =	vmax.bf16 v4, v0;
	v2 =	vadd.bf16 v2, v63  }
0xb3: {  	[tilespmem:s20+$0xDE40] =	vst v3;
	v3 =	vmax.bf16 v5, v0  }
0xb4: {  	[tilespmem:s20+$0xDE50] =	vst v3;
	v2 =	vmax.bf16 v2, v0  }
0xb5: {  	[tilespmem:s20+$0xDE60] =	vst v2  }
0xb6: {  	s13 =	simm.s32 $0x80;
	s14 =	simm.s32 $0x0  }
.LBB2_10:
0xb7: {  	p3 =	seq.s32 s13, $0x2F80;
	[tilespmem:s14+$0xE200] =	vst v0;
	s20 =	smov.u32 s13;
	s13 =	sadd.s32 $0x80, s13  }
.Ltmp8:
0xb8: {  	[tilespmem:s14+$0xE210] =	vst v0;
	(pc) =	sbr.rel @!p3 .LBB2_10-.Ltmp8, $2  }
0xb9: {  	_ =	sdelay $0x2  }
0xba: {  	s14 =	sshra.s32 s20, $0x2  }
0xbb: {  	[tilespmem:s14+$0xE200] =	vst v0  }
0xbc: {  	[tilespmem:s14+$0xE210] =	vst v0  }
0xbd: {  	[spmem:s2] =	stream.indirect.scatter.add.bf16 [tilespmem:s0], [sflag:$0x5], $0x20, s31, s25, $0xb8;
	[tilespmem:$0x182D0] =	vst v63  }
0xbe: {  	v2 =	vld @!p0 [tilespmem:$0x4E00];
	_ =	sdelay $0x6  }
0xbf: {  	v3 =	vimm.f32 @!p0 $1.000000000e+00;
	s13 =	simm.s32 @!p0 $0x15BC0  }
0xc0: {  	[tilespmem:v2+s13+$0x0] =	vst.idx.add.f32.msk @!p0 $0xffff, v3  }
0xc1: {  	v2 =	vld @!p0 [tilespmem:$0x4E10];
	_ =	sdelay $0x3  }
.Ltmp9:
0xc2: {  	_ = 	snop;
	(pc) =	sbr.rel .LBB2_12-.Ltmp9, $3  }
0xc3: {  	_ =	sdelay $0x1  }
0xc4: {  	p4 =	por @!p0 $0x0, $0x0;
	p3 =	por $0x0, $0x0  }
0xc5: {  	p3 =	por @!p0 p4, p4;
	[tilespmem:v2+s13+$0x0] =	vst.idx.add.f32.msk @!p0 $0xffff, v3  }
.LBB2_21:
0xc6: {  	s13 =	sshll.u32 s11, $0x8  }
0xc7: {  	s14 =	sshll.u32 @p0 s11, $0x8;
	s13 =	sand.u32 $0x3FFFFF00, s13  }
0xc8: {  	[spmem:s2] =	stream.indirect.scatter.add.bf16 [tilespmem:s0], [sflag:$0x5], $0x20, s13, s25, $0xb8;
	[tilespmem:$0x182D0] =	vst v63  }
0xc9: {  	s15 =	simm.s32 @p0 $0x80;
	s16 =	simm.s32 @p0 $0x9E00;
	s20 =	sadd.s32 @p0 $0x100, s14  }
0xca: {  	[tilespmem:s16], [sflag:$0x1] =	stream.indirect.gather @p0 [hbm4b:s5+s15], $0x20, s20, s15, $0xb8;
	[tilespmem:$0x182D0] =	vst v63  }
0xcb: {  	s14 =	sadd.s32 @p0 $0x5000, s14;
	s16 =	simm.s32 @p0 $0xBE00  }
0xcc: {  	[tilespmem:s16], [sflag:$0x3] =	stream.indirect.gather @p0 [hbm4b:s7+s15], $0x20, s14, s15, $0xb8;
	[tilespmem:$0x182D0] =	vst v63  }
0xcd: {  	v2 =	vld @!p0 [tilespmem:s13+$0x0];
	_ =	sdelay $0x6  }
0xce: {  	v3 =	vimm.f32 @!p0 $1.000000000e+00;
	s14 =	simm.s32 @!p0 $0x15BC0  }
0xcf: {  	[tilespmem:v2+s14+$0x0] =	vst.idx.add.f32.msk @!p0 $0xffff, v3  }
0xd0: {  	v2 =	vld @!p0 [tilespmem:s13+$0x10];
	_ =	sdelay $0x7  }
0xd1: {  	[tilespmem:v2+s14+$0x0] =	vst.idx.add.f32.msk @!p0 $0xffff, v3  }
0xd2: {  	v2 =	vld @!p0 [tilespmem:s13+$0x20];
	_ =	sdelay $0x7  }
0xd3: {  	[tilespmem:v2+s14+$0x0] =	vst.idx.add.f32.msk @!p0 $0xffff, v3  }
0xd4: {  	v2 =	vld @!p0 [tilespmem:s13+$0x30];
	_ =	sdelay $0x7  }
0xd5: {  	[tilespmem:v2+s14+$0x0] =	vst.idx.add.f32.msk @!p0 $0xffff, v3  }
0xd6: {  	v2 =	vld @!p0 [tilespmem:s13+$0x40];
	_ =	sdelay $0x7  }
0xd7: {  	[tilespmem:v2+s14+$0x0] =	vst.idx.add.f32.msk @!p0 $0xffff, v3  }
0xd8: {  	v2 =	vld @!p0 [tilespmem:s13+$0x50];
	_ =	sdelay $0x7  }
0xd9: {  	[tilespmem:v2+s14+$0x0] =	vst.idx.add.f32.msk @!p0 $0xffff, v3  }
0xda: {  	v2 =	vld @!p0 [tilespmem:s13+$0x60];
	_ =	sdelay $0x7  }
0xdb: {  	[tilespmem:v2+s14+$0x0] =	vst.idx.add.f32.msk @!p0 $0xffff, v3  }
0xdc: {  	v2 =	vld @!p0 [tilespmem:s13+$0x70];
	_ =	sdelay $0x6  }
0xdd: {  	p3 =	por @p0 $0x0, $0x0;
	p4 =	por @!p0 $0x1, $0x1;
	s13 =	sshll.u32 @!p0 s11, $0x8  }
0xde: {  	s15 =	simm.s32 @!p0 $0x80;
	s16 =	simm.s32 @!p0 $0x9E00;
	[tilespmem:v2+s14+$0x0] =	vst.idx.add.f32.msk @!p0 $0xffff, v3;
	s14 =	sadd.s32 @!p0 $0x100, s13  }
0xdf: {  	[tilespmem:s16], [sflag:$0x1] =	stream.indirect.gather @!p0 [hbm4b:s4+s15], $0x20, s14, s15, $0xb8;
	[tilespmem:$0x182D0] =	vst v63  }
0xe0: {  	p3 =	por @!p0 p4, p4;
	s13 =	sadd.s32 @!p0 $0x5000, s13;
	s14 =	simm.s32 @!p0 $0xBE00  }
0xe1: {  	[tilespmem:s14], [sflag:$0x3] =	stream.indirect.gather @!p0 [hbm4b:s6+s15], $0x20, s13, s15, $0xb8;
	[tilespmem:$0x182D0] =	vst v63  }
.LBB2_12:
0xe2: {  	_ =	swait.ge [sflag:s26], $0x1000  }
0xe3: {  	[sflag:s26] =	ssyncset.done $0x0  }
0xe4: {  	[sflag:s26] =	ssyncadd.s32 $0xFFFFF000  }
0xe5: {  	_ =	swait.ge [sflag:s28], $0x1000  }
0xe6: {  	[sflag:s28] =	ssyncset.done $0x0  }
0xe7: {  	s13 =	simm.s32 @!p1 $0x6;
	[sflag:s28] =	ssyncadd.s32 $0xFFFFF000  }
0xe8: {  	_ =	swait.ge @!p1 [sflag:s13], $0x1000  }
0xe9: {  	[sflag:s13] =	ssyncset.done @!p1 $0x0  }
0xea: {  	[sflag:s13] =	ssyncadd.s32 @!p1 $0xFFFFF000;
	s13 =	simm.s32 $0x0  }
0xeb: {  	v2 =	vld [tilespmem:s13+$0xAE70]  }
0xec: {  	v3 =	vld [tilespmem:s13+$0xCE70]  }
0xed: {  	v4 =	vld [tilespmem:s13+$0xAE00]  }
0xee: {  	v5 =	vld [tilespmem:s13+$0xCE00]  }
0xef: {  	v6 =	vld [tilespmem:s13+$0xAE10]  }
0xf0: {  	v7 =	vld [tilespmem:s13+$0xCE10]  }
0xf1: {  	v8 =	vld [tilespmem:s13+$0xAE20]  }
0xf2: {  	v2 =	vadd.bf16 v3, v2;
	v3 =	vld [tilespmem:s13+$0xCE20]  }
0xf3: {  	v9 =	vld [tilespmem:s13+$0xAE30]  }
0xf4: {  	v10 =	vld [tilespmem:s13+$0xCE30];
	v4 =	vadd.bf16 v5, v4  }
0xf5: {  	v11 =	vld [tilespmem:s13+$0xAE40];
	v2 =	vmax.bf16 v2, v0  }
0xf6: {  	[tilespmem:s13+$0xEE70] =	vst v2;
	v2 =	vmax.bf16 v4, v0;
	v4 =	vadd.bf16 v7, v6;
	v7 =	vld [tilespmem:s13+$0xCE40]  }
0xf7: {  	v5 =	vld [tilespmem:s13+$0xCE50];
	v3 =	vadd.bf16 v3, v8  }
0xf8: {  	[tilespmem:s13+$0xEE00] =	vst v2;
	v2 =	vld [tilespmem:s13+$0xAE50];
	v4 =	vmax.bf16 v4, v0  }
0xf9: {  	v6 =	vld [tilespmem:s13+$0xCE60];
	v8 =	vadd.bf16 v10, v9;
	[tilespmem:s13+$0xEE10] =	vst v4;
	v4 =	vmax.bf16 v3, v0  }
0xfa: {  	s20 =	simm.s32 $0x80;
	v3 =	vld [tilespmem:s13+$0xAE60];
	[tilespmem:s13+$0xEE20] =	vst v4  }
0xfb: {  	s14 =	simm.s32 $0x400;
	v8 =	vmax.bf16 v8, v0;
	v7 =	vadd.bf16 v7, v11;
	v4 =	vld [tilespmem:s20+$0xAE70]  }
.LBB2_13:
0xfc: {  	p1 =	sne.s32 s14, $0x3E00;
	v9 =	vld [tilespmem:s20+$0xCE70];
	[tilespmem:s13+$0xEE30] =	vst v8  }
0xfd: {  	v8 =	vld [tilespmem:s20+$0xAE00];
	v7 =	vmax.bf16 v7, v0;
	v2 =	vadd.bf16 v5, v2  }
0xfe: {  	v5 =	vld [tilespmem:s20+$0xCE00];
	[tilespmem:s13+$0xEE40] =	vst v7  }
0xff: {  	v7 =	vld [tilespmem:s20+$0xAE10];
	v2 =	vmax.bf16 v2, v0;
	v3 =	vadd.bf16 v6, v3  }
0x100: {  	v6 =	vld [tilespmem:s20+$0xCE10];
	[tilespmem:s13+$0xEE50] =	vst v2  }
0x101: {  	v2 =	vld [tilespmem:s20+$0xAE20];
	v4 =	vadd.bf16 v9, v4;
	v3 =	vmax.bf16 v3, v0  }
0x102: {  	v9 =	vld [tilespmem:s20+$0xCE20];
	[tilespmem:s13+$0xEE60] =	vst v3;
	s13 =	smov.u32 s20  }
0x103: {  	v3 =	vadd.bf16 v5, v8;
	v8 =	vld [tilespmem:s13+$0xAE30];
	v4 =	vmax.bf16 v4, v0  }
0x104: {  	v10 =	vld [tilespmem:s13+$0xCE30];
	[tilespmem:s13+$0xEE70] =	vst v4  }
0x105: {  	v3 =	vmax.bf16 v3, v0;
	v4 =	vadd.bf16 v6, v7;
	v7 =	vld [tilespmem:s13+$0xAE40]  }
0x106: {  	[tilespmem:s13+$0xEE00] =	vst v3;
	v11 =	vld [tilespmem:s13+$0xCE40]  }
.Ltmp10:
0x107: {  	v3 =	vmax.bf16 v4, v0;
	v4 =	vadd.bf16 v9, v2;
	v2 =	vld [tilespmem:s13+$0xAE50];
	(pc) =	sbr.rel @p1 .LBB2_13-.Ltmp10, $4  }
0x108: {  	[tilespmem:s13+$0xEE10] =	vst v3;
	v5 =	vld [tilespmem:s13+$0xCE50]  }
0x109: {  	v4 =	vmax.bf16 v4, v0;
	v8 =	vadd.bf16 v10, v8;
	v3 =	vld [tilespmem:s13+$0xAE60]  }
0x10a: {  	s20 =	sshra.s32 s14, $0x2;
	[tilespmem:s13+$0xEE20] =	vst v4;
	v6 =	vld [tilespmem:s13+$0xCE60]  }
0x10b: {  	s14 =	sadd.s32 $0x200, s14;
	v4 =	vld [tilespmem:s20+$0xAE70];
	v8 =	vmax.bf16 v8, v0;
	v7 =	vadd.bf16 v11, v7  }
0x10c: {  	v9 =	vld [tilespmem:s20+$0xCE70];
	[tilespmem:s13+$0xEE30] =	vst v8  }
0x10d: {  	v8 =	vld [tilespmem:s20+$0xAE00];
	v7 =	vmax.bf16 v7, v0;
	v2 =	vadd.bf16 v5, v2  }
0x10e: {  	v10 =	vld [tilespmem:s20+$0xCE00];
	[tilespmem:s13+$0xEE40] =	vst v7  }
0x10f: {  	v55 =	vld [tilespmem:s20+$0xAE10];
	v2 =	vmax.bf16 v2, v0;
	v3 =	vadd.bf16 v6, v3  }
0x110: {  	v7 =	vld [tilespmem:s20+$0xCE10];
	[tilespmem:s13+$0xEE50] =	vst v2  }
0x111: {  	v2 =	vld [tilespmem:s20+$0xAE20];
	v3 =	vmax.bf16 v3, v0  }
0x112: {  	v56 =	vld [tilespmem:s20+$0xCE20];
	[tilespmem:s13+$0xEE60] =	vst v3  }
0x113: {  	v3 =	vld [tilespmem:s20+$0xAE30]  }
0x114: {  	v57 =	vld [tilespmem:s20+$0xCE30]  }
0x115: {  	v59 =	vld [tilespmem:s20+$0xAE40]  }
0x116: {  	v60 =	vld [tilespmem:s20+$0xCE40]  }
0x117: {  	v61 =	vld [tilespmem:s20+$0xAE50];
	v2 =	vadd.bf16 v56, v2  }
0x118: {  	v62 =	vld [tilespmem:s20+$0xCE50]  }
0x119: {  	v4 =	vadd.bf16 v9, v4;
	v63 =	vld [tilespmem:s20+$0xAE60];
	v2 =	vmax.bf16 v2, v0  }
0x11a: {  	v8 =	vadd.bf16 v10, v8;
	[tilespmem:s20+$0xEE20] =	vst v2;
	v2 =	vld [tilespmem:s20+$0xCE60]  }
0x11b: {  	v4 =	vmax.bf16 v4, v0;
	v5 =	vadd.bf16 v7, v55  }
0x11c: {  	[tilespmem:s20+$0xEE70] =	vst v4;
	v58 =	vmax.bf16 v8, v0;
	v3 =	vadd.bf16 v57, v3  }
0x11d: {  	[tilespmem:s20+$0xEE00] =	vst v58;
	v5 =	vmax.bf16 v5, v0;
	v4 =	vadd.bf16 v60, v59  }
.Ltmp11:
0x11e: {  	[tilespmem:s20+$0xEE10] =	vst v5;
	v5 =	vadd.bf16 v62, v61;
	v3 =	vmax.bf16 v3, v0;
	(pc) =	sbr.rel @p2 .LBB2_18-.Ltmp11, $4  }
0x11f: {  	[tilespmem:s20+$0xEE30] =	vst v3;
	v3 =	vmax.bf16 v4, v0;
	v2 =	vadd.bf16 v2, v63  }
0x120: {  	[tilespmem:s20+$0xEE40] =	vst v3;
	v3 =	vmax.bf16 v5, v0  }
0x121: {  	[tilespmem:s20+$0xEE50] =	vst v3;
	v2 =	vmax.bf16 v2, v0  }
0x122: {  	[tilespmem:s20+$0xEE60] =	vst v2  }
0x123: {  	s13 =	simm.s32 $0x80;
	s14 =	simm.s32 $0x0  }
.LBB2_16:
0x124: {  	p1 =	sne.s32 s13, $0x3F80;
	[tilespmem:s14+$0xEE00] =	vst v0;
	s15 =	smov.u32 s13;
	s13 =	sadd.s32 $0x80, s13  }
.Ltmp12:
0x125: {  	[tilespmem:s14+$0xEE10] =	vst v0;
	(pc) =	sbr.rel @p1 .LBB2_16-.Ltmp12, $2  }
0x126: {  	_ =	sdelay $0x2  }
0x127: {  	s14 =	sshra.s32 s15, $0x2  }
.Ltmp13:
0x128: {  	(pc) =	sbr.rel .LBB2_18-.Ltmp13, $3  }
0x129: {  	_ =	sdelay $0x1  }
0x12a: {  	[tilespmem:s14+$0xEE00] =	vst v0  }
0x12b: {  	[tilespmem:s14+$0xEE10] =	vst v0  }
.LBB2_20:
0x12c: {  	_ =	sfence.sel $0x180000  }
0x12d: {  	[bflag:$0x0] =	sbarrier.arrive $0xFFFF  }
0x12e: {  	_ =	strace $0x90000047  }
0x12f: {  	s0 =	stileid.u32;
	[bflag:$0x2] =	sbarrier.arrive $0xFFFF  }
0x130: {  	p0 =	sne.s32 s0, $0x0;
	s0 =	rddreg [dreg:$0x2]  }
0x131: {  	s0 =	sadd.s32 @!p0 $0x100000, s0  }
0x132: {  	[sflag:s0] =	ssyncadd.tile.s32 @!p0 $0x1;
	_ =	shalt  }
.Lfunc_end2:
_tile_overlayer_lowered:
.L_overlay_start_2:
0x133: {  	(tag) =	ssettag $0x2  }
0x134: {  	s0 =	rddreg [dreg:$0x0];
	s2 =	stileid.u32  }
0x135: {  	s1 =	rddreg [dreg:$0x1];
	p0 =	sne.s32 s2, $0x0  }
0x136: {  	s3 =	rddreg [dreg:$0x2];
	[bflag:$0x3] =	sbarrier.arrive $0xFFFF;
	s2 =	simm.s32 @!p0 $0x1C07  }
0x137: {  	[timem:s3], [sflag:s2] =	dma.local @!p0 [hbm:s0], s1  }
0x138: {  	s0 =	simm.s32 @!p0 $0x7  }
0x139: {  	_ =	swait.ge @!p0 [sflag:s0], s1  }
0x13a: {  	s1 =	ssub.s32 @!p0 $0x0, s1;
	[sflag:s0] =	ssyncset.done @!p0 $0x0  }
0x13b: {  	[sflag:s0] =	ssyncadd.s32 @!p0 s1  }
0x13c: {  	[bflag:$0x3] =	sbarrier.arrive $0xFFFF  }
0x13d: {  	_ =	shalt  }

</sc_bundles>
